<compile_context>
chip_gen: v7x
topology: tpu7x:2x2x1
jax: 0.10.2.dev20260603
libtpu: 0.0.44.dev20260713+nightly
codegen_flags: <defaults>
</compile_context>

<pallas_src>
import functools

import jax
import jax.numpy as jnp
from jax import lax
from jax.experimental import pallas as pl
from jax.experimental.pallas import tpu as pltpu
from jax.experimental.pallas import tpu_sc as plsc

B = 4096
IN = 1024
VOCAB = 2000
EMB = 300
TOPK = 5

VOCABP = 2048
BM = 512
GM = 400
RB = 8
OROWS = RB * TOPK
NSTEPS = B // RB
NTILES = 32
STEPS_PER_TILE = NSTEPS // NTILES

_NEG = float("-inf")


def _head_body(x_ref, wg_ref, bg_ref, wf_ref, bf_ref,
               logits_ref, idx_ref, xw_ref):
    xb = x_ref[...]
    logits = (
        jnp.dot(xb, wg_ref[...], preferred_element_type=jnp.float32)
        + bg_ref[...]
    )
    logits_ref[...] = logits
    xw_ref[...] = (
        jnp.dot(xb, wf_ref[...], preferred_element_type=jnp.float32)
        + bf_ref[...]
    )
    col = lax.broadcasted_iota(jnp.int32, (BM, VOCAB), 1)
    l = logits
    cols = []
    for t in range(TOPK):
        m = jnp.max(l, axis=1, keepdims=True)
        a = jnp.min(jnp.where(l >= m, col, VOCAB), axis=1, keepdims=True)
        cols.append(a)
        if t + 1 < TOPK:
            l = jnp.where(col == a, _NEG, l)
    idx_ref[...] = jnp.concatenate(cols, axis=1)


def _table_body(we_ref, wm_ref, bm_ref, wf_ref, g_ref, k_scr):
    k_scr[...] = (
        jnp.dot(we_ref[...], wm_ref[...], preferred_element_type=jnp.float32)
        + bm_ref[...]
    )
    g_ref[...] = jnp.dot(k_scr[...], wf_ref[...],
                         preferred_element_type=jnp.float32)


def _sc_fuse_body(g_hbm, idx_hbm, oidx_hbm, xw_hbm, out_hbm,
                  ibuf, obuf_i, xbuf, gbuf):
    wid = lax.axis_index("s") * 2 + lax.axis_index("c")

    @pl.loop(0, STEPS_PER_TILE)
    def _(s):
        step = wid * STEPS_PER_TILE + s
        pltpu.sync_copy(idx_hbm.at[step], ibuf)
        pltpu.sync_copy(oidx_hbm.at[step], obuf_i)
        pltpu.sync_copy(xw_hbm.at[pl.ds(step * RB, RB)], xbuf)
        pltpu.sync_copy(g_hbm.at[ibuf.at[0]], gbuf)

        @pl.loop(0, VOCAB // 16, unroll=5)
        def _(c):
            for br in range(RB):
                v = xbuf[br, pl.ds(c * 16, 16)]
                for t in range(TOPK):
                    plsc.addupdate(gbuf.at[TOPK * br + t, pl.ds(c * 16, 16)], v)

        pltpu.sync_copy(gbuf, out_hbm.at[obuf_i.at[0]])


@functools.cache
def _sc_fuse():
    mesh = plsc.VectorSubcoreMesh(core_axis_name="c", subcore_axis_name="s")
    return pl.kernel(
        _sc_fuse_body,
        out_type=jax.ShapeDtypeStruct((B * 8, VOCABP), jnp.float32),
        mesh=mesh,
        scratch_types=[
            pltpu.VMEM((1, OROWS), jnp.int32),
            pltpu.VMEM((1, OROWS), jnp.int32),
            pltpu.VMEM((RB, VOCABP), jnp.float32),
            pltpu.VMEM((OROWS, VOCABP), jnp.float32),
        ],
    )


def _tc_head(x, wg_t, bg, wf_t, bf):
    return pl.pallas_call(
        _head_body,
        grid=(B // BM,),
        in_specs=[
            pl.BlockSpec((BM, IN), lambda i: (i, 0)),
            pl.BlockSpec((IN, VOCAB), lambda i: (0, 0)),
            pl.BlockSpec((1, VOCAB), lambda i: (0, 0)),
            pl.BlockSpec((IN, VOCABP), lambda i: (0, 0)),
            pl.BlockSpec((1, VOCABP), lambda i: (0, 0)),
        ],
        out_specs=[
            pl.BlockSpec((BM, VOCAB), lambda i: (i, 0)),
            pl.BlockSpec((BM, TOPK), lambda i: (i, 0)),
            pl.BlockSpec((BM, VOCABP), lambda i: (i, 0)),
        ],
        out_shape=[
            jax.ShapeDtypeStruct((B, VOCAB), jnp.float32),
            jax.ShapeDtypeStruct((B, TOPK), jnp.int32),
            jax.ShapeDtypeStruct((B, VOCABP), jnp.float32),
        ],
        compiler_params=pltpu.CompilerParams(
            dimension_semantics=("arbitrary",),
        ),
    )(x, wg_t, bg, wf_t, bf)


def _tc_table(we, wm_t, bm, wf_t):
    return pl.pallas_call(
        _table_body,
        grid=(VOCAB // GM,),
        in_specs=[
            pl.BlockSpec((GM, EMB), lambda i: (i, 0)),
            pl.BlockSpec((EMB, IN), lambda i: (0, 0)),
            pl.BlockSpec((1, IN), lambda i: (0, 0)),
            pl.BlockSpec((IN, VOCABP), lambda i: (0, 0)),
        ],
        out_specs=pl.BlockSpec((GM, VOCABP), lambda i: (i, 0)),
        out_shape=jax.ShapeDtypeStruct((VOCAB, VOCABP), jnp.float32),
        scratch_shapes=[pltpu.VMEM((GM, IN), jnp.float32)],
        compiler_params=pltpu.CompilerParams(
            dimension_semantics=("arbitrary",),
        ),
    )(we, wm_t, bm, wf_t)


def kernel(x, word_embedding, W_gloss, b_gloss, W_mapper, b_mapper,
           W_fused, b_fused):
    wg_t = W_gloss.T
    wf_t = jnp.pad(W_fused.T, ((0, 0), (0, VOCABP - VOCAB)))
    wm_t = W_mapper.T
    bg = b_gloss.reshape(1, VOCAB)
    bf = jnp.pad(b_fused, (0, VOCABP - VOCAB)).reshape(1, VOCABP)
    bm = b_mapper.reshape(1, IN)

    logits, idx, xw = _tc_head(x, wg_t, bg, wf_t, bf)
    g = _tc_table(word_embedding, wm_t, bm, wf_t)
    r = jnp.arange(B * TOPK, dtype=jnp.int32)
    oidx = (8 * (r // TOPK) + r % TOPK).reshape(NSTEPS, 1, OROWS)
    out2 = _sc_fuse()(g, idx.reshape(NSTEPS, 1, OROWS), oidx, xw)
    fused = out2.reshape(B, 8, VOCABP)[:, :TOPK, :VOCAB]
    return (logits, fused, idx.reshape(-1))

# --- scband reference (transcript-rebuilt; emitter-appended) ---
"""Pipeline reference for scband-sep-conv-head-48395691491594 (READ-ONLY COPY).

The authoritative reference and input builder live on the scoring server;
editing this copy changes nothing except your own understanding.
"""

import jax, jax.numpy as jnp
import numpy as np

B = 4096
IN = 1024
VOCAB = 2000
EMB = 300
TOPK = 5


def _uniform(key, shape, fan_in):
    s = 1.0 / np.sqrt(fan_in)
    return jax.random.uniform(key, shape, minval=-s, maxval=s, dtype=jnp.float32)


def setup_inputs(seed: int = 0) -> dict:
    key = jax.random.key(seed)
    ks = jax.random.split(key, 8)
    x = jax.random.normal(ks[0], (B, IN), dtype=jnp.float32)
    word_embedding = jax.random.normal(ks[1], (VOCAB, EMB), dtype=jnp.float32)
    W_gloss = _uniform(ks[2], (VOCAB, IN), IN)
    b_gloss = _uniform(ks[3], (VOCAB,), IN)
    W_mapper = _uniform(ks[4], (IN, EMB), EMB)
    b_mapper = _uniform(ks[5], (IN,), EMB)
    W_fused = _uniform(ks[6], (VOCAB, IN), IN)
    b_fused = _uniform(ks[7], (VOCAB,), IN)
    return {
        "x": x,
        "word_embedding": word_embedding,
        "W_gloss": W_gloss,
        "b_gloss": b_gloss,
        "W_mapper": W_mapper,
        "b_mapper": b_mapper,
        "W_fused": W_fused,
        "b_fused": b_fused,
    }


def reference(x, word_embedding, W_gloss, b_gloss, W_mapper, b_mapper, W_fused, b_fused):
    # eval-mode path of SepConvHead.forward (labels=None)
    logits = x @ W_gloss.T + b_gloss  # [B, 2000]
    # argsort descending, take top-k indices, flatten
    topk_idx = jnp.argsort(-logits, axis=1)[:, :TOPK].reshape(-1)  # [B*TOPK]
    # k = word_emb_mapper(word_embedding): [2000, 1024]
    k = word_embedding @ W_mapper.T + b_mapper
    # gather selected word embeddings
    word_embs = jnp.take(k, topk_idx, axis=0).reshape(B, -1, IN)  # [B, TOPK, 1024]
    fused_feature = x[:, None, :] + word_embs  # [B, TOPK, 1024]
    word_fused_gloss_logits = fused_feature @ W_fused.T + b_fused  # [B, TOPK, 2000]
    return (logits, word_fused_gloss_logits, topk_idx)

if __name__ == "__main__":
    import jax
    _d = setup_inputs()
    print(jax.jit(kernel)(*tuple(_d.values())))

</pallas_src>

<mosaic_0001>
#map = affine_map<(d0, d1) -> (0, 0)>
#map1 = affine_map<(d0, d1) -> (0, 0, 0)>
module attributes {stable_mosaic.version = 14 : i64} {
  func.func @_sc_fuse_body(%arg0: i32, %arg1: i32, %arg2: memref<2000x2048xf32, #tpu.memory_space<hbm>>, %arg3: memref<512x1x40xi32, #tpu.memory_space<hbm>>, %arg4: memref<512x1x40xi32, #tpu.memory_space<hbm>>, %arg5: memref<4096x2048xf32, #tpu.memory_space<hbm>>, %arg6: memref<32768x2048xf32, #tpu.memory_space<hbm>>, %arg7: memref<1x40xi32, #tpu.memory_space<vmem>>, %arg8: memref<1x40xi32, #tpu.memory_space<vmem>>, %arg9: memref<8x2048xf32, #tpu.memory_space<vmem>>, %arg10: memref<40x2048xf32, #tpu.memory_space<vmem>>) attributes {dimension_semantics = [#tpu.dimension_semantics<core_parallel>, #tpu.dimension_semantics<subcore_parallel>], iteration_bounds = array<i64: 2, 16>, scalar_prefetch = 0 : i64, scratch_operands = 4 : i64, tpu.core_type = #tpu.core_type<sc_vector_subcore>, window_params = [{transform_indices = #map}, {transform_indices = #map1}, {transform_indices = #map1}, {transform_indices = #map}, {transform_indices = #map}]} {
    %mul3A = arith.constant 2 : i32
    %mul3A_0 = arith.muli %arg1, %mul3A : i32
    %add3A = arith.addi %mul3A_0, %arg0 : i32
    %scan3A = arith.constant 0 : i32
    %scan3A_1 = arith.constant 16 : i32
    %scan3A_2 = arith.addi %scan3A, %scan3A_1 : i32
    %scan3A_3 = arith.constant 1 : i32
    scf.for %scan3A_5 = %scan3A to %scan3A_2 step %scan3A_3  : i32 {
      %mul3A_6 = arith.constant 1 : i32
      %mul3A_7 = arith.muli %scan3A_5, %mul3A_6 : i32
      %add3A_8 = arith.constant 0 : i32
      %add3A_9 = arith.addi %add3A_8, %mul3A_7 : i32
      %mul3A_10 = arith.constant 16 : i32
      %mul3A_11 = arith.muli %add3A, %mul3A_10 : i32
      %add3A_12 = arith.addi %mul3A_11, %add3A_9 : i32
      "tpu.region"() ({
        %run_scoped3A_21 = tpu.sem_alloc : memref<!tpu.dma_semaphore, #tpu.memory_space<semaphore_mem>>
        %dma_start3A = arith.constant 0 : i32
        %dma_start3A_22 = arith.constant 0 : i32
        %dma_start3A_23 = tpu.memref_slice %arg3[%add3A_12, %dma_start3A, %dma_start3A_22] : memref<512x1x40xi32, #tpu.memory_space<hbm>> -> memref<1x1x40xi32, #tpu.memory_space<hbm>>
        %dma_start3A_24 = tpu.memref_squeeze %dma_start3A_23 : memref<1x1x40xi32, #tpu.memory_space<hbm>> -> memref<1x40xi32, #tpu.memory_space<hbm>>
        %dma_start3A_25 = arith.constant 0 : i32
        %dma_start3A_26 = arith.constant 0 : i32
        %dma_start3A_27 = tpu.memref_slice %arg3[%add3A_12, %dma_start3A_25, %dma_start3A_26] : memref<512x1x40xi32, #tpu.memory_space<hbm>> -> memref<1x1x40xi32, #tpu.memory_space<hbm>>
        %dma_start3A_28 = tpu.memref_squeeze %dma_start3A_27 : memref<1x1x40xi32, #tpu.memory_space<hbm>> -> memref<1x40xi32, #tpu.memory_space<hbm>>
        tpu.enqueue_dma source(%dma_start3A_28 : memref<1x40xi32, #tpu.memory_space<hbm>>) target(%arg7 : memref<1x40xi32, #tpu.memory_space<vmem>>) target_semaphore(%run_scoped3A_21 : memref<!tpu.dma_semaphore, #tpu.memory_space<semaphore_mem>>)
        %dma_wait3A = arith.constant 0 : i32
        %dma_wait3A_29 = arith.constant 0 : i32
        %dma_wait3A_30 = tpu.memref_slice %arg3[%add3A_12, %dma_wait3A, %dma_wait3A_29] : memref<512x1x40xi32, #tpu.memory_space<hbm>> -> memref<1x1x40xi32, #tpu.memory_space<hbm>>
        %dma_wait3A_31 = tpu.memref_squeeze %dma_wait3A_30 : memref<1x1x40xi32, #tpu.memory_space<hbm>> -> memref<1x40xi32, #tpu.memory_space<hbm>>
        %dma_wait3A_32 = arith.constant 0 : i32
        %dma_wait3A_33 = arith.constant 0 : i32
        %dma_wait3A_34 = tpu.memref_slice %arg3[%add3A_12, %dma_wait3A_32, %dma_wait3A_33] : memref<512x1x40xi32, #tpu.memory_space<hbm>> -> memref<1x1x40xi32, #tpu.memory_space<hbm>>
        %dma_wait3A_35 = tpu.memref_squeeze %dma_wait3A_34 : memref<1x1x40xi32, #tpu.memory_space<hbm>> -> memref<1x40xi32, #tpu.memory_space<hbm>>
        tpu.wait_dma2 semaphore(%run_scoped3A_21 : memref<!tpu.dma_semaphore, #tpu.memory_space<semaphore_mem>>) src(%dma_wait3A_35 : memref<1x40xi32, #tpu.memory_space<hbm>>) dst(%arg7 : memref<1x40xi32, #tpu.memory_space<vmem>>)
        tpu.yield
      }) : () -> ()
      "tpu.region"() ({
        %run_scoped3A_21 = tpu.sem_alloc : memref<!tpu.dma_semaphore, #tpu.memory_space<semaphore_mem>>
        %dma_start3A = arith.constant 0 : i32
        %dma_start3A_22 = arith.constant 0 : i32
        %dma_start3A_23 = tpu.memref_slice %arg4[%add3A_12, %dma_start3A, %dma_start3A_22] : memref<512x1x40xi32, #tpu.memory_space<hbm>> -> memref<1x1x40xi32, #tpu.memory_space<hbm>>
        %dma_start3A_24 = tpu.memref_squeeze %dma_start3A_23 : memref<1x1x40xi32, #tpu.memory_space<hbm>> -> memref<1x40xi32, #tpu.memory_space<hbm>>
        %dma_start3A_25 = arith.constant 0 : i32
        %dma_start3A_26 = arith.constant 0 : i32
        %dma_start3A_27 = tpu.memref_slice %arg4[%add3A_12, %dma_start3A_25, %dma_start3A_26] : memref<512x1x40xi32, #tpu.memory_space<hbm>> -> memref<1x1x40xi32, #tpu.memory_space<hbm>>
        %dma_start3A_28 = tpu.memref_squeeze %dma_start3A_27 : memref<1x1x40xi32, #tpu.memory_space<hbm>> -> memref<1x40xi32, #tpu.memory_space<hbm>>
        tpu.enqueue_dma source(%dma_start3A_28 : memref<1x40xi32, #tpu.memory_space<hbm>>) target(%arg8 : memref<1x40xi32, #tpu.memory_space<vmem>>) target_semaphore(%run_scoped3A_21 : memref<!tpu.dma_semaphore, #tpu.memory_space<semaphore_mem>>)
        %dma_wait3A = arith.constant 0 : i32
        %dma_wait3A_29 = arith.constant 0 : i32
        %dma_wait3A_30 = tpu.memref_slice %arg4[%add3A_12, %dma_wait3A, %dma_wait3A_29] : memref<512x1x40xi32, #tpu.memory_space<hbm>> -> memref<1x1x40xi32, #tpu.memory_space<hbm>>
        %dma_wait3A_31 = tpu.memref_squeeze %dma_wait3A_30 : memref<1x1x40xi32, #tpu.memory_space<hbm>> -> memref<1x40xi32, #tpu.memory_space<hbm>>
        %dma_wait3A_32 = arith.constant 0 : i32
        %dma_wait3A_33 = arith.constant 0 : i32
        %dma_wait3A_34 = tpu.memref_slice %arg4[%add3A_12, %dma_wait3A_32, %dma_wait3A_33] : memref<512x1x40xi32, #tpu.memory_space<hbm>> -> memref<1x1x40xi32, #tpu.memory_space<hbm>>
        %dma_wait3A_35 = tpu.memref_squeeze %dma_wait3A_34 : memref<1x1x40xi32, #tpu.memory_space<hbm>> -> memref<1x40xi32, #tpu.memory_space<hbm>>
        tpu.wait_dma2 semaphore(%run_scoped3A_21 : memref<!tpu.dma_semaphore, #tpu.memory_space<semaphore_mem>>) src(%dma_wait3A_35 : memref<1x40xi32, #tpu.memory_space<hbm>>) dst(%arg8 : memref<1x40xi32, #tpu.memory_space<vmem>>)
        tpu.yield
      }) : () -> ()
      %mul3A_13 = arith.constant 8 : i32
      %mul3A_14 = arith.muli %add3A_12, %mul3A_13 : i32
      "tpu.region"() ({
        %run_scoped3A_21 = tpu.sem_alloc : memref<!tpu.dma_semaphore, #tpu.memory_space<semaphore_mem>>
        %dma_start3A = arith.constant 0 : i32
        %dma_start3A_22 = tpu.memref_slice %arg5[%mul3A_14, %dma_start3A] : memref<4096x2048xf32, #tpu.memory_space<hbm>> -> memref<8x2048xf32, #tpu.memory_space<hbm>>
        %dma_start3A_23 = arith.constant 0 : i32
        %dma_start3A_24 = tpu.memref_slice %arg5[%mul3A_14, %dma_start3A_23] : memref<4096x2048xf32, #tpu.memory_space<hbm>> -> memref<8x2048xf32, #tpu.memory_space<hbm>>
        tpu.enqueue_dma source(%dma_start3A_24 : memref<8x2048xf32, #tpu.memory_space<hbm>>) target(%arg9 : memref<8x2048xf32, #tpu.memory_space<vmem>>) target_semaphore(%run_scoped3A_21 : memref<!tpu.dma_semaphore, #tpu.memory_space<semaphore_mem>>)
        %dma_wait3A = arith.constant 0 : i32
        %dma_wait3A_25 = tpu.memref_slice %arg5[%mul3A_14, %dma_wait3A] : memref<4096x2048xf32, #tpu.memory_space<hbm>> -> memref<8x2048xf32, #tpu.memory_space<hbm>>
        %dma_wait3A_26 = arith.constant 0 : i32
        %dma_wait3A_27 = tpu.memref_slice %arg5[%mul3A_14, %dma_wait3A_26] : memref<4096x2048xf32, #tpu.memory_space<hbm>> -> memref<8x2048xf32, #tpu.memory_space<hbm>>
        tpu.wait_dma2 semaphore(%run_scoped3A_21 : memref<!tpu.dma_semaphore, #tpu.memory_space<semaphore_mem>>) src(%dma_wait3A_27 : memref<8x2048xf32, #tpu.memory_space<hbm>>) dst(%arg9 : memref<8x2048xf32, #tpu.memory_space<vmem>>)
        tpu.yield
      }) : () -> ()
      %run_scoped3A = arith.constant 0 : i32
      "tpu.region"() ({
        %run_scoped3A_21 = tpu.sem_alloc : memref<!tpu.dma_semaphore, #tpu.memory_space<semaphore_mem>>
        %dma_start3A = arith.constant 0 : i32
        %dma_start3A_22 = tpu.memref_slice %arg7[%run_scoped3A, %dma_start3A] : memref<1x40xi32, #tpu.memory_space<vmem>> -> memref<1x40xi32, #tpu.memory_space<vmem>>
        %dma_start3A_23 = tpu.memref_squeeze %dma_start3A_22 : memref<1x40xi32, #tpu.memory_space<vmem>> -> memref<40xi32, #tpu.memory_space<vmem>>
        %dma_start3A_24 = arith.constant 0 : i32
        %dma_start3A_25 = arith.constant 0 : i32
        %dma_start3A_26 = tpu.memref_slice %arg2[%dma_start3A_24, %dma_start3A_25] : memref<2000x2048xf32, #tpu.memory_space<hbm>> -> memref<2000x2048xf32, #tpu.memory_space<hbm>>
        tpu.enqueue_indirect_dma source(%dma_start3A_26 : memref<2000x2048xf32, #tpu.memory_space<hbm>>) target(%arg10 : memref<40x2048xf32, #tpu.memory_space<vmem>>) offsets(%dma_start3A_23 : memref<40xi32, #tpu.memory_space<vmem>>) semaphore(%run_scoped3A_21 : memref<!tpu.dma_semaphore, #tpu.memory_space<semaphore_mem>>)
        %dma_wait3A = arith.constant 0 : i32
        %dma_wait3A_27 = tpu.memref_slice %arg7[%run_scoped3A, %dma_wait3A] : memref<1x40xi32, #tpu.memory_space<vmem>> -> memref<1x40xi32, #tpu.memory_space<vmem>>
        %dma_wait3A_28 = tpu.memref_squeeze %dma_wait3A_27 : memref<1x40xi32, #tpu.memory_space<vmem>> -> memref<40xi32, #tpu.memory_space<vmem>>
        %dma_wait3A_29 = arith.constant 0 : i32
        %dma_wait3A_30 = arith.constant 0 : i32
        %dma_wait3A_31 = tpu.memref_slice %arg2[%dma_wait3A_29, %dma_wait3A_30] : memref<2000x2048xf32, #tpu.memory_space<hbm>> -> memref<2000x2048xf32, #tpu.memory_space<hbm>>
        tpu.wait_indirect_dma semaphore(%run_scoped3A_21 : memref<!tpu.dma_semaphore, #tpu.memory_space<semaphore_mem>>) src(%dma_wait3A_31 : memref<2000x2048xf32, #tpu.memory_space<hbm>>) dst(%arg10 : memref<40x2048xf32, #tpu.memory_space<vmem>>)
        tpu.yield
      }) : () -> ()
      %scan3A_15 = arith.constant 0 : i32
      %scan3A_16 = arith.constant 125 : i32
      %scan3A_17 = arith.addi %scan3A_15, %scan3A_16 : i32
      %scan3A_18 = arith.constant 5 : i32
      scf.for %scan3A_21 = %scan3A_15 to %scan3A_17 step %scan3A_18  : i32 {
        %mul3A_22 = arith.constant 1 : i32
        %mul3A_23 = arith.muli %scan3A_21, %mul3A_22 : i32
        %add3A_24 = arith.constant 0 : i32
        %add3A_25 = arith.addi %add3A_24, %mul3A_23 : i32
        %mul3A_26 = arith.constant 16 : i32
        %mul3A_27 = arith.muli %add3A_25, %mul3A_26 : i32
        %get3A = arith.constant 0 : i32
        %get3A_28 = arith.index_cast %get3A : i32 to index
        %get3A_29 = arith.index_cast %mul3A_27 : i32 to index
        %get3A_30 = tpu.vector_load %arg9[%get3A_28, %get3A_29] {strides = array<i32>} : memref<8x2048xf32, #tpu.memory_space<vmem>>, vector<1x16xf32>,
        %get3A_31 = vector.shape_cast %get3A_30 : vector<1x16xf32> to vector<16xf32>
        %mul3A_32 = arith.constant 16 : i32
        %mul3A_33 = arith.muli %add3A_25, %mul3A_32 : i32
        %swap3A = arith.constant 0 : i32
        %swap3A_34 = arith.index_cast %swap3A : i32 to index
        %swap3A_35 = arith.index_cast %mul3A_33 : i32 to index
        %swap3A_36 = tpu.vector_load %arg10[%swap3A_34, %swap3A_35] {strides = array<i32>} : memref<40x2048xf32, #tpu.memory_space<vmem>>, vector<1x16xf32>,
        %swap3A_37 = vector.shape_cast %swap3A_36 : vector<1x16xf32> to vector<16xf32>
        %swap3A_38 = vector.shape_cast %get3A_31 : vector<16xf32> to vector<1x16xf32>
        tpu.vector_store %arg10[%swap3A_34, %swap3A_35], %swap3A_38 {add = true, strides = array<i32>} : memref<40x2048xf32, #tpu.memory_space<vmem>>, vector<1x16xf32>,
        %mul3A_39 = arith.constant 16 : i32
        %mul3A_40 = arith.muli %add3A_25, %mul3A_39 : i32
        %swap3A_41 = arith.constant 1 : i32
        %swap3A_42 = arith.index_cast %swap3A_41 : i32 to index
        %swap3A_43 = arith.index_cast %mul3A_40 : i32 to index
        %swap3A_44 = tpu.vector_load %arg10[%swap3A_42, %swap3A_43] {strides = array<i32>} : memref<40x2048xf32, #tpu.memory_space<vmem>>, vector<1x16xf32>,
        %swap3A_45 = vector.shape_cast %swap3A_44 : vector<1x16xf32> to vector<16xf32>
        %swap3A_46 = vector.shape_cast %get3A_31 : vector<16xf32> to vector<1x16xf32>
        tpu.vector_store %arg10[%swap3A_42, %swap3A_43], %swap3A_46 {add = true, strides = array<i32>} : memref<40x2048xf32, #tpu.memory_space<vmem>>, vector<1x16xf32>,
        %mul3A_47 = arith.constant 16 : i32
        %mul3A_48 = arith.muli %add3A_25, %mul3A_47 : i32
        %swap3A_49 = arith.constant 2 : i32
        %swap3A_50 = arith.index_cast %swap3A_49 : i32 to index
        %swap3A_51 = arith.index_cast %mul3A_48 : i32 to index
        %swap3A_52 = tpu.vector_load %arg10[%swap3A_50, %swap3A_51] {strides = array<i32>} : memref<40x2048xf32, #tpu.memory_space<vmem>>, vector<1x16xf32>,
        %swap3A_53 = vector.shape_cast %swap3A_52 : vector<1x16xf32> to vector<16xf32>
        %swap3A_54 = vector.shape_cast %get3A_31 : vector<16xf32> to vector<1x16xf32>
        tpu.vector_store %arg10[%swap3A_50, %swap3A_51], %swap3A_54 {add = true, strides = array<i32>} : memref<40x2048xf32, #tpu.memory_space<vmem>>, vector<1x16xf32>,
        %mul3A_55 = arith.constant 16 : i32
        %mul3A_56 = arith.muli %add3A_25, %mul3A_55 : i32
        %swap3A_57 = arith.constant 3 : i32
        %swap3A_58 = arith.index_cast %swap3A_57 : i32 to index
        %swap3A_59 = arith.index_cast %mul3A_56 : i32 to index
        %swap3A_60 = tpu.vector_load %arg10[%swap3A_58, %swap3A_59] {strides = array<i32>} : memref<40x2048xf32, #tpu.memory_space<vmem>>, vector<1x16xf32>,
        %swap3A_61 = vector.shape_cast %swap3A_60 : vector<1x16xf32> to vector<16xf32>
        %swap3A_62 = vector.shape_cast %get3A_31 : vector<16xf32> to vector<1x16xf32>
        tpu.vector_store %arg10[%swap3A_58, %swap3A_59], %swap3A_62 {add = true, strides = array<i32>} : memref<40x2048xf32, #tpu.memory_space<vmem>>, vector<1x16xf32>,
        %mul3A_63 = arith.constant 16 : i32
        %mul3A_64 = arith.muli %add3A_25, %mul3A_63 : i32
        %swap3A_65 = arith.constant 4 : i32
        %swap3A_66 = arith.index_cast %swap3A_65 : i32 to index
        %swap3A_67 = arith.index_cast %mul3A_64 : i32 to index
        %swap3A_68 = tpu.vector_load %arg10[%swap3A_66, %swap3A_67] {strides = array<i32>} : memref<40x2048xf32, #tpu.memory_space<vmem>>, vector<1x16xf32>,
        %swap3A_69 = vector.shape_cast %swap3A_68 : vector<1x16xf32> to vector<16xf32>
        %swap3A_70 = vector.shape_cast %get3A_31 : vector<16xf32> to vector<1x16xf32>
        tpu.vector_store %arg10[%swap3A_66, %swap3A_67], %swap3A_70 {add = true, strides = array<i32>} : memref<40x2048xf32, #tpu.memory_space<vmem>>, vector<1x16xf32>,
        %mul3A_71 = arith.constant 16 : i32
        %mul3A_72 = arith.muli %add3A_25, %mul3A_71 : i32
        %get3A_73 = arith.constant 1 : i32
        %get3A_74 = arith.index_cast %get3A_73 : i32 to index
        %get3A_75 = arith.index_cast %mul3A_72 : i32 to index
        %get3A_76 = tpu.vector_load %arg9[%get3A_74, %get3A_75] {strides = array<i32>} : memref<8x2048xf32, #tpu.memory_space<vmem>>, vector<1x16xf32>,
        %get3A_77 = vector.shape_cast %get3A_76 : vector<1x16xf32> to vector<16xf32>
        %mul3A_78 = arith.constant 16 : i32
        %mul3A_79 = arith.muli %add3A_25, %mul3A_78 : i32
        %swap3A_80 = arith.constant 5 : i32
        %swap3A_81 = arith.index_cast %swap3A_80 : i32 to index
        %swap3A_82 = arith.index_cast %mul3A_79 : i32 to index
        %swap3A_83 = tpu.vector_load %arg10[%swap3A_81, %swap3A_82] {strides = array<i32>} : memref<40x2048xf32, #tpu.memory_space<vmem>>, vector<1x16xf32>,
        %swap3A_84 = vector.shape_cast %swap3A_83 : vector<1x16xf32> to vector<16xf32>
        %swap3A_85 = vector.shape_cast %get3A_77 : vector<16xf32> to vector<1x16xf32>
        tpu.vector_store %arg10[%swap3A_81, %swap3A_82], %swap3A_85 {add = true, strides = array<i32>} : memref<40x2048xf32, #tpu.memory_space<vmem>>, vector<1x16xf32>,
        %mul3A_86 = arith.constant 16 : i32
        %mul3A_87 = arith.muli %add3A_25, %mul3A_86 : i32
        %swap3A_88 = arith.constant 6 : i32
        %swap3A_89 = arith.index_cast %swap3A_88 : i32 to index
        %swap3A_90 = arith.index_cast %mul3A_87 : i32 to index
        %swap3A_91 = tpu.vector_load %arg10[%swap3A_89, %swap3A_90] {strides = array<i32>} : memref<40x2048xf32, #tpu.memory_space<vmem>>, vector<1x16xf32>,
        %swap3A_92 = vector.shape_cast %swap3A_91 : vector<1x16xf32> to vector<16xf32>
        %swap3A_93 = vector.shape_cast %get3A_77 : vector<16xf32> to vector<1x16xf32>
        tpu.vector_store %arg10[%swap3A_89, %swap3A_90], %swap3A_93 {add = true, strides = array<i32>} : memref<40x2048xf32, #tpu.memory_space<vmem>>, vector<1x16xf32>,
        %mul3A_94 = arith.constant 16 : i32
        %mul3A_95 = arith.muli %add3A_25, %mul3A_94 : i32
        %swap3A_96 = arith.constant 7 : i32
        %swap3A_97 = arith.index_cast %swap3A_96 : i32 to index
        %swap3A_98 = arith.index_cast %mul3A_95 : i32 to index
        %swap3A_99 = tpu.vector_load %arg10[%swap3A_97, %swap3A_98] {strides = array<i32>} : memref<40x2048xf32, #tpu.memory_space<vmem>>, vector<1x16xf32>,
        %swap3A_100 = vector.shape_cast %swap3A_99 : vector<1x16xf32> to vector<16xf32>
        %swap3A_101 = vector.shape_cast %get3A_77 : vector<16xf32> to vector<1x16xf32>
        tpu.vector_store %arg10[%swap3A_97, %swap3A_98], %swap3A_101 {add = true, strides = array<i32>} : memref<40x2048xf32, #tpu.memory_space<vmem>>, vector<1x16xf32>,
        %mul3A_102 = arith.constant 16 : i32
        %mul3A_103 = arith.muli %add3A_25, %mul3A_102 : i32
        %swap3A_104 = arith.constant 8 : i32
        %swap3A_105 = arith.index_cast %swap3A_104 : i32 to index
        %swap3A_106 = arith.index_cast %mul3A_103 : i32 to index
        %swap3A_107 = tpu.vector_load %arg10[%swap3A_105, %swap3A_106] {strides = array<i32>} : memref<40x2048xf32, #tpu.memory_space<vmem>>, vector<1x16xf32>,
        %swap3A_108 = vector.shape_cast %swap3A_107 : vector<1x16xf32> to vector<16xf32>
        %swap3A_109 = vector.shape_cast %get3A_77 : vector<16xf32> to vector<1x16xf32>
        tpu.vector_store %arg10[%swap3A_105, %swap3A_106], %swap3A_109 {add = true, strides = array<i32>} : memref<40x2048xf32, #tpu.memory_space<vmem>>, vector<1x16xf32>,
        %mul3A_110 = arith.constant 16 : i32
        %mul3A_111 = arith.muli %add3A_25, %mul3A_110 : i32
        %swap3A_112 = arith.constant 9 : i32
        %swap3A_113 = arith.index_cast %swap3A_112 : i32 to index
        %swap3A_114 = arith.index_cast %mul3A_111 : i32 to index
        %swap3A_115 = tpu.vector_load %arg10[%swap3A_113, %swap3A_114] {strides = array<i32>} : memref<40x2048xf32, #tpu.memory_space<vmem>>, vector<1x16xf32>,
        %swap3A_116 = vector.shape_cast %swap3A_115 : vector<1x16xf32> to vector<16xf32>
        %swap3A_117 = vector.shape_cast %get3A_77 : vector<16xf32> to vector<1x16xf32>
        tpu.vector_store %arg10[%swap3A_113, %swap3A_114], %swap3A_117 {add = true, strides = array<i32>} : memref<40x2048xf32, #tpu.memory_space<vmem>>, vector<1x16xf32>,
        %mul3A_118 = arith.constant 16 : i32
        %mul3A_119 = arith.muli %add3A_25, %mul3A_118 : i32
        %get3A_120 = arith.constant 2 : i32
        %get3A_121 = arith.index_cast %get3A_120 : i32 to index
        %get3A_122 = arith.index_cast %mul3A_119 : i32 to index
        %get3A_123 = tpu.vector_load %arg9[%get3A_121, %get3A_122] {strides = array<i32>} : memref<8x2048xf32, #tpu.memory_space<vmem>>, vector<1x16xf32>,
        %get3A_124 = vector.shape_cast %get3A_123 : vector<1x16xf32> to vector<16xf32>
        %mul3A_125 = arith.constant 16 : i32
        %mul3A_126 = arith.muli %add3A_25, %mul3A_125 : i32
        %swap3A_127 = arith.constant 10 : i32
        %swap3A_128 = arith.index_cast %swap3A_127 : i32 to index
        %swap3A_129 = arith.index_cast %mul3A_126 : i32 to index
        %swap3A_130 = tpu.vector_load %arg10[%swap3A_128, %swap3A_129] {strides = array<i32>} : memref<40x2048xf32, #tpu.memory_space<vmem>>, vector<1x16xf32>,
        %swap3A_131 = vector.shape_cast %swap3A_130 : vector<1x16xf32> to vector<16xf32>
        %swap3A_132 = vector.shape_cast %get3A_124 : vector<16xf32> to vector<1x16xf32>
        tpu.vector_store %arg10[%swap3A_128, %swap3A_129], %swap3A_132 {add = true, strides = array<i32>} : memref<40x2048xf32, #tpu.memory_space<vmem>>, vector<1x16xf32>,
        %mul3A_133 = arith.constant 16 : i32
        %mul3A_134 = arith.muli %add3A_25, %mul3A_133 : i32
        %swap3A_135 = arith.constant 11 : i32
        %swap3A_136 = arith.index_cast %swap3A_135 : i32 to index
        %swap3A_137 = arith.index_cast %mul3A_134 : i32 to index
        %swap3A_138 = tpu.vector_load %arg10[%swap3A_136, %swap3A_137] {strides = array<i32>} : memref<40x2048xf32, #tpu.memory_space<vmem>>, vector<1x16xf32>,
        %swap3A_139 = vector.shape_cast %swap3A_138 : vector<1x16xf32> to vector<16xf32>
        %swap3A_140 = vector.shape_cast %get3A_124 : vector<16xf32> to vector<1x16xf32>
        tpu.vector_store %arg10[%swap3A_136, %swap3A_137], %swap3A_140 {add = true, strides = array<i32>} : memref<40x2048xf32, #tpu.memory_space<vmem>>, vector<1x16xf32>,
        %mul3A_141 = arith.constant 16 : i32
        %mul3A_142 = arith.muli %add3A_25, %mul3A_141 : i32
        %swap3A_143 = arith.constant 12 : i32
        %swap3A_144 = arith.index_cast %swap3A_143 : i32 to index
        %swap3A_145 = arith.index_cast %mul3A_142 : i32 to index
        %swap3A_146 = tpu.vector_load %arg10[%swap3A_144, %swap3A_145] {strides = array<i32>} : memref<40x2048xf32, #tpu.memory_space<vmem>>, vector<1x16xf32>,
        %swap3A_147 = vector.shape_cast %swap3A_146 : vector<1x16xf32> to vector<16xf32>
        %swap3A_148 = vector.shape_cast %get3A_124 : vector<16xf32> to vector<1x16xf32>
        tpu.vector_store %arg10[%swap3A_144, %swap3A_145], %swap3A_148 {add = true, strides = array<i32>} : memref<40x2048xf32, #tpu.memory_space<vmem>>, vector<1x16xf32>,
        %mul3A_149 = arith.constant 16 : i32
        %mul3A_150 = arith.muli %add3A_25, %mul3A_149 : i32
        %swap3A_151 = arith.constant 13 : i32
        %swap3A_152 = arith.index_cast %swap3A_151 : i32 to index
        %swap3A_153 = arith.index_cast %mul3A_150 : i32 to index
        %swap3A_154 = tpu.vector_load %arg10[%swap3A_152, %swap3A_153] {strides = array<i32>} : memref<40x2048xf32, #tpu.memory_space<vmem>>, vector<1x16xf32>,
        %swap3A_155 = vector.shape_cast %swap3A_154 : vector<1x16xf32> to vector<16xf32>
        %swap3A_156 = vector.shape_cast %get3A_124 : vector<16xf32> to vector<1x16xf32>
        tpu.vector_store %arg10[%swap3A_152, %swap3A_153], %swap3A_156 {add = true, strides = array<i32>} : memref<40x2048xf32, #tpu.memory_space<vmem>>, vector<1x16xf32>,
        %mul3A_157 = arith.constant 16 : i32
        %mul3A_158 = arith.muli %add3A_25, %mul3A_157 : i32
        %swap3A_159 = arith.constant 14 : i32
        %swap3A_160 = arith.index_cast %swap3A_159 : i32 to index
        %swap3A_161 = arith.index_cast %mul3A_158 : i32 to index
        %swap3A_162 = tpu.vector_load %arg10[%swap3A_160, %swap3A_161] {strides = array<i32>} : memref<40x2048xf32, #tpu.memory_space<vmem>>, vector<1x16xf32>,
        %swap3A_163 = vector.shape_cast %swap3A_162 : vector<1x16xf32> to vector<16xf32>
        %swap3A_164 = vector.shape_cast %get3A_124 : vector<16xf32> to vector<1x16xf32>
        tpu.vector_store %arg10[%swap3A_160, %swap3A_161], %swap3A_164 {add = true, strides = array<i32>} : memref<40x2048xf32, #tpu.memory_space<vmem>>, vector<1x16xf32>,
        %mul3A_165 = arith.constant 16 : i32
        %mul3A_166 = arith.muli %add3A_25, %mul3A_165 : i32
        %get3A_167 = arith.constant 3 : i32
        %get3A_168 = arith.index_cast %get3A_167 : i32 to index
        %get3A_169 = arith.index_cast %mul3A_166 : i32 to index
        %get3A_170 = tpu.vector_load %arg9[%get3A_168, %get3A_169] {strides = array<i32>} : memref<8x2048xf32, #tpu.memory_space<vmem>>, vector<1x16xf32>,
        %get3A_171 = vector.shape_cast %get3A_170 : vector<1x16xf32> to vector<16xf32>
        %mul3A_172 = arith.constant 16 : i32
        %mul3A_173 = arith.muli %add3A_25, %mul3A_172 : i32
        %swap3A_174 = arith.constant 15 : i32
        %swap3A_175 = arith.index_cast %swap3A_174 : i32 to index
        %swap3A_176 = arith.index_cast %mul3A_173 : i32 to index
        %swap3A_177 = tpu.vector_load %arg10[%swap3A_175, %swap3A_176] {strides = array<i32>} : memref<40x2048xf32, #tpu.memory_space<vmem>>, vector<1x16xf32>,
        %swap3A_178 = vector.shape_cast %swap3A_177 : vector<1x16xf32> to vector<16xf32>
        %swap3A_179 = vector.shape_cast %get3A_171 : vector<16xf32> to vector<1x16xf32>
        tpu.vector_store %arg10[%swap3A_175, %swap3A_176], %swap3A_179 {add = true, strides = array<i32>} : memref<40x2048xf32, #tpu.memory_space<vmem>>, vector<1x16xf32>,
        %mul3A_180 = arith.constant 16 : i32
        %mul3A_181 = arith.muli %add3A_25, %mul3A_180 : i32
        %swap3A_182 = arith.constant 16 : i32
        %swap3A_183 = arith.index_cast %swap3A_182 : i32 to index
        %swap3A_184 = arith.index_cast %mul3A_181 : i32 to index
        %swap3A_185 = tpu.vector_load %arg10[%swap3A_183, %swap3A_184] {strides = array<i32>} : memref<40x2048xf32, #tpu.memory_space<vmem>>, vector<1x16xf32>,
        %swap3A_186 = vector.shape_cast %swap3A_185 : vector<1x16xf32> to vector<16xf32>
        %swap3A_187 = vector.shape_cast %get3A_171 : vector<16xf32> to vector<1x16xf32>
        tpu.vector_store %arg10[%swap3A_183, %swap3A_184], %swap3A_187 {add = true, strides = array<i32>} : memref<40x2048xf32, #tpu.memory_space<vmem>>, vector<1x16xf32>,
        %mul3A_188 = arith.constant 16 : i32
        %mul3A_189 = arith.muli %add3A_25, %mul3A_188 : i32
        %swap3A_190 = arith.constant 17 : i32
        %swap3A_191 = arith.index_cast %swap3A_190 : i32 to index
        %swap3A_192 = arith.index_cast %mul3A_189 : i32 to index
        %swap3A_193 = tpu.vector_load %arg10[%swap3A_191, %swap3A_192] {strides = array<i32>} : memref<40x2048xf32, #tpu.memory_space<vmem>>, vector<1x16xf32>,
        %swap3A_194 = vector.shape_cast %swap3A_193 : vector<1x16xf32> to vector<16xf32>
        %swap3A_195 = vector.shape_cast %get3A_171 : vector<16xf32> to vector<1x16xf32>
        tpu.vector_store %arg10[%swap3A_191, %swap3A_192], %swap3A_195 {add = true, strides = array<i32>} : memref<40x2048xf32, #tpu.memory_space<vmem>>, vector<1x16xf32>,
        %mul3A_196 = arith.constant 16 : i32
        %mul3A_197 = arith.muli %add3A_25, %mul3A_196 : i32
        %swap3A_198 = arith.constant 18 : i32
        %swap3A_199 = arith.index_cast %swap3A_198 : i32 to index
        %swap3A_200 = arith.index_cast %mul3A_197 : i32 to index
        %swap3A_201 = tpu.vector_load %arg10[%swap3A_199, %swap3A_200] {strides = array<i32>} : memref<40x2048xf32, #tpu.memory_space<vmem>>, vector<1x16xf32>,
        %swap3A_202 = vector.shape_cast %swap3A_201 : vector<1x16xf32> to vector<16xf32>
        %swap3A_203 = vector.shape_cast %get3A_171 : vector<16xf32> to vector<1x16xf32>
        tpu.vector_store %arg10[%swap3A_199, %swap3A_200], %swap3A_203 {add = true, strides = array<i32>} : memref<40x2048xf32, #tpu.memory_space<vmem>>, vector<1x16xf32>,
        %mul3A_204 = arith.constant 16 : i32
        %mul3A_205 = arith.muli %add3A_25, %mul3A_204 : i32
        %swap3A_206 = arith.constant 19 : i32
        %swap3A_207 = arith.index_cast %swap3A_206 : i32 to index
        %swap3A_208 = arith.index_cast %mul3A_205 : i32 to index
        %swap3A_209 = tpu.vector_load %arg10[%swap3A_207, %swap3A_208] {strides = array<i32>} : memref<40x2048xf32, #tpu.memory_space<vmem>>, vector<1x16xf32>,
        %swap3A_210 = vector.shape_cast %swap3A_209 : vector<1x16xf32> to vector<16xf32>
        %swap3A_211 = vector.shape_cast %get3A_171 : vector<16xf32> to vector<1x16xf32>
        tpu.vector_store %arg10[%swap3A_207, %swap3A_208], %swap3A_211 {add = true, strides = array<i32>} : memref<40x2048xf32, #tpu.memory_space<vmem>>, vector<1x16xf32>,
        %mul3A_212 = arith.constant 16 : i32
        %mul3A_213 = arith.muli %add3A_25, %mul3A_212 : i32
        %get3A_214 = arith.constant 4 : i32
        %get3A_215 = arith.index_cast %get3A_214 : i32 to index
        %get3A_216 = arith.index_cast %mul3A_213 : i32 to index
        %get3A_217 = tpu.vector_load %arg9[%get3A_215, %get3A_216] {strides = array<i32>} : memref<8x2048xf32, #tpu.memory_space<vmem>>, vector<1x16xf32>,
        %get3A_218 = vector.shape_cast %get3A_217 : vector<1x16xf32> to vector<16xf32>
        %mul3A_219 = arith.constant 16 : i32
        %mul3A_220 = arith.muli %add3A_25, %mul3A_219 : i32
        %swap3A_221 = arith.constant 20 : i32
        %swap3A_222 = arith.index_cast %swap3A_221 : i32 to index
        %swap3A_223 = arith.index_cast %mul3A_220 : i32 to index
        %swap3A_224 = tpu.vector_load %arg10[%swap3A_222, %swap3A_223] {strides = array<i32>} : memref<40x2048xf32, #tpu.memory_space<vmem>>, vector<1x16xf32>,
        %swap3A_225 = vector.shape_cast %swap3A_224 : vector<1x16xf32> to vector<16xf32>
        %swap3A_226 = vector.shape_cast %get3A_218 : vector<16xf32> to vector<1x16xf32>
        tpu.vector_store %arg10[%swap3A_222, %swap3A_223], %swap3A_226 {add = true, strides = array<i32>} : memref<40x2048xf32, #tpu.memory_space<vmem>>, vector<1x16xf32>,
        %mul3A_227 = arith.constant 16 : i32
        %mul3A_228 = arith.muli %add3A_25, %mul3A_227 : i32
        %swap3A_229 = arith.constant 21 : i32
        %swap3A_230 = arith.index_cast %swap3A_229 : i32 to index
        %swap3A_231 = arith.index_cast %mul3A_228 : i32 to index
        %swap3A_232 = tpu.vector_load %arg10[%swap3A_230, %swap3A_231] {strides = array<i32>} : memref<40x2048xf32, #tpu.memory_space<vmem>>, vector<1x16xf32>,
        %swap3A_233 = vector.shape_cast %swap3A_232 : vector<1x16xf32> to vector<16xf32>
        %swap3A_234 = vector.shape_cast %get3A_218 : vector<16xf32> to vector<1x16xf32>
        tpu.vector_store %arg10[%swap3A_230, %swap3A_231], %swap3A_234 {add = true, strides = array<i32>} : memref<40x2048xf32, #tpu.memory_space<vmem>>, vector<1x16xf32>,
        %mul3A_235 = arith.constant 16 : i32
        %mul3A_236 = arith.muli %add3A_25, %mul3A_235 : i32
        %swap3A_237 = arith.constant 22 : i32
        %swap3A_238 = arith.index_cast %swap3A_237 : i32 to index
        %swap3A_239 = arith.index_cast %mul3A_236 : i32 to index
        %swap3A_240 = tpu.vector_load %arg10[%swap3A_238, %swap3A_239] {strides = array<i32>} : memref<40x2048xf32, #tpu.memory_space<vmem>>, vector<1x16xf32>,
        %swap3A_241 = vector.shape_cast %swap3A_240 : vector<1x16xf32> to vector<16xf32>
        %swap3A_242 = vector.shape_cast %get3A_218 : vector<16xf32> to vector<1x16xf32>
        tpu.vector_store %arg10[%swap3A_238, %swap3A_239], %swap3A_242 {add = true, strides = array<i32>} : memref<40x2048xf32, #tpu.memory_space<vmem>>, vector<1x16xf32>,
        %mul3A_243 = arith.constant 16 : i32
        %mul3A_244 = arith.muli %add3A_25, %mul3A_243 : i32
        %swap3A_245 = arith.constant 23 : i32
        %swap3A_246 = arith.index_cast %swap3A_245 : i32 to index
        %swap3A_247 = arith.index_cast %mul3A_244 : i32 to index
        %swap3A_248 = tpu.vector_load %arg10[%swap3A_246, %swap3A_247] {strides = array<i32>} : memref<40x2048xf32, #tpu.memory_space<vmem>>, vector<1x16xf32>,
        %swap3A_249 = vector.shape_cast %swap3A_248 : vector<1x16xf32> to vector<16xf32>
        %swap3A_250 = vector.shape_cast %get3A_218 : vector<16xf32> to vector<1x16xf32>
        tpu.vector_store %arg10[%swap3A_246, %swap3A_247], %swap3A_250 {add = true, strides = array<i32>} : memref<40x2048xf32, #tpu.memory_space<vmem>>, vector<1x16xf32>,
        %mul3A_251 = arith.constant 16 : i32
        %mul3A_252 = arith.muli %add3A_25, %mul3A_251 : i32
        %swap3A_253 = arith.constant 24 : i32
        %swap3A_254 = arith.index_cast %swap3A_253 : i32 to index
        %swap3A_255 = arith.index_cast %mul3A_252 : i32 to index
        %swap3A_256 = tpu.vector_load %arg10[%swap3A_254, %swap3A_255] {strides = array<i32>} : memref<40x2048xf32, #tpu.memory_space<vmem>>, vector<1x16xf32>,
        %swap3A_257 = vector.shape_cast %swap3A_256 : vector<1x16xf32> to vector<16xf32>
        %swap3A_258 = vector.shape_cast %get3A_218 : vector<16xf32> to vector<1x16xf32>
        tpu.vector_store %arg10[%swap3A_254, %swap3A_255], %swap3A_258 {add = true, strides = array<i32>} : memref<40x2048xf32, #tpu.memory_space<vmem>>, vector<1x16xf32>,
        %mul3A_259 = arith.constant 16 : i32
        %mul3A_260 = arith.muli %add3A_25, %mul3A_259 : i32
        %get3A_261 = arith.constant 5 : i32
        %get3A_262 = arith.index_cast %get3A_261 : i32 to index
        %get3A_263 = arith.index_cast %mul3A_260 : i32 to index
        %get3A_264 = tpu.vector_load %arg9[%get3A_262, %get3A_263] {strides = array<i32>} : memref<8x2048xf32, #tpu.memory_space<vmem>>, vector<1x16xf32>,
        %get3A_265 = vector.shape_cast %get3A_264 : vector<1x16xf32> to vector<16xf32>
        %mul3A_266 = arith.constant 16 : i32
        %mul3A_267 = arith.muli %add3A_25, %mul3A_266 : i32
        %swap3A_268 = arith.constant 25 : i32
        %swap3A_269 = arith.index_cast %swap3A_268 : i32 to index
        %swap3A_270 = arith.index_cast %mul3A_267 : i32 to index
        %swap3A_271 = tpu.vector_load %arg10[%swap3A_269, %swap3A_270] {strides = array<i32>} : memref<40x2048xf32, #tpu.memory_space<vmem>>, vector<1x16xf32>,
        %swap3A_272 = vector.shape_cast %swap3A_271 : vector<1x16xf32> to vector<16xf32>
        %swap3A_273 = vector.shape_cast %get3A_265 : vector<16xf32> to vector<1x16xf32>
        tpu.vector_store %arg10[%swap3A_269, %swap3A_270], %swap3A_273 {add = true, strides = array<i32>} : memref<40x2048xf32, #tpu.memory_space<vmem>>, vector<1x16xf32>,
        %mul3A_274 = arith.constant 16 : i32
        %mul3A_275 = arith.muli %add3A_25, %mul3A_274 : i32
        %swap3A_276 = arith.constant 26 : i32
        %swap3A_277 = arith.index_cast %swap3A_276 : i32 to index
        %swap3A_278 = arith.index_cast %mul3A_275 : i32 to index
        %swap3A_279 = tpu.vector_load %arg10[%swap3A_277, %swap3A_278] {strides = array<i32>} : memref<40x2048xf32, #tpu.memory_space<vmem>>, vector<1x16xf32>,
        %swap3A_280 = vector.shape_cast %swap3A_279 : vector<1x16xf32> to vector<16xf32>
        %swap3A_281 = vector.shape_cast %get3A_265 : vector<16xf32> to vector<1x16xf32>
        tpu.vector_store %arg10[%swap3A_277, %swap3A_278], %swap3A_281 {add = true, strides = array<i32>} : memref<40x2048xf32, #tpu.memory_space<vmem>>, vector<1x16xf32>,
        %mul3A_282 = arith.constant 16 : i32
        %mul3A_283 = arith.muli %add3A_25, %mul3A_282 : i32
        %swap3A_284 = arith.constant 27 : i32
        %swap3A_285 = arith.index_cast %swap3A_284 : i32 to index
        %swap3A_286 = arith.index_cast %mul3A_283 : i32 to index
        %swap3A_287 = tpu.vector_load %arg10[%swap3A_285, %swap3A_286] {strides = array<i32>} : memref<40x2048xf32, #tpu.memory_space<vmem>>, vector<1x16xf32>,
        %swap3A_288 = vector.shape_cast %swap3A_287 : vector<1x16xf32> to vector<16xf32>
        %swap3A_289 = vector.shape_cast %get3A_265 : vector<16xf32> to vector<1x16xf32>
        tpu.vector_store %arg10[%swap3A_285, %swap3A_286], %swap3A_289 {add = true, strides = array<i32>} : memref<40x2048xf32, #tpu.memory_space<vmem>>, vector<1x16xf32>,
        %mul3A_290 = arith.constant 16 : i32
        %mul3A_291 = arith.muli %add3A_25, %mul3A_290 : i32
        %swap3A_292 = arith.constant 28 : i32
        %swap3A_293 = arith.index_cast %swap3A_292 : i32 to index
        %swap3A_294 = arith.index_cast %mul3A_291 : i32 to index
        %swap3A_295 = tpu.vector_load %arg10[%swap3A_293, %swap3A_294] {strides = array<i32>} : memref<40x2048xf32, #tpu.memory_space<vmem>>, vector<1x16xf32>,
        %swap3A_296 = vector.shape_cast %swap3A_295 : vector<1x16xf32> to vector<16xf32>
        %swap3A_297 = vector.shape_cast %get3A_265 : vector<16xf32> to vector<1x16xf32>
        tpu.vector_store %arg10[%swap3A_293, %swap3A_294], %swap3A_297 {add = true, strides = array<i32>} : memref<40x2048xf32, #tpu.memory_space<vmem>>, vector<1x16xf32>,
        %mul3A_298 = arith.constant 16 : i32
        %mul3A_299 = arith.muli %add3A_25, %mul3A_298 : i32
        %swap3A_300 = arith.constant 29 : i32
        %swap3A_301 = arith.index_cast %swap3A_300 : i32 to index
        %swap3A_302 = arith.index_cast %mul3A_299 : i32 to index
        %swap3A_303 = tpu.vector_load %arg10[%swap3A_301, %swap3A_302] {strides = array<i32>} : memref<40x2048xf32, #tpu.memory_space<vmem>>, vector<1x16xf32>,
        %swap3A_304 = vector.shape_cast %swap3A_303 : vector<1x16xf32> to vector<16xf32>
        %swap3A_305 = vector.shape_cast %get3A_265 : vector<16xf32> to vector<1x16xf32>
        tpu.vector_store %arg10[%swap3A_301, %swap3A_302], %swap3A_305 {add = true, strides = array<i32>} : memref<40x2048xf32, #tpu.memory_space<vmem>>, vector<1x16xf32>,
        %mul3A_306 = arith.constant 16 : i32
        %mul3A_307 = arith.muli %add3A_25, %mul3A_306 : i32
        %get3A_308 = arith.constant 6 : i32
        %get3A_309 = arith.index_cast %get3A_308 : i32 to index
        %get3A_310 = arith.index_cast %mul3A_307 : i32 to index
        %get3A_311 = tpu.vector_load %arg9[%get3A_309, %get3A_310] {strides = array<i32>} : memref<8x2048xf32, #tpu.memory_space<vmem>>, vector<1x16xf32>,
        %get3A_312 = vector.shape_cast %get3A_311 : vector<1x16xf32> to vector<16xf32>
        %mul3A_313 = arith.constant 16 : i32
        %mul3A_314 = arith.muli %add3A_25, %mul3A_313 : i32
        %swap3A_315 = arith.constant 30 : i32
        %swap3A_316 = arith.index_cast %swap3A_315 : i32 to index
        %swap3A_317 = arith.index_cast %mul3A_314 : i32 to index
        %swap3A_318 = tpu.vector_load %arg10[%swap3A_316, %swap3A_317] {strides = array<i32>} : memref<40x2048xf32, #tpu.memory_space<vmem>>, vector<1x16xf32>,
        %swap3A_319 = vector.shape_cast %swap3A_318 : vector<1x16xf32> to vector<16xf32>
        %swap3A_320 = vector.shape_cast %get3A_312 : vector<16xf32> to vector<1x16xf32>
        tpu.vector_store %arg10[%swap3A_316, %swap3A_317], %swap3A_320 {add = true, strides = array<i32>} : memref<40x2048xf32, #tpu.memory_space<vmem>>, vector<1x16xf32>,
        %mul3A_321 = arith.constant 16 : i32
        %mul3A_322 = arith.muli %add3A_25, %mul3A_321 : i32
        %swap3A_323 = arith.constant 31 : i32
        %swap3A_324 = arith.index_cast %swap3A_323 : i32 to index
        %swap3A_325 = arith.index_cast %mul3A_322 : i32 to index
        %swap3A_326 = tpu.vector_load %arg10[%swap3A_324, %swap3A_325] {strides = array<i32>} : memref<40x2048xf32, #tpu.memory_space<vmem>>, vector<1x16xf32>,
        %swap3A_327 = vector.shape_cast %swap3A_326 : vector<1x16xf32> to vector<16xf32>
        %swap3A_328 = vector.shape_cast %get3A_312 : vector<16xf32> to vector<1x16xf32>
        tpu.vector_store %arg10[%swap3A_324, %swap3A_325], %swap3A_328 {add = true, strides = array<i32>} : memref<40x2048xf32, #tpu.memory_space<vmem>>, vector<1x16xf32>,
        %mul3A_329 = arith.constant 16 : i32
        %mul3A_330 = arith.muli %add3A_25, %mul3A_329 : i32
        %swap3A_331 = arith.constant 32 : i32
        %swap3A_332 = arith.index_cast %swap3A_331 : i32 to index
        %swap3A_333 = arith.index_cast %mul3A_330 : i32 to index
        %swap3A_334 = tpu.vector_load %arg10[%swap3A_332, %swap3A_333] {strides = array<i32>} : memref<40x2048xf32, #tpu.memory_space<vmem>>, vector<1x16xf32>,
        %swap3A_335 = vector.shape_cast %swap3A_334 : vector<1x16xf32> to vector<16xf32>
        %swap3A_336 = vector.shape_cast %get3A_312 : vector<16xf32> to vector<1x16xf32>
        tpu.vector_store %arg10[%swap3A_332, %swap3A_333], %swap3A_336 {add = true, strides = array<i32>} : memref<40x2048xf32, #tpu.memory_space<vmem>>, vector<1x16xf32>,
        %mul3A_337 = arith.constant 16 : i32
        %mul3A_338 = arith.muli %add3A_25, %mul3A_337 : i32
        %swap3A_339 = arith.constant 33 : i32
        %swap3A_340 = arith.index_cast %swap3A_339 : i32 to index
        %swap3A_341 = arith.index_cast %mul3A_338 : i32 to index
        %swap3A_342 = tpu.vector_load %arg10[%swap3A_340, %swap3A_341] {strides = array<i32>} : memref<40x2048xf32, #tpu.memory_space<vmem>>, vector<1x16xf32>,
        %swap3A_343 = vector.shape_cast %swap3A_342 : vector<1x16xf32> to vector<16xf32>
        %swap3A_344 = vector.shape_cast %get3A_312 : vector<16xf32> to vector<1x16xf32>
        tpu.vector_store %arg10[%swap3A_340, %swap3A_341], %swap3A_344 {add = true, strides = array<i32>} : memref<40x2048xf32, #tpu.memory_space<vmem>>, vector<1x16xf32>,
        %mul3A_345 = arith.constant 16 : i32
        %mul3A_346 = arith.muli %add3A_25, %mul3A_345 : i32
        %swap3A_347 = arith.constant 34 : i32
        %swap3A_348 = arith.index_cast %swap3A_347 : i32 to index
        %swap3A_349 = arith.index_cast %mul3A_346 : i32 to index
        %swap3A_350 = tpu.vector_load %arg10[%swap3A_348, %swap3A_349] {strides = array<i32>} : memref<40x2048xf32, #tpu.memory_space<vmem>>, vector<1x16xf32>,
        %swap3A_351 = vector.shape_cast %swap3A_350 : vector<1x16xf32> to vector<16xf32>
        %swap3A_352 = vector.shape_cast %get3A_312 : vector<16xf32> to vector<1x16xf32>
        tpu.vector_store %arg10[%swap3A_348, %swap3A_349], %swap3A_352 {add = true, strides = array<i32>} : memref<40x2048xf32, #tpu.memory_space<vmem>>, vector<1x16xf32>,
        %mul3A_353 = arith.constant 16 : i32
        %mul3A_354 = arith.muli %add3A_25, %mul3A_353 : i32
        %get3A_355 = arith.constant 7 : i32
        %get3A_356 = arith.index_cast %get3A_355 : i32 to index
        %get3A_357 = arith.index_cast %mul3A_354 : i32 to index
        %get3A_358 = tpu.vector_load %arg9[%get3A_356, %get3A_357] {strides = array<i32>} : memref<8x2048xf32, #tpu.memory_space<vmem>>, vector<1x16xf32>,
        %get3A_359 = vector.shape_cast %get3A_358 : vector<1x16xf32> to vector<16xf32>
        %mul3A_360 = arith.constant 16 : i32
        %mul3A_361 = arith.muli %add3A_25, %mul3A_360 : i32
        %swap3A_362 = arith.constant 35 : i32
        %swap3A_363 = arith.index_cast %swap3A_362 : i32 to index
        %swap3A_364 = arith.index_cast %mul3A_361 : i32 to index
        %swap3A_365 = tpu.vector_load %arg10[%swap3A_363, %swap3A_364] {strides = array<i32>} : memref<40x2048xf32, #tpu.memory_space<vmem>>, vector<1x16xf32>,
        %swap3A_366 = vector.shape_cast %swap3A_365 : vector<1x16xf32> to vector<16xf32>
        %swap3A_367 = vector.shape_cast %get3A_359 : vector<16xf32> to vector<1x16xf32>
        tpu.vector_store %arg10[%swap3A_363, %swap3A_364], %swap3A_367 {add = true, strides = array<i32>} : memref<40x2048xf32, #tpu.memory_space<vmem>>, vector<1x16xf32>,
        %mul3A_368 = arith.constant 16 : i32
        %mul3A_369 = arith.muli %add3A_25, %mul3A_368 : i32
        %swap3A_370 = arith.constant 36 : i32
        %swap3A_371 = arith.index_cast %swap3A_370 : i32 to index
        %swap3A_372 = arith.index_cast %mul3A_369 : i32 to index
        %swap3A_373 = tpu.vector_load %arg10[%swap3A_371, %swap3A_372] {strides = array<i32>} : memref<40x2048xf32, #tpu.memory_space<vmem>>, vector<1x16xf32>,
        %swap3A_374 = vector.shape_cast %swap3A_373 : vector<1x16xf32> to vector<16xf32>
        %swap3A_375 = vector.shape_cast %get3A_359 : vector<16xf32> to vector<1x16xf32>
        tpu.vector_store %arg10[%swap3A_371, %swap3A_372], %swap3A_375 {add = true, strides = array<i32>} : memref<40x2048xf32, #tpu.memory_space<vmem>>, vector<1x16xf32>,
        %mul3A_376 = arith.constant 16 : i32
        %mul3A_377 = arith.muli %add3A_25, %mul3A_376 : i32
        %swap3A_378 = arith.constant 37 : i32
        %swap3A_379 = arith.index_cast %swap3A_378 : i32 to index
        %swap3A_380 = arith.index_cast %mul3A_377 : i32 to index
        %swap3A_381 = tpu.vector_load %arg10[%swap3A_379, %swap3A_380] {strides = array<i32>} : memref<40x2048xf32, #tpu.memory_space<vmem>>, vector<1x16xf32>,
        %swap3A_382 = vector.shape_cast %swap3A_381 : vector<1x16xf32> to vector<16xf32>
        %swap3A_383 = vector.shape_cast %get3A_359 : vector<16xf32> to vector<1x16xf32>
        tpu.vector_store %arg10[%swap3A_379, %swap3A_380], %swap3A_383 {add = true, strides = array<i32>} : memref<40x2048xf32, #tpu.memory_space<vmem>>, vector<1x16xf32>,
        %mul3A_384 = arith.constant 16 : i32
        %mul3A_385 = arith.muli %add3A_25, %mul3A_384 : i32
        %swap3A_386 = arith.constant 38 : i32
        %swap3A_387 = arith.index_cast %swap3A_386 : i32 to index
        %swap3A_388 = arith.index_cast %mul3A_385 : i32 to index
        %swap3A_389 = tpu.vector_load %arg10[%swap3A_387, %swap3A_388] {strides = array<i32>} : memref<40x2048xf32, #tpu.memory_space<vmem>>, vector<1x16xf32>,
        %swap3A_390 = vector.shape_cast %swap3A_389 : vector<1x16xf32> to vector<16xf32>
        %swap3A_391 = vector.shape_cast %get3A_359 : vector<16xf32> to vector<1x16xf32>
        tpu.vector_store %arg10[%swap3A_387, %swap3A_388], %swap3A_391 {add = true, strides = array<i32>} : memref<40x2048xf32, #tpu.memory_space<vmem>>, vector<1x16xf32>,
        %mul3A_392 = arith.constant 16 : i32
        %mul3A_393 = arith.muli %add3A_25, %mul3A_392 : i32
        %swap3A_394 = arith.constant 39 : i32
        %swap3A_395 = arith.index_cast %swap3A_394 : i32 to index
        %swap3A_396 = arith.index_cast %mul3A_393 : i32 to index
        %swap3A_397 = tpu.vector_load %arg10[%swap3A_395, %swap3A_396] {strides = array<i32>} : memref<40x2048xf32, #tpu.memory_space<vmem>>, vector<1x16xf32>,
        %swap3A_398 = vector.shape_cast %swap3A_397 : vector<1x16xf32> to vector<16xf32>
        %swap3A_399 = vector.shape_cast %get3A_359 : vector<16xf32> to vector<1x16xf32>
        tpu.vector_store %arg10[%swap3A_395, %swap3A_396], %swap3A_399 {add = true, strides = array<i32>} : memref<40x2048xf32, #tpu.memory_space<vmem>>, vector<1x16xf32>,
        %scan3A_400 = arith.constant 1 : i32
        %scan3A_401 = arith.addi %scan3A_21, %scan3A_400 : i32
        %mul3A_402 = arith.constant 1 : i32
        %mul3A_403 = arith.muli %scan3A_401, %mul3A_402 : i32
        %add3A_404 = arith.constant 0 : i32
        %add3A_405 = arith.addi %add3A_404, %mul3A_403 : i32
        %mul3A_406 = arith.constant 16 : i32
        %mul3A_407 = arith.muli %add3A_405, %mul3A_406 : i32
        %get3A_408 = arith.constant 0 : i32
        %get3A_409 = arith.index_cast %get3A_408 : i32 to index
        %get3A_410 = arith.index_cast %mul3A_407 : i32 to index
        %get3A_411 = tpu.vector_load %arg9[%get3A_409, %get3A_410] {strides = array<i32>} : memref<8x2048xf32, #tpu.memory_space<vmem>>, vector<1x16xf32>,
        %get3A_412 = vector.shape_cast %get3A_411 : vector<1x16xf32> to vector<16xf32>
        %mul3A_413 = arith.constant 16 : i32
        %mul3A_414 = arith.muli %add3A_405, %mul3A_413 : i32
        %swap3A_415 = arith.constant 0 : i32
        %swap3A_416 = arith.index_cast %swap3A_415 : i32 to index
        %swap3A_417 = arith.index_cast %mul3A_414 : i32 to index
        %swap3A_418 = tpu.vector_load %arg10[%swap3A_416, %swap3A_417] {strides = array<i32>} : memref<40x2048xf32, #tpu.memory_space<vmem>>, vector<1x16xf32>,
        %swap3A_419 = vector.shape_cast %swap3A_418 : vector<1x16xf32> to vector<16xf32>
        %swap3A_420 = vector.shape_cast %get3A_412 : vector<16xf32> to vector<1x16xf32>
        tpu.vector_store %arg10[%swap3A_416, %swap3A_417], %swap3A_420 {add = true, strides = array<i32>} : memref<40x2048xf32, #tpu.memory_space<vmem>>, vector<1x16xf32>,
        %mul3A_421 = arith.constant 16 : i32
        %mul3A_422 = arith.muli %add3A_405, %mul3A_421 : i32
        %swap3A_423 = arith.constant 1 : i32
        %swap3A_424 = arith.index_cast %swap3A_423 : i32 to index
        %swap3A_425 = arith.index_cast %mul3A_422 : i32 to index
        %swap3A_426 = tpu.vector_load %arg10[%swap3A_424, %swap3A_425] {strides = array<i32>} : memref<40x2048xf32, #tpu.memory_space<vmem>>, vector<1x16xf32>,
        %swap3A_427 = vector.shape_cast %swap3A_426 : vector<1x16xf32> to vector<16xf32>
        %swap3A_428 = vector.shape_cast %get3A_412 : vector<16xf32> to vector<1x16xf32>
        tpu.vector_store %arg10[%swap3A_424, %swap3A_425], %swap3A_428 {add = true, strides = array<i32>} : memref<40x2048xf32, #tpu.memory_space<vmem>>, vector<1x16xf32>,
        %mul3A_429 = arith.constant 16 : i32
        %mul3A_430 = arith.muli %add3A_405, %mul3A_429 : i32
        %swap3A_431 = arith.constant 2 : i32
        %swap3A_432 = arith.index_cast %swap3A_431 : i32 to index
        %swap3A_433 = arith.index_cast %mul3A_430 : i32 to index
        %swap3A_434 = tpu.vector_load %arg10[%swap3A_432, %swap3A_433] {strides = array<i32>} : memref<40x2048xf32, #tpu.memory_space<vmem>>, vector<1x16xf32>,
        %swap3A_435 = vector.shape_cast %swap3A_434 : vector<1x16xf32> to vector<16xf32>
        %swap3A_436 = vector.shape_cast %get3A_412 : vector<16xf32> to vector<1x16xf32>
        tpu.vector_store %arg10[%swap3A_432, %swap3A_433], %swap3A_436 {add = true, strides = array<i32>} : memref<40x2048xf32, #tpu.memory_space<vmem>>, vector<1x16xf32>,
        %mul3A_437 = arith.constant 16 : i32
        %mul3A_438 = arith.muli %add3A_405, %mul3A_437 : i32
        %swap3A_439 = arith.constant 3 : i32
        %swap3A_440 = arith.index_cast %swap3A_439 : i32 to index
        %swap3A_441 = arith.index_cast %mul3A_438 : i32 to index
        %swap3A_442 = tpu.vector_load %arg10[%swap3A_440, %swap3A_441] {strides = array<i32>} : memref<40x2048xf32, #tpu.memory_space<vmem>>, vector<1x16xf32>,
        %swap3A_443 = vector.shape_cast %swap3A_442 : vector<1x16xf32> to vector<16xf32>
        %swap3A_444 = vector.shape_cast %get3A_412 : vector<16xf32> to vector<1x16xf32>
        tpu.vector_store %arg10[%swap3A_440, %swap3A_441], %swap3A_444 {add = true, strides = array<i32>} : memref<40x2048xf32, #tpu.memory_space<vmem>>, vector<1x16xf32>,
        %mul3A_445 = arith.constant 16 : i32
        %mul3A_446 = arith.muli %add3A_405, %mul3A_445 : i32
        %swap3A_447 = arith.constant 4 : i32
        %swap3A_448 = arith.index_cast %swap3A_447 : i32 to index
        %swap3A_449 = arith.index_cast %mul3A_446 : i32 to index
        %swap3A_450 = tpu.vector_load %arg10[%swap3A_448, %swap3A_449] {strides = array<i32>} : memref<40x2048xf32, #tpu.memory_space<vmem>>, vector<1x16xf32>,
        %swap3A_451 = vector.shape_cast %swap3A_450 : vector<1x16xf32> to vector<16xf32>
        %swap3A_452 = vector.shape_cast %get3A_412 : vector<16xf32> to vector<1x16xf32>
        tpu.vector_store %arg10[%swap3A_448, %swap3A_449], %swap3A_452 {add = true, strides = array<i32>} : memref<40x2048xf32, #tpu.memory_space<vmem>>, vector<1x16xf32>,
        %mul3A_453 = arith.constant 16 : i32
        %mul3A_454 = arith.muli %add3A_405, %mul3A_453 : i32
        %get3A_455 = arith.constant 1 : i32
        %get3A_456 = arith.index_cast %get3A_455 : i32 to index
        %get3A_457 = arith.index_cast %mul3A_454 : i32 to index
        %get3A_458 = tpu.vector_load %arg9[%get3A_456, %get3A_457] {strides = array<i32>} : memref<8x2048xf32, #tpu.memory_space<vmem>>, vector<1x16xf32>,
        %get3A_459 = vector.shape_cast %get3A_458 : vector<1x16xf32> to vector<16xf32>
        %mul3A_460 = arith.constant 16 : i32
        %mul3A_461 = arith.muli %add3A_405, %mul3A_460 : i32
        %swap3A_462 = arith.constant 5 : i32
        %swap3A_463 = arith.index_cast %swap3A_462 : i32 to index
        %swap3A_464 = arith.index_cast %mul3A_461 : i32 to index
        %swap3A_465 = tpu.vector_load %arg10[%swap3A_463, %swap3A_464] {strides = array<i32>} : memref<40x2048xf32, #tpu.memory_space<vmem>>, vector<1x16xf32>,
        %swap3A_466 = vector.shape_cast %swap3A_465 : vector<1x16xf32> to vector<16xf32>
        %swap3A_467 = vector.shape_cast %get3A_459 : vector<16xf32> to vector<1x16xf32>
        tpu.vector_store %arg10[%swap3A_463, %swap3A_464], %swap3A_467 {add = true, strides = array<i32>} : memref<40x2048xf32, #tpu.memory_space<vmem>>, vector<1x16xf32>,
        %mul3A_468 = arith.constant 16 : i32
        %mul3A_469 = arith.muli %add3A_405, %mul3A_468 : i32
        %swap3A_470 = arith.constant 6 : i32
        %swap3A_471 = arith.index_cast %swap3A_470 : i32 to index
        %swap3A_472 = arith.index_cast %mul3A_469 : i32 to index
        %swap3A_473 = tpu.vector_load %arg10[%swap3A_471, %swap3A_472] {strides = array<i32>} : memref<40x2048xf32, #tpu.memory_space<vmem>>, vector<1x16xf32>,
        %swap3A_474 = vector.shape_cast %swap3A_473 : vector<1x16xf32> to vector<16xf32>
        %swap3A_475 = vector.shape_cast %get3A_459 : vector<16xf32> to vector<1x16xf32>
        tpu.vector_store %arg10[%swap3A_471, %swap3A_472], %swap3A_475 {add = true, strides = array<i32>} : memref<40x2048xf32, #tpu.memory_space<vmem>>, vector<1x16xf32>,
        %mul3A_476 = arith.constant 16 : i32
        %mul3A_477 = arith.muli %add3A_405, %mul3A_476 : i32
        %swap3A_478 = arith.constant 7 : i32
        %swap3A_479 = arith.index_cast %swap3A_478 : i32 to index
        %swap3A_480 = arith.index_cast %mul3A_477 : i32 to index
        %swap3A_481 = tpu.vector_load %arg10[%swap3A_479, %swap3A_480] {strides = array<i32>} : memref<40x2048xf32, #tpu.memory_space<vmem>>, vector<1x16xf32>,
        %swap3A_482 = vector.shape_cast %swap3A_481 : vector<1x16xf32> to vector<16xf32>
        %swap3A_483 = vector.shape_cast %get3A_459 : vector<16xf32> to vector<1x16xf32>
        tpu.vector_store %arg10[%swap3A_479, %swap3A_480], %swap3A_483 {add = true, strides = array<i32>} : memref<40x2048xf32, #tpu.memory_space<vmem>>, vector<1x16xf32>,
        %mul3A_484 = arith.constant 16 : i32
        %mul3A_485 = arith.muli %add3A_405, %mul3A_484 : i32
        %swap3A_486 = arith.constant 8 : i32
        %swap3A_487 = arith.index_cast %swap3A_486 : i32 to index
        %swap3A_488 = arith.index_cast %mul3A_485 : i32 to index
        %swap3A_489 = tpu.vector_load %arg10[%swap3A_487, %swap3A_488] {strides = array<i32>} : memref<40x2048xf32, #tpu.memory_space<vmem>>, vector<1x16xf32>,
        %swap3A_490 = vector.shape_cast %swap3A_489 : vector<1x16xf32> to vector<16xf32>
        %swap3A_491 = vector.shape_cast %get3A_459 : vector<16xf32> to vector<1x16xf32>
        tpu.vector_store %arg10[%swap3A_487, %swap3A_488], %swap3A_491 {add = true, strides = array<i32>} : memref<40x2048xf32, #tpu.memory_space<vmem>>, vector<1x16xf32>,
        %mul3A_492 = arith.constant 16 : i32
        %mul3A_493 = arith.muli %add3A_405, %mul3A_492 : i32
        %swap3A_494 = arith.constant 9 : i32
        %swap3A_495 = arith.index_cast %swap3A_494 : i32 to index
        %swap3A_496 = arith.index_cast %mul3A_493 : i32 to index
        %swap3A_497 = tpu.vector_load %arg10[%swap3A_495, %swap3A_496] {strides = array<i32>} : memref<40x2048xf32, #tpu.memory_space<vmem>>, vector<1x16xf32>,
        %swap3A_498 = vector.shape_cast %swap3A_497 : vector<1x16xf32> to vector<16xf32>
        %swap3A_499 = vector.shape_cast %get3A_459 : vector<16xf32> to vector<1x16xf32>
        tpu.vector_store %arg10[%swap3A_495, %swap3A_496], %swap3A_499 {add = true, strides = array<i32>} : memref<40x2048xf32, #tpu.memory_space<vmem>>, vector<1x16xf32>,
        %mul3A_500 = arith.constant 16 : i32
        %mul3A_501 = arith.muli %add3A_405, %mul3A_500 : i32
        %get3A_502 = arith.constant 2 : i32
        %get3A_503 = arith.index_cast %get3A_502 : i32 to index
        %get3A_504 = arith.index_cast %mul3A_501 : i32 to index
        %get3A_505 = tpu.vector_load %arg9[%get3A_503, %get3A_504] {strides = array<i32>} : memref<8x2048xf32, #tpu.memory_space<vmem>>, vector<1x16xf32>,
        %get3A_506 = vector.shape_cast %get3A_505 : vector<1x16xf32> to vector<16xf32>
        %mul3A_507 = arith.constant 16 : i32
        %mul3A_508 = arith.muli %add3A_405, %mul3A_507 : i32
        %swap3A_509 = arith.constant 10 : i32
        %swap3A_510 = arith.index_cast %swap3A_509 : i32 to index
        %swap3A_511 = arith.index_cast %mul3A_508 : i32 to index
        %swap3A_512 = tpu.vector_load %arg10[%swap3A_510, %swap3A_511] {strides = array<i32>} : memref<40x2048xf32, #tpu.memory_space<vmem>>, vector<1x16xf32>,
        %swap3A_513 = vector.shape_cast %swap3A_512 : vector<1x16xf32> to vector<16xf32>
        %swap3A_514 = vector.shape_cast %get3A_506 : vector<16xf32> to vector<1x16xf32>
        tpu.vector_store %arg10[%swap3A_510, %swap3A_511], %swap3A_514 {add = true, strides = array<i32>} : memref<40x2048xf32, #tpu.memory_space<vmem>>, vector<1x16xf32>,
        %mul3A_515 = arith.constant 16 : i32
        %mul3A_516 = arith.muli %add3A_405, %mul3A_515 : i32
        %swap3A_517 = arith.constant 11 : i32
        %swap3A_518 = arith.index_cast %swap3A_517 : i32 to index
        %swap3A_519 = arith.index_cast %mul3A_516 : i32 to index
        %swap3A_520 = tpu.vector_load %arg10[%swap3A_518, %swap3A_519] {strides = array<i32>} : memref<40x2048xf32, #tpu.memory_space<vmem>>, vector<1x16xf32>,
        %swap3A_521 = vector.shape_cast %swap3A_520 : vector<1x16xf32> to vector<16xf32>
        %swap3A_522 = vector.shape_cast %get3A_506 : vector<16xf32> to vector<1x16xf32>
        tpu.vector_store %arg10[%swap3A_518, %swap3A_519], %swap3A_522 {add = true, strides = array<i32>} : memref<40x2048xf32, #tpu.memory_space<vmem>>, vector<1x16xf32>,
        %mul3A_523 = arith.constant 16 : i32
        %mul3A_524 = arith.muli %add3A_405, %mul3A_523 : i32
        %swap3A_525 = arith.constant 12 : i32
        %swap3A_526 = arith.index_cast %swap3A_525 : i32 to index
        %swap3A_527 = arith.index_cast %mul3A_524 : i32 to index
        %swap3A_528 = tpu.vector_load %arg10[%swap3A_526, %swap3A_527] {strides = array<i32>} : memref<40x2048xf32, #tpu.memory_space<vmem>>, vector<1x16xf32>,
        %swap3A_529 = vector.shape_cast %swap3A_528 : vector<1x16xf32> to vector<16xf32>
        %swap3A_530 = vector.shape_cast %get3A_506 : vector<16xf32> to vector<1x16xf32>
        tpu.vector_store %arg10[%swap3A_526, %swap3A_527], %swap3A_530 {add = true, strides = array<i32>} : memref<40x2048xf32, #tpu.memory_space<vmem>>, vector<1x16xf32>,
        %mul3A_531 = arith.constant 16 : i32
        %mul3A_532 = arith.muli %add3A_405, %mul3A_531 : i32
        %swap3A_533 = arith.constant 13 : i32
        %swap3A_534 = arith.index_cast %swap3A_533 : i32 to index
        %swap3A_535 = arith.index_cast %mul3A_532 : i32 to index
        %swap3A_536 = tpu.vector_load %arg10[%swap3A_534, %swap3A_535] {strides = array<i32>} : memref<40x2048xf32, #tpu.memory_space<vmem>>, vector<1x16xf32>,
        %swap3A_537 = vector.shape_cast %swap3A_536 : vector<1x16xf32> to vector<16xf32>
        %swap3A_538 = vector.shape_cast %get3A_506 : vector<16xf32> to vector<1x16xf32>
        tpu.vector_store %arg10[%swap3A_534, %swap3A_535], %swap3A_538 {add = true, strides = array<i32>} : memref<40x2048xf32, #tpu.memory_space<vmem>>, vector<1x16xf32>,
        %mul3A_539 = arith.constant 16 : i32
        %mul3A_540 = arith.muli %add3A_405, %mul3A_539 : i32
        %swap3A_541 = arith.constant 14 : i32
        %swap3A_542 = arith.index_cast %swap3A_541 : i32 to index
        %swap3A_543 = arith.index_cast %mul3A_540 : i32 to index
        %swap3A_544 = tpu.vector_load %arg10[%swap3A_542, %swap3A_543] {strides = array<i32>} : memref<40x2048xf32, #tpu.memory_space<vmem>>, vector<1x16xf32>,
        %swap3A_545 = vector.shape_cast %swap3A_544 : vector<1x16xf32> to vector<16xf32>
        %swap3A_546 = vector.shape_cast %get3A_506 : vector<16xf32> to vector<1x16xf32>
        tpu.vector_store %arg10[%swap3A_542, %swap3A_543], %swap3A_546 {add = true, strides = array<i32>} : memref<40x2048xf32, #tpu.memory_space<vmem>>, vector<1x16xf32>,
        %mul3A_547 = arith.constant 16 : i32
        %mul3A_548 = arith.muli %add3A_405, %mul3A_547 : i32
        %get3A_549 = arith.constant 3 : i32
        %get3A_550 = arith.index_cast %get3A_549 : i32 to index
        %get3A_551 = arith.index_cast %mul3A_548 : i32 to index
        %get3A_552 = tpu.vector_load %arg9[%get3A_550, %get3A_551] {strides = array<i32>} : memref<8x2048xf32, #tpu.memory_space<vmem>>, vector<1x16xf32>,
        %get3A_553 = vector.shape_cast %get3A_552 : vector<1x16xf32> to vector<16xf32>
        %mul3A_554 = arith.constant 16 : i32
        %mul3A_555 = arith.muli %add3A_405, %mul3A_554 : i32
        %swap3A_556 = arith.constant 15 : i32
        %swap3A_557 = arith.index_cast %swap3A_556 : i32 to index
        %swap3A_558 = arith.index_cast %mul3A_555 : i32 to index
        %swap3A_559 = tpu.vector_load %arg10[%swap3A_557, %swap3A_558] {strides = array<i32>} : memref<40x2048xf32, #tpu.memory_space<vmem>>, vector<1x16xf32>,
        %swap3A_560 = vector.shape_cast %swap3A_559 : vector<1x16xf32> to vector<16xf32>
        %swap3A_561 = vector.shape_cast %get3A_553 : vector<16xf32> to vector<1x16xf32>
        tpu.vector_store %arg10[%swap3A_557, %swap3A_558], %swap3A_561 {add = true, strides = array<i32>} : memref<40x2048xf32, #tpu.memory_space<vmem>>, vector<1x16xf32>,
        %mul3A_562 = arith.constant 16 : i32
        %mul3A_563 = arith.muli %add3A_405, %mul3A_562 : i32
        %swap3A_564 = arith.constant 16 : i32
        %swap3A_565 = arith.index_cast %swap3A_564 : i32 to index
        %swap3A_566 = arith.index_cast %mul3A_563 : i32 to index
        %swap3A_567 = tpu.vector_load %arg10[%swap3A_565, %swap3A_566] {strides = array<i32>} : memref<40x2048xf32, #tpu.memory_space<vmem>>, vector<1x16xf32>,
        %swap3A_568 = vector.shape_cast %swap3A_567 : vector<1x16xf32> to vector<16xf32>
        %swap3A_569 = vector.shape_cast %get3A_553 : vector<16xf32> to vector<1x16xf32>
        tpu.vector_store %arg10[%swap3A_565, %swap3A_566], %swap3A_569 {add = true, strides = array<i32>} : memref<40x2048xf32, #tpu.memory_space<vmem>>, vector<1x16xf32>,
        %mul3A_570 = arith.constant 16 : i32
        %mul3A_571 = arith.muli %add3A_405, %mul3A_570 : i32
        %swap3A_572 = arith.constant 17 : i32
        %swap3A_573 = arith.index_cast %swap3A_572 : i32 to index
        %swap3A_574 = arith.index_cast %mul3A_571 : i32 to index
        %swap3A_575 = tpu.vector_load %arg10[%swap3A_573, %swap3A_574] {strides = array<i32>} : memref<40x2048xf32, #tpu.memory_space<vmem>>, vector<1x16xf32>,
        %swap3A_576 = vector.shape_cast %swap3A_575 : vector<1x16xf32> to vector<16xf32>
        %swap3A_577 = vector.shape_cast %get3A_553 : vector<16xf32> to vector<1x16xf32>
        tpu.vector_store %arg10[%swap3A_573, %swap3A_574], %swap3A_577 {add = true, strides = array<i32>} : memref<40x2048xf32, #tpu.memory_space<vmem>>, vector<1x16xf32>,
        %mul3A_578 = arith.constant 16 : i32
        %mul3A_579 = arith.muli %add3A_405, %mul3A_578 : i32
        %swap3A_580 = arith.constant 18 : i32
        %swap3A_581 = arith.index_cast %swap3A_580 : i32 to index
        %swap3A_582 = arith.index_cast %mul3A_579 : i32 to index
        %swap3A_583 = tpu.vector_load %arg10[%swap3A_581, %swap3A_582] {strides = array<i32>} : memref<40x2048xf32, #tpu.memory_space<vmem>>, vector<1x16xf32>,
        %swap3A_584 = vector.shape_cast %swap3A_583 : vector<1x16xf32> to vector<16xf32>
        %swap3A_585 = vector.shape_cast %get3A_553 : vector<16xf32> to vector<1x16xf32>
        tpu.vector_store %arg10[%swap3A_581, %swap3A_582], %swap3A_585 {add = true, strides = array<i32>} : memref<40x2048xf32, #tpu.memory_space<vmem>>, vector<1x16xf32>,
        %mul3A_586 = arith.constant 16 : i32
        %mul3A_587 = arith.muli %add3A_405, %mul3A_586 : i32
        %swap3A_588 = arith.constant 19 : i32
        %swap3A_589 = arith.index_cast %swap3A_588 : i32 to index
        %swap3A_590 = arith.index_cast %mul3A_587 : i32 to index
        %swap3A_591 = tpu.vector_load %arg10[%swap3A_589, %swap3A_590] {strides = array<i32>} : memref<40x2048xf32, #tpu.memory_space<vmem>>, vector<1x16xf32>,
        %swap3A_592 = vector.shape_cast %swap3A_591 : vector<1x16xf32> to vector<16xf32>
        %swap3A_593 = vector.shape_cast %get3A_553 : vector<16xf32> to vector<1x16xf32>
        tpu.vector_store %arg10[%swap3A_589, %swap3A_590], %swap3A_593 {add = true, strides = array<i32>} : memref<40x2048xf32, #tpu.memory_space<vmem>>, vector<1x16xf32>,
        %mul3A_594 = arith.constant 16 : i32
        %mul3A_595 = arith.muli %add3A_405, %mul3A_594 : i32
        %get3A_596 = arith.constant 4 : i32
        %get3A_597 = arith.index_cast %get3A_596 : i32 to index
        %get3A_598 = arith.index_cast %mul3A_595 : i32 to index
        %get3A_599 = tpu.vector_load %arg9[%get3A_597, %get3A_598] {strides = array<i32>} : memref<8x2048xf32, #tpu.memory_space<vmem>>, vector<1x16xf32>,
        %get3A_600 = vector.shape_cast %get3A_599 : vector<1x16xf32> to vector<16xf32>
        %mul3A_601 = arith.constant 16 : i32
        %mul3A_602 = arith.muli %add3A_405, %mul3A_601 : i32
        %swap3A_603 = arith.constant 20 : i32
        %swap3A_604 = arith.index_cast %swap3A_603 : i32 to index
        %swap3A_605 = arith.index_cast %mul3A_602 : i32 to index
        %swap3A_606 = tpu.vector_load %arg10[%swap3A_604, %swap3A_605] {strides = array<i32>} : memref<40x2048xf32, #tpu.memory_space<vmem>>, vector<1x16xf32>,
        %swap3A_607 = vector.shape_cast %swap3A_606 : vector<1x16xf32> to vector<16xf32>
        %swap3A_608 = vector.shape_cast %get3A_600 : vector<16xf32> to vector<1x16xf32>
        tpu.vector_store %arg10[%swap3A_604, %swap3A_605], %swap3A_608 {add = true, strides = array<i32>} : memref<40x2048xf32, #tpu.memory_space<vmem>>, vector<1x16xf32>,
        %mul3A_609 = arith.constant 16 : i32
        %mul3A_610 = arith.muli %add3A_405, %mul3A_609 : i32
        %swap3A_611 = arith.constant 21 : i32
        %swap3A_612 = arith.index_cast %swap3A_611 : i32 to index
        %swap3A_613 = arith.index_cast %mul3A_610 : i32 to index
        %swap3A_614 = tpu.vector_load %arg10[%swap3A_612, %swap3A_613] {strides = array<i32>} : memref<40x2048xf32, #tpu.memory_space<vmem>>, vector<1x16xf32>,
        %swap3A_615 = vector.shape_cast %swap3A_614 : vector<1x16xf32> to vector<16xf32>
        %swap3A_616 = vector.shape_cast %get3A_600 : vector<16xf32> to vector<1x16xf32>
        tpu.vector_store %arg10[%swap3A_612, %swap3A_613], %swap3A_616 {add = true, strides = array<i32>} : memref<40x2048xf32, #tpu.memory_space<vmem>>, vector<1x16xf32>,
        %mul3A_617 = arith.constant 16 : i32
        %mul3A_618 = arith.muli %add3A_405, %mul3A_617 : i32
        %swap3A_619 = arith.constant 22 : i32
        %swap3A_620 = arith.index_cast %swap3A_619 : i32 to index
        %swap3A_621 = arith.index_cast %mul3A_618 : i32 to index
        %swap3A_622 = tpu.vector_load %arg10[%swap3A_620, %swap3A_621] {strides = array<i32>} : memref<40x2048xf32, #tpu.memory_space<vmem>>, vector<1x16xf32>,
        %swap3A_623 = vector.shape_cast %swap3A_622 : vector<1x16xf32> to vector<16xf32>
        %swap3A_624 = vector.shape_cast %get3A_600 : vector<16xf32> to vector<1x16xf32>
        tpu.vector_store %arg10[%swap3A_620, %swap3A_621], %swap3A_624 {add = true, strides = array<i32>} : memref<40x2048xf32, #tpu.memory_space<vmem>>, vector<1x16xf32>,
        %mul3A_625 = arith.constant 16 : i32
        %mul3A_626 = arith.muli %add3A_405, %mul3A_625 : i32
        %swap3A_627 = arith.constant 23 : i32
        %swap3A_628 = arith.index_cast %swap3A_627 : i32 to index
        %swap3A_629 = arith.index_cast %mul3A_626 : i32 to index
        %swap3A_630 = tpu.vector_load %arg10[%swap3A_628, %swap3A_629] {strides = array<i32>} : memref<40x2048xf32, #tpu.memory_space<vmem>>, vector<1x16xf32>,
        %swap3A_631 = vector.shape_cast %swap3A_630 : vector<1x16xf32> to vector<16xf32>
        %swap3A_632 = vector.shape_cast %get3A_600 : vector<16xf32> to vector<1x16xf32>
        tpu.vector_store %arg10[%swap3A_628, %swap3A_629], %swap3A_632 {add = true, strides = array<i32>} : memref<40x2048xf32, #tpu.memory_space<vmem>>, vector<1x16xf32>,
        %mul3A_633 = arith.constant 16 : i32
        %mul3A_634 = arith.muli %add3A_405, %mul3A_633 : i32
        %swap3A_635 = arith.constant 24 : i32
        %swap3A_636 = arith.index_cast %swap3A_635 : i32 to index
        %swap3A_637 = arith.index_cast %mul3A_634 : i32 to index
        %swap3A_638 = tpu.vector_load %arg10[%swap3A_636, %swap3A_637] {strides = array<i32>} : memref<40x2048xf32, #tpu.memory_space<vmem>>, vector<1x16xf32>,
        %swap3A_639 = vector.shape_cast %swap3A_638 : vector<1x16xf32> to vector<16xf32>
        %swap3A_640 = vector.shape_cast %get3A_600 : vector<16xf32> to vector<1x16xf32>
        tpu.vector_store %arg10[%swap3A_636, %swap3A_637], %swap3A_640 {add = true, strides = array<i32>} : memref<40x2048xf32, #tpu.memory_space<vmem>>, vector<1x16xf32>,
        %mul3A_641 = arith.constant 16 : i32
        %mul3A_642 = arith.muli %add3A_405, %mul3A_641 : i32
        %get3A_643 = arith.constant 5 : i32
        %get3A_644 = arith.index_cast %get3A_643 : i32 to index
        %get3A_645 = arith.index_cast %mul3A_642 : i32 to index
        %get3A_646 = tpu.vector_load %arg9[%get3A_644, %get3A_645] {strides = array<i32>} : memref<8x2048xf32, #tpu.memory_space<vmem>>, vector<1x16xf32>,
        %get3A_647 = vector.shape_cast %get3A_646 : vector<1x16xf32> to vector<16xf32>
        %mul3A_648 = arith.constant 16 : i32
        %mul3A_649 = arith.muli %add3A_405, %mul3A_648 : i32
        %swap3A_650 = arith.constant 25 : i32
        %swap3A_651 = arith.index_cast %swap3A_650 : i32 to index
        %swap3A_652 = arith.index_cast %mul3A_649 : i32 to index
        %swap3A_653 = tpu.vector_load %arg10[%swap3A_651, %swap3A_652] {strides = array<i32>} : memref<40x2048xf32, #tpu.memory_space<vmem>>, vector<1x16xf32>,
        %swap3A_654 = vector.shape_cast %swap3A_653 : vector<1x16xf32> to vector<16xf32>
        %swap3A_655 = vector.shape_cast %get3A_647 : vector<16xf32> to vector<1x16xf32>
        tpu.vector_store %arg10[%swap3A_651, %swap3A_652], %swap3A_655 {add = true, strides = array<i32>} : memref<40x2048xf32, #tpu.memory_space<vmem>>, vector<1x16xf32>,
        %mul3A_656 = arith.constant 16 : i32
        %mul3A_657 = arith.muli %add3A_405, %mul3A_656 : i32
        %swap3A_658 = arith.constant 26 : i32
        %swap3A_659 = arith.index_cast %swap3A_658 : i32 to index
        %swap3A_660 = arith.index_cast %mul3A_657 : i32 to index
        %swap3A_661 = tpu.vector_load %arg10[%swap3A_659, %swap3A_660] {strides = array<i32>} : memref<40x2048xf32, #tpu.memory_space<vmem>>, vector<1x16xf32>,
        %swap3A_662 = vector.shape_cast %swap3A_661 : vector<1x16xf32> to vector<16xf32>
        %swap3A_663 = vector.shape_cast %get3A_647 : vector<16xf32> to vector<1x16xf32>
        tpu.vector_store %arg10[%swap3A_659, %swap3A_660], %swap3A_663 {add = true, strides = array<i32>} : memref<40x2048xf32, #tpu.memory_space<vmem>>, vector<1x16xf32>,
        %mul3A_664 = arith.constant 16 : i32
        %mul3A_665 = arith.muli %add3A_405, %mul3A_664 : i32
        %swap3A_666 = arith.constant 27 : i32
        %swap3A_667 = arith.index_cast %swap3A_666 : i32 to index
        %swap3A_668 = arith.index_cast %mul3A_665 : i32 to index
        %swap3A_669 = tpu.vector_load %arg10[%swap3A_667, %swap3A_668] {strides = array<i32>} : memref<40x2048xf32, #tpu.memory_space<vmem>>, vector<1x16xf32>,
        %swap3A_670 = vector.shape_cast %swap3A_669 : vector<1x16xf32> to vector<16xf32>
        %swap3A_671 = vector.shape_cast %get3A_647 : vector<16xf32> to vector<1x16xf32>
        tpu.vector_store %arg10[%swap3A_667, %swap3A_668], %swap3A_671 {add = true, strides = array<i32>} : memref<40x2048xf32, #tpu.memory_space<vmem>>, vector<1x16xf32>,
        %mul3A_672 = arith.constant 16 : i32
        %mul3A_673 = arith.muli %add3A_405, %mul3A_672 : i32
        %swap3A_674 = arith.constant 28 : i32
        %swap3A_675 = arith.index_cast %swap3A_674 : i32 to index
        %swap3A_676 = arith.index_cast %mul3A_673 : i32 to index
        %swap3A_677 = tpu.vector_load %arg10[%swap3A_675, %swap3A_676] {strides = array<i32>} : memref<40x2048xf32, #tpu.memory_space<vmem>>, vector<1x16xf32>,
        %swap3A_678 = vector.shape_cast %swap3A_677 : vector<1x16xf32> to vector<16xf32>
        %swap3A_679 = vector.shape_cast %get3A_647 : vector<16xf32> to vector<1x16xf32>
        tpu.vector_store %arg10[%swap3A_675, %swap3A_676], %swap3A_679 {add = true, strides = array<i32>} : memref<40x2048xf32, #tpu.memory_space<vmem>>, vector<1x16xf32>,
        %mul3A_680 = arith.constant 16 : i32
        %mul3A_681 = arith.muli %add3A_405, %mul3A_680 : i32
        %swap3A_682 = arith.constant 29 : i32
        %swap3A_683 = arith.index_cast %swap3A_682 : i32 to index
        %swap3A_684 = arith.index_cast %mul3A_681 : i32 to index
        %swap3A_685 = tpu.vector_load %arg10[%swap3A_683, %swap3A_684] {strides = array<i32>} : memref<40x2048xf32, #tpu.memory_space<vmem>>, vector<1x16xf32>,
        %swap3A_686 = vector.shape_cast %swap3A_685 : vector<1x16xf32> to vector<16xf32>
        %swap3A_687 = vector.shape_cast %get3A_647 : vector<16xf32> to vector<1x16xf32>
        tpu.vector_store %arg10[%swap3A_683, %swap3A_684], %swap3A_687 {add = true, strides = array<i32>} : memref<40x2048xf32, #tpu.memory_space<vmem>>, vector<1x16xf32>,
        %mul3A_688 = arith.constant 16 : i32
        %mul3A_689 = arith.muli %add3A_405, %mul3A_688 : i32
        %get3A_690 = arith.constant 6 : i32
        %get3A_691 = arith.index_cast %get3A_690 : i32 to index
        %get3A_692 = arith.index_cast %mul3A_689 : i32 to index
        %get3A_693 = tpu.vector_load %arg9[%get3A_691, %get3A_692] {strides = array<i32>} : memref<8x2048xf32, #tpu.memory_space<vmem>>, vector<1x16xf32>,
        %get3A_694 = vector.shape_cast %get3A_693 : vector<1x16xf32> to vector<16xf32>
        %mul3A_695 = arith.constant 16 : i32
        %mul3A_696 = arith.muli %add3A_405, %mul3A_695 : i32
        %swap3A_697 = arith.constant 30 : i32
        %swap3A_698 = arith.index_cast %swap3A_697 : i32 to index
        %swap3A_699 = arith.index_cast %mul3A_696 : i32 to index
        %swap3A_700 = tpu.vector_load %arg10[%swap3A_698, %swap3A_699] {strides = array<i32>} : memref<40x2048xf32, #tpu.memory_space<vmem>>, vector<1x16xf32>,
        %swap3A_701 = vector.shape_cast %swap3A_700 : vector<1x16xf32> to vector<16xf32>
        %swap3A_702 = vector.shape_cast %get3A_694 : vector<16xf32> to vector<1x16xf32>
        tpu.vector_store %arg10[%swap3A_698, %swap3A_699], %swap3A_702 {add = true, strides = array<i32>} : memref<40x2048xf32, #tpu.memory_space<vmem>>, vector<1x16xf32>,
        %mul3A_703 = arith.constant 16 : i32
        %mul3A_704 = arith.muli %add3A_405, %mul3A_703 : i32
        %swap3A_705 = arith.constant 31 : i32
        %swap3A_706 = arith.index_cast %swap3A_705 : i32 to index
        %swap3A_707 = arith.index_cast %mul3A_704 : i32 to index
        %swap3A_708 = tpu.vector_load %arg10[%swap3A_706, %swap3A_707] {strides = array<i32>} : memref<40x2048xf32, #tpu.memory_space<vmem>>, vector<1x16xf32>,
        %swap3A_709 = vector.shape_cast %swap3A_708 : vector<1x16xf32> to vector<16xf32>
        %swap3A_710 = vector.shape_cast %get3A_694 : vector<16xf32> to vector<1x16xf32>
        tpu.vector_store %arg10[%swap3A_706, %swap3A_707], %swap3A_710 {add = true, strides = array<i32>} : memref<40x2048xf32, #tpu.memory_space<vmem>>, vector<1x16xf32>,
        %mul3A_711 = arith.constant 16 : i32
        %mul3A_712 = arith.muli %add3A_405, %mul3A_711 : i32
        %swap3A_713 = arith.constant 32 : i32
        %swap3A_714 = arith.index_cast %swap3A_713 : i32 to index
        %swap3A_715 = arith.index_cast %mul3A_712 : i32 to index
        %swap3A_716 = tpu.vector_load %arg10[%swap3A_714, %swap3A_715] {strides = array<i32>} : memref<40x2048xf32, #tpu.memory_space<vmem>>, vector<1x16xf32>,
        %swap3A_717 = vector.shape_cast %swap3A_716 : vector<1x16xf32> to vector<16xf32>
        %swap3A_718 = vector.shape_cast %get3A_694 : vector<16xf32> to vector<1x16xf32>
        tpu.vector_store %arg10[%swap3A_714, %swap3A_715], %swap3A_718 {add = true, strides = array<i32>} : memref<40x2048xf32, #tpu.memory_space<vmem>>, vector<1x16xf32>,
        %mul3A_719 = arith.constant 16 : i32
        %mul3A_720 = arith.muli %add3A_405, %mul3A_719 : i32
        %swap3A_721 = arith.constant 33 : i32
        %swap3A_722 = arith.index_cast %swap3A_721 : i32 to index
        %swap3A_723 = arith.index_cast %mul3A_720 : i32 to index
        %swap3A_724 = tpu.vector_load %arg10[%swap3A_722, %swap3A_723] {strides = array<i32>} : memref<40x2048xf32, #tpu.memory_space<vmem>>, vector<1x16xf32>,
        %swap3A_725 = vector.shape_cast %swap3A_724 : vector<1x16xf32> to vector<16xf32>
        %swap3A_726 = vector.shape_cast %get3A_694 : vector<16xf32> to vector<1x16xf32>
        tpu.vector_store %arg10[%swap3A_722, %swap3A_723], %swap3A_726 {add = true, strides = array<i32>} : memref<40x2048xf32, #tpu.memory_space<vmem>>, vector<1x16xf32>,
        %mul3A_727 = arith.constant 16 : i32
        %mul3A_728 = arith.muli %add3A_405, %mul3A_727 : i32
        %swap3A_729 = arith.constant 34 : i32
        %swap3A_730 = arith.index_cast %swap3A_729 : i32 to index
        %swap3A_731 = arith.index_cast %mul3A_728 : i32 to index
        %swap3A_732 = tpu.vector_load %arg10[%swap3A_730, %swap3A_731] {strides = array<i32>} : memref<40x2048xf32, #tpu.memory_space<vmem>>, vector<1x16xf32>,
        %swap3A_733 = vector.shape_cast %swap3A_732 : vector<1x16xf32> to vector<16xf32>
        %swap3A_734 = vector.shape_cast %get3A_694 : vector<16xf32> to vector<1x16xf32>
        tpu.vector_store %arg10[%swap3A_730, %swap3A_731], %swap3A_734 {add = true, strides = array<i32>} : memref<40x2048xf32, #tpu.memory_space<vmem>>, vector<1x16xf32>,
        %mul3A_735 = arith.constant 16 : i32
        %mul3A_736 = arith.muli %add3A_405, %mul3A_735 : i32
        %get3A_737 = arith.constant 7 : i32
        %get3A_738 = arith.index_cast %get3A_737 : i32 to index
        %get3A_739 = arith.index_cast %mul3A_736 : i32 to index
        %get3A_740 = tpu.vector_load %arg9[%get3A_738, %get3A_739] {strides = array<i32>} : memref<8x2048xf32, #tpu.memory_space<vmem>>, vector<1x16xf32>,
        %get3A_741 = vector.shape_cast %get3A_740 : vector<1x16xf32> to vector<16xf32>
        %mul3A_742 = arith.constant 16 : i32
        %mul3A_743 = arith.muli %add3A_405, %mul3A_742 : i32
        %swap3A_744 = arith.constant 35 : i32
        %swap3A_745 = arith.index_cast %swap3A_744 : i32 to index
        %swap3A_746 = arith.index_cast %mul3A_743 : i32 to index
        %swap3A_747 = tpu.vector_load %arg10[%swap3A_745, %swap3A_746] {strides = array<i32>} : memref<40x2048xf32, #tpu.memory_space<vmem>>, vector<1x16xf32>,
        %swap3A_748 = vector.shape_cast %swap3A_747 : vector<1x16xf32> to vector<16xf32>
        %swap3A_749 = vector.shape_cast %get3A_741 : vector<16xf32> to vector<1x16xf32>
        tpu.vector_store %arg10[%swap3A_745, %swap3A_746], %swap3A_749 {add = true, strides = array<i32>} : memref<40x2048xf32, #tpu.memory_space<vmem>>, vector<1x16xf32>,
        %mul3A_750 = arith.constant 16 : i32
        %mul3A_751 = arith.muli %add3A_405, %mul3A_750 : i32
        %swap3A_752 = arith.constant 36 : i32
        %swap3A_753 = arith.index_cast %swap3A_752 : i32 to index
        %swap3A_754 = arith.index_cast %mul3A_751 : i32 to index
        %swap3A_755 = tpu.vector_load %arg10[%swap3A_753, %swap3A_754] {strides = array<i32>} : memref<40x2048xf32, #tpu.memory_space<vmem>>, vector<1x16xf32>,
        %swap3A_756 = vector.shape_cast %swap3A_755 : vector<1x16xf32> to vector<16xf32>
        %swap3A_757 = vector.shape_cast %get3A_741 : vector<16xf32> to vector<1x16xf32>
        tpu.vector_store %arg10[%swap3A_753, %swap3A_754], %swap3A_757 {add = true, strides = array<i32>} : memref<40x2048xf32, #tpu.memory_space<vmem>>, vector<1x16xf32>,
        %mul3A_758 = arith.constant 16 : i32
        %mul3A_759 = arith.muli %add3A_405, %mul3A_758 : i32
        %swap3A_760 = arith.constant 37 : i32
        %swap3A_761 = arith.index_cast %swap3A_760 : i32 to index
        %swap3A_762 = arith.index_cast %mul3A_759 : i32 to index
        %swap3A_763 = tpu.vector_load %arg10[%swap3A_761, %swap3A_762] {strides = array<i32>} : memref<40x2048xf32, #tpu.memory_space<vmem>>, vector<1x16xf32>,
        %swap3A_764 = vector.shape_cast %swap3A_763 : vector<1x16xf32> to vector<16xf32>
        %swap3A_765 = vector.shape_cast %get3A_741 : vector<16xf32> to vector<1x16xf32>
        tpu.vector_store %arg10[%swap3A_761, %swap3A_762], %swap3A_765 {add = true, strides = array<i32>} : memref<40x2048xf32, #tpu.memory_space<vmem>>, vector<1x16xf32>,
        %mul3A_766 = arith.constant 16 : i32
        %mul3A_767 = arith.muli %add3A_405, %mul3A_766 : i32
        %swap3A_768 = arith.constant 38 : i32
        %swap3A_769 = arith.index_cast %swap3A_768 : i32 to index
        %swap3A_770 = arith.index_cast %mul3A_767 : i32 to index
        %swap3A_771 = tpu.vector_load %arg10[%swap3A_769, %swap3A_770] {strides = array<i32>} : memref<40x2048xf32, #tpu.memory_space<vmem>>, vector<1x16xf32>,
        %swap3A_772 = vector.shape_cast %swap3A_771 : vector<1x16xf32> to vector<16xf32>
        %swap3A_773 = vector.shape_cast %get3A_741 : vector<16xf32> to vector<1x16xf32>
        tpu.vector_store %arg10[%swap3A_769, %swap3A_770], %swap3A_773 {add = true, strides = array<i32>} : memref<40x2048xf32, #tpu.memory_space<vmem>>, vector<1x16xf32>,
        %mul3A_774 = arith.constant 16 : i32
        %mul3A_775 = arith.muli %add3A_405, %mul3A_774 : i32
        %swap3A_776 = arith.constant 39 : i32
        %swap3A_777 = arith.index_cast %swap3A_776 : i32 to index
        %swap3A_778 = arith.index_cast %mul3A_775 : i32 to index
        %swap3A_779 = tpu.vector_load %arg10[%swap3A_777, %swap3A_778] {strides = array<i32>} : memref<40x2048xf32, #tpu.memory_space<vmem>>, vector<1x16xf32>,
        %swap3A_780 = vector.shape_cast %swap3A_779 : vector<1x16xf32> to vector<16xf32>
        %swap3A_781 = vector.shape_cast %get3A_741 : vector<16xf32> to vector<1x16xf32>
        tpu.vector_store %arg10[%swap3A_777, %swap3A_778], %swap3A_781 {add = true, strides = array<i32>} : memref<40x2048xf32, #tpu.memory_space<vmem>>, vector<1x16xf32>,
        %scan3A_782 = arith.constant 2 : i32
        %scan3A_783 = arith.addi %scan3A_21, %scan3A_782 : i32
        %mul3A_784 = arith.constant 1 : i32
        %mul3A_785 = arith.muli %scan3A_783, %mul3A_784 : i32
        %add3A_786 = arith.constant 0 : i32
        %add3A_787 = arith.addi %add3A_786, %mul3A_785 : i32
        %mul3A_788 = arith.constant 16 : i32
        %mul3A_789 = arith.muli %add3A_787, %mul3A_788 : i32
        %get3A_790 = arith.constant 0 : i32
        %get3A_791 = arith.index_cast %get3A_790 : i32 to index
        %get3A_792 = arith.index_cast %mul3A_789 : i32 to index
        %get3A_793 = tpu.vector_load %arg9[%get3A_791, %get3A_792] {strides = array<i32>} : memref<8x2048xf32, #tpu.memory_space<vmem>>, vector<1x16xf32>,
        %get3A_794 = vector.shape_cast %get3A_793 : vector<1x16xf32> to vector<16xf32>
        %mul3A_795 = arith.constant 16 : i32
        %mul3A_796 = arith.muli %add3A_787, %mul3A_795 : i32
        %swap3A_797 = arith.constant 0 : i32
        %swap3A_798 = arith.index_cast %swap3A_797 : i32 to index
        %swap3A_799 = arith.index_cast %mul3A_796 : i32 to index
        %swap3A_800 = tpu.vector_load %arg10[%swap3A_798, %swap3A_799] {strides = array<i32>} : memref<40x2048xf32, #tpu.memory_space<vmem>>, vector<1x16xf32>,
        %swap3A_801 = vector.shape_cast %swap3A_800 : vector<1x16xf32> to vector<16xf32>
        %swap3A_802 = vector.shape_cast %get3A_794 : vector<16xf32> to vector<1x16xf32>
        tpu.vector_store %arg10[%swap3A_798, %swap3A_799], %swap3A_802 {add = true, strides = array<i32>} : memref<40x2048xf32, #tpu.memory_space<vmem>>, vector<1x16xf32>,
        %mul3A_803 = arith.constant 16 : i32
        %mul3A_804 = arith.muli %add3A_787, %mul3A_803 : i32
        %swap3A_805 = arith.constant 1 : i32
        %swap3A_806 = arith.index_cast %swap3A_805 : i32 to index
        %swap3A_807 = arith.index_cast %mul3A_804 : i32 to index
        %swap3A_808 = tpu.vector_load %arg10[%swap3A_806, %swap3A_807] {strides = array<i32>} : memref<40x2048xf32, #tpu.memory_space<vmem>>, vector<1x16xf32>,
        %swap3A_809 = vector.shape_cast %swap3A_808 : vector<1x16xf32> to vector<16xf32>
        %swap3A_810 = vector.shape_cast %get3A_794 : vector<16xf32> to vector<1x16xf32>
        tpu.vector_store %arg10[%swap3A_806, %swap3A_807], %swap3A_810 {add = true, strides = array<i32>} : memref<40x2048xf32, #tpu.memory_space<vmem>>, vector<1x16xf32>,
        %mul3A_811 = arith.constant 16 : i32
        %mul3A_812 = arith.muli %add3A_787, %mul3A_811 : i32
        %swap3A_813 = arith.constant 2 : i32
        %swap3A_814 = arith.index_cast %swap3A_813 : i32 to index
        %swap3A_815 = arith.index_cast %mul3A_812 : i32 to index
        %swap3A_816 = tpu.vector_load %arg10[%swap3A_814, %swap3A_815] {strides = array<i32>} : memref<40x2048xf32, #tpu.memory_space<vmem>>, vector<1x16xf32>,
        %swap3A_817 = vector.shape_cast %swap3A_816 : vector<1x16xf32> to vector<16xf32>
        %swap3A_818 = vector.shape_cast %get3A_794 : vector<16xf32> to vector<1x16xf32>
        tpu.vector_store %arg10[%swap3A_814, %swap3A_815], %swap3A_818 {add = true, strides = array<i32>} : memref<40x2048xf32, #tpu.memory_space<vmem>>, vector<1x16xf32>,
        %mul3A_819 = arith.constant 16 : i32
        %mul3A_820 = arith.muli %add3A_787, %mul3A_819 : i32
        %swap3A_821 = arith.constant 3 : i32
        %swap3A_822 = arith.index_cast %swap3A_821 : i32 to index
        %swap3A_823 = arith.index_cast %mul3A_820 : i32 to index
        %swap3A_824 = tpu.vector_load %arg10[%swap3A_822, %swap3A_823] {strides = array<i32>} : memref<40x2048xf32, #tpu.memory_space<vmem>>, vector<1x16xf32>,
        %swap3A_825 = vector.shape_cast %swap3A_824 : vector<1x16xf32> to vector<16xf32>
        %swap3A_826 = vector.shape_cast %get3A_794 : vector<16xf32> to vector<1x16xf32>
        tpu.vector_store %arg10[%swap3A_822, %swap3A_823], %swap3A_826 {add = true, strides = array<i32>} : memref<40x2048xf32, #tpu.memory_space<vmem>>, vector<1x16xf32>,
        %mul3A_827 = arith.constant 16 : i32
        %mul3A_828 = arith.muli %add3A_787, %mul3A_827 : i32
        %swap3A_829 = arith.constant 4 : i32
        %swap3A_830 = arith.index_cast %swap3A_829 : i32 to index
        %swap3A_831 = arith.index_cast %mul3A_828 : i32 to index
        %swap3A_832 = tpu.vector_load %arg10[%swap3A_830, %swap3A_831] {strides = array<i32>} : memref<40x2048xf32, #tpu.memory_space<vmem>>, vector<1x16xf32>,
        %swap3A_833 = vector.shape_cast %swap3A_832 : vector<1x16xf32> to vector<16xf32>
        %swap3A_834 = vector.shape_cast %get3A_794 : vector<16xf32> to vector<1x16xf32>
        tpu.vector_store %arg10[%swap3A_830, %swap3A_831], %swap3A_834 {add = true, strides = array<i32>} : memref<40x2048xf32, #tpu.memory_space<vmem>>, vector<1x16xf32>,
        %mul3A_835 = arith.constant 16 : i32
        %mul3A_836 = arith.muli %add3A_787, %mul3A_835 : i32
        %get3A_837 = arith.constant 1 : i32
        %get3A_838 = arith.index_cast %get3A_837 : i32 to index
        %get3A_839 = arith.index_cast %mul3A_836 : i32 to index
        %get3A_840 = tpu.vector_load %arg9[%get3A_838, %get3A_839] {strides = array<i32>} : memref<8x2048xf32, #tpu.memory_space<vmem>>, vector<1x16xf32>,
        %get3A_841 = vector.shape_cast %get3A_840 : vector<1x16xf32> to vector<16xf32>
        %mul3A_842 = arith.constant 16 : i32
        %mul3A_843 = arith.muli %add3A_787, %mul3A_842 : i32
        %swap3A_844 = arith.constant 5 : i32
        %swap3A_845 = arith.index_cast %swap3A_844 : i32 to index
        %swap3A_846 = arith.index_cast %mul3A_843 : i32 to index
        %swap3A_847 = tpu.vector_load %arg10[%swap3A_845, %swap3A_846] {strides = array<i32>} : memref<40x2048xf32, #tpu.memory_space<vmem>>, vector<1x16xf32>,
        %swap3A_848 = vector.shape_cast %swap3A_847 : vector<1x16xf32> to vector<16xf32>
        %swap3A_849 = vector.shape_cast %get3A_841 : vector<16xf32> to vector<1x16xf32>
        tpu.vector_store %arg10[%swap3A_845, %swap3A_846], %swap3A_849 {add = true, strides = array<i32>} : memref<40x2048xf32, #tpu.memory_space<vmem>>, vector<1x16xf32>,
        %mul3A_850 = arith.constant 16 : i32
        %mul3A_851 = arith.muli %add3A_787, %mul3A_850 : i32
        %swap3A_852 = arith.constant 6 : i32
        %swap3A_853 = arith.index_cast %swap3A_852 : i32 to index
        %swap3A_854 = arith.index_cast %mul3A_851 : i32 to index
        %swap3A_855 = tpu.vector_load %arg10[%swap3A_853, %swap3A_854] {strides = array<i32>} : memref<40x2048xf32, #tpu.memory_space<vmem>>, vector<1x16xf32>,
        %swap3A_856 = vector.shape_cast %swap3A_855 : vector<1x16xf32> to vector<16xf32>
        %swap3A_857 = vector.shape_cast %get3A_841 : vector<16xf32> to vector<1x16xf32>
        tpu.vector_store %arg10[%swap3A_853, %swap3A_854], %swap3A_857 {add = true, strides = array<i32>} : memref<40x2048xf32, #tpu.memory_space<vmem>>, vector<1x16xf32>,
        %mul3A_858 = arith.constant 16 : i32
        %mul3A_859 = arith.muli %add3A_787, %mul3A_858 : i32
        %swap3A_860 = arith.constant 7 : i32
        %swap3A_861 = arith.index_cast %swap3A_860 : i32 to index
        %swap3A_862 = arith.index_cast %mul3A_859 : i32 to index
        %swap3A_863 = tpu.vector_load %arg10[%swap3A_861, %swap3A_862] {strides = array<i32>} : memref<40x2048xf32, #tpu.memory_space<vmem>>, vector<1x16xf32>,
        %swap3A_864 = vector.shape_cast %swap3A_863 : vector<1x16xf32> to vector<16xf32>
        %swap3A_865 = vector.shape_cast %get3A_841 : vector<16xf32> to vector<1x16xf32>
        tpu.vector_store %arg10[%swap3A_861, %swap3A_862], %swap3A_865 {add = true, strides = array<i32>} : memref<40x2048xf32, #tpu.memory_space<vmem>>, vector<1x16xf32>,
        %mul3A_866 = arith.constant 16 : i32
        %mul3A_867 = arith.muli %add3A_787, %mul3A_866 : i32
        %swap3A_868 = arith.constant 8 : i32
        %swap3A_869 = arith.index_cast %swap3A_868 : i32 to index
        %swap3A_870 = arith.index_cast %mul3A_867 : i32 to index
        %swap3A_871 = tpu.vector_load %arg10[%swap3A_869, %swap3A_870] {strides = array<i32>} : memref<40x2048xf32, #tpu.memory_space<vmem>>, vector<1x16xf32>,
        %swap3A_872 = vector.shape_cast %swap3A_871 : vector<1x16xf32> to vector<16xf32>
        %swap3A_873 = vector.shape_cast %get3A_841 : vector<16xf32> to vector<1x16xf32>
        tpu.vector_store %arg10[%swap3A_869, %swap3A_870], %swap3A_873 {add = true, strides = array<i32>} : memref<40x2048xf32, #tpu.memory_space<vmem>>, vector<1x16xf32>,
        %mul3A_874 = arith.constant 16 : i32
        %mul3A_875 = arith.muli %add3A_787, %mul3A_874 : i32
        %swap3A_876 = arith.constant 9 : i32
        %swap3A_877 = arith.index_cast %swap3A_876 : i32 to index
        %swap3A_878 = arith.index_cast %mul3A_875 : i32 to index
        %swap3A_879 = tpu.vector_load %arg10[%swap3A_877, %swap3A_878] {strides = array<i32>} : memref<40x2048xf32, #tpu.memory_space<vmem>>, vector<1x16xf32>,
        %swap3A_880 = vector.shape_cast %swap3A_879 : vector<1x16xf32> to vector<16xf32>
        %swap3A_881 = vector.shape_cast %get3A_841 : vector<16xf32> to vector<1x16xf32>
        tpu.vector_store %arg10[%swap3A_877, %swap3A_878], %swap3A_881 {add = true, strides = array<i32>} : memref<40x2048xf32, #tpu.memory_space<vmem>>, vector<1x16xf32>,
        %mul3A_882 = arith.constant 16 : i32
        %mul3A_883 = arith.muli %add3A_787, %mul3A_882 : i32
        %get3A_884 = arith.constant 2 : i32
        %get3A_885 = arith.index_cast %get3A_884 : i32 to index
        %get3A_886 = arith.index_cast %mul3A_883 : i32 to index
        %get3A_887 = tpu.vector_load %arg9[%get3A_885, %get3A_886] {strides = array<i32>} : memref<8x2048xf32, #tpu.memory_space<vmem>>, vector<1x16xf32>,
        %get3A_888 = vector.shape_cast %get3A_887 : vector<1x16xf32> to vector<16xf32>
        %mul3A_889 = arith.constant 16 : i32
        %mul3A_890 = arith.muli %add3A_787, %mul3A_889 : i32
        %swap3A_891 = arith.constant 10 : i32
        %swap3A_892 = arith.index_cast %swap3A_891 : i32 to index
        %swap3A_893 = arith.index_cast %mul3A_890 : i32 to index
        %swap3A_894 = tpu.vector_load %arg10[%swap3A_892, %swap3A_893] {strides = array<i32>} : memref<40x2048xf32, #tpu.memory_space<vmem>>, vector<1x16xf32>,
        %swap3A_895 = vector.shape_cast %swap3A_894 : vector<1x16xf32> to vector<16xf32>
        %swap3A_896 = vector.shape_cast %get3A_888 : vector<16xf32> to vector<1x16xf32>
        tpu.vector_store %arg10[%swap3A_892, %swap3A_893], %swap3A_896 {add = true, strides = array<i32>} : memref<40x2048xf32, #tpu.memory_space<vmem>>, vector<1x16xf32>,
        %mul3A_897 = arith.constant 16 : i32
        %mul3A_898 = arith.muli %add3A_787, %mul3A_897 : i32
        %swap3A_899 = arith.constant 11 : i32
        %swap3A_900 = arith.index_cast %swap3A_899 : i32 to index
        %swap3A_901 = arith.index_cast %mul3A_898 : i32 to index
        %swap3A_902 = tpu.vector_load %arg10[%swap3A_900, %swap3A_901] {strides = array<i32>} : memref<40x2048xf32, #tpu.memory_space<vmem>>, vector<1x16xf32>,
        %swap3A_903 = vector.shape_cast %swap3A_902 : vector<1x16xf32> to vector<16xf32>
        %swap3A_904 = vector.shape_cast %get3A_888 : vector<16xf32> to vector<1x16xf32>
        tpu.vector_store %arg10[%swap3A_900, %swap3A_901], %swap3A_904 {add = true, strides = array<i32>} : memref<40x2048xf32, #tpu.memory_space<vmem>>, vector<1x16xf32>,
        %mul3A_905 = arith.constant 16 : i32
        %mul3A_906 = arith.muli %add3A_787, %mul3A_905 : i32
        %swap3A_907 = arith.constant 12 : i32
        %swap3A_908 = arith.index_cast %swap3A_907 : i32 to index
        %swap3A_909 = arith.index_cast %mul3A_906 : i32 to index
        %swap3A_910 = tpu.vector_load %arg10[%swap3A_908, %swap3A_909] {strides = array<i32>} : memref<40x2048xf32, #tpu.memory_space<vmem>>, vector<1x16xf32>,
        %swap3A_911 = vector.shape_cast %swap3A_910 : vector<1x16xf32> to vector<16xf32>
        %swap3A_912 = vector.shape_cast %get3A_888 : vector<16xf32> to vector<1x16xf32>
        tpu.vector_store %arg10[%swap3A_908, %swap3A_909], %swap3A_912 {add = true, strides = array<i32>} : memref<40x2048xf32, #tpu.memory_space<vmem>>, vector<1x16xf32>,
        %mul3A_913 = arith.constant 16 : i32
        %mul3A_914 = arith.muli %add3A_787, %mul3A_913 : i32
        %swap3A_915 = arith.constant 13 : i32
        %swap3A_916 = arith.index_cast %swap3A_915 : i32 to index
        %swap3A_917 = arith.index_cast %mul3A_914 : i32 to index
        %swap3A_918 = tpu.vector_load %arg10[%swap3A_916, %swap3A_917] {strides = array<i32>} : memref<40x2048xf32, #tpu.memory_space<vmem>>, vector<1x16xf32>,
        %swap3A_919 = vector.shape_cast %swap3A_918 : vector<1x16xf32> to vector<16xf32>
        %swap3A_920 = vector.shape_cast %get3A_888 : vector<16xf32> to vector<1x16xf32>
        tpu.vector_store %arg10[%swap3A_916, %swap3A_917], %swap3A_920 {add = true, strides = array<i32>} : memref<40x2048xf32, #tpu.memory_space<vmem>>, vector<1x16xf32>,
        %mul3A_921 = arith.constant 16 : i32
        %mul3A_922 = arith.muli %add3A_787, %mul3A_921 : i32
        %swap3A_923 = arith.constant 14 : i32
        %swap3A_924 = arith.index_cast %swap3A_923 : i32 to index
        %swap3A_925 = arith.index_cast %mul3A_922 : i32 to index
        %swap3A_926 = tpu.vector_load %arg10[%swap3A_924, %swap3A_925] {strides = array<i32>} : memref<40x2048xf32, #tpu.memory_space<vmem>>, vector<1x16xf32>,
        %swap3A_927 = vector.shape_cast %swap3A_926 : vector<1x16xf32> to vector<16xf32>
        %swap3A_928 = vector.shape_cast %get3A_888 : vector<16xf32> to vector<1x16xf32>
        tpu.vector_store %arg10[%swap3A_924, %swap3A_925], %swap3A_928 {add = true, strides = array<i32>} : memref<40x2048xf32, #tpu.memory_space<vmem>>, vector<1x16xf32>,
        %mul3A_929 = arith.constant 16 : i32
        %mul3A_930 = arith.muli %add3A_787, %mul3A_929 : i32
        %get3A_931 = arith.constant 3 : i32
        %get3A_932 = arith.index_cast %get3A_931 : i32 to index
        %get3A_933 = arith.index_cast %mul3A_930 : i32 to index
        %get3A_934 = tpu.vector_load %arg9[%get3A_932, %get3A_933] {strides = array<i32>} : memref<8x2048xf32, #tpu.memory_space<vmem>>, vector<1x16xf32>,
        %get3A_935 = vector.shape_cast %get3A_934 : vector<1x16xf32> to vector<16xf32>
        %mul3A_936 = arith.constant 16 : i32
        %mul3A_937 = arith.muli %add3A_787, %mul3A_936 : i32
        %swap3A_938 = arith.constant 15 : i32
        %swap3A_939 = arith.index_cast %swap3A_938 : i32 to index
        %swap3A_940 = arith.index_cast %mul3A_937 : i32 to index
        %swap3A_941 = tpu.vector_load %arg10[%swap3A_939, %swap3A_940] {strides = array<i32>} : memref<40x2048xf32, #tpu.memory_space<vmem>>, vector<1x16xf32>,
        %swap3A_942 = vector.shape_cast %swap3A_941 : vector<1x16xf32> to vector<16xf32>
        %swap3A_943 = vector.shape_cast %get3A_935 : vector<16xf32> to vector<1x16xf32>
        tpu.vector_store %arg10[%swap3A_939, %swap3A_940], %swap3A_943 {add = true, strides = array<i32>} : memref<40x2048xf32, #tpu.memory_space<vmem>>, vector<1x16xf32>,
        %mul3A_944 = arith.constant 16 : i32
        %mul3A_945 = arith.muli %add3A_787, %mul3A_944 : i32
        %swap3A_946 = arith.constant 16 : i32
        %swap3A_947 = arith.index_cast %swap3A_946 : i32 to index
        %swap3A_948 = arith.index_cast %mul3A_945 : i32 to index
        %swap3A_949 = tpu.vector_load %arg10[%swap3A_947, %swap3A_948] {strides = array<i32>} : memref<40x2048xf32, #tpu.memory_space<vmem>>, vector<1x16xf32>,
        %swap3A_950 = vector.shape_cast %swap3A_949 : vector<1x16xf32> to vector<16xf32>
        %swap3A_951 = vector.shape_cast %get3A_935 : vector<16xf32> to vector<1x16xf32>
        tpu.vector_store %arg10[%swap3A_947, %swap3A_948], %swap3A_951 {add = true, strides = array<i32>} : memref<40x2048xf32, #tpu.memory_space<vmem>>, vector<1x16xf32>,
        %mul3A_952 = arith.constant 16 : i32
        %mul3A_953 = arith.muli %add3A_787, %mul3A_952 : i32
        %swap3A_954 = arith.constant 17 : i32
        %swap3A_955 = arith.index_cast %swap3A_954 : i32 to index
        %swap3A_956 = arith.index_cast %mul3A_953 : i32 to index
        %swap3A_957 = tpu.vector_load %arg10[%swap3A_955, %swap3A_956] {strides = array<i32>} : memref<40x2048xf32, #tpu.memory_space<vmem>>, vector<1x16xf32>,
        %swap3A_958 = vector.shape_cast %swap3A_957 : vector<1x16xf32> to vector<16xf32>
        %swap3A_959 = vector.shape_cast %get3A_935 : vector<16xf32> to vector<1x16xf32>
        tpu.vector_store %arg10[%swap3A_955, %swap3A_956], %swap3A_959 {add = true, strides = array<i32>} : memref<40x2048xf32, #tpu.memory_space<vmem>>, vector<1x16xf32>,
        %mul3A_960 = arith.constant 16 : i32
        %mul3A_961 = arith.muli %add3A_787, %mul3A_960 : i32
        %swap3A_962 = arith.constant 18 : i32
        %swap3A_963 = arith.index_cast %swap3A_962 : i32 to index
        %swap3A_964 = arith.index_cast %mul3A_961 : i32 to index
        %swap3A_965 = tpu.vector_load %arg10[%swap3A_963, %swap3A_964] {strides = array<i32>} : memref<40x2048xf32, #tpu.memory_space<vmem>>, vector<1x16xf32>,
        %swap3A_966 = vector.shape_cast %swap3A_965 : vector<1x16xf32> to vector<16xf32>
        %swap3A_967 = vector.shape_cast %get3A_935 : vector<16xf32> to vector<1x16xf32>
        tpu.vector_store %arg10[%swap3A_963, %swap3A_964], %swap3A_967 {add = true, strides = array<i32>} : memref<40x2048xf32, #tpu.memory_space<vmem>>, vector<1x16xf32>,
        %mul3A_968 = arith.constant 16 : i32
        %mul3A_969 = arith.muli %add3A_787, %mul3A_968 : i32
        %swap3A_970 = arith.constant 19 : i32
        %swap3A_971 = arith.index_cast %swap3A_970 : i32 to index
        %swap3A_972 = arith.index_cast %mul3A_969 : i32 to index
        %swap3A_973 = tpu.vector_load %arg10[%swap3A_971, %swap3A_972] {strides = array<i32>} : memref<40x2048xf32, #tpu.memory_space<vmem>>, vector<1x16xf32>,
        %swap3A_974 = vector.shape_cast %swap3A_973 : vector<1x16xf32> to vector<16xf32>
        %swap3A_975 = vector.shape_cast %get3A_935 : vector<16xf32> to vector<1x16xf32>
        tpu.vector_store %arg10[%swap3A_971, %swap3A_972], %swap3A_975 {add = true, strides = array<i32>} : memref<40x2048xf32, #tpu.memory_space<vmem>>, vector<1x16xf32>,
        %mul3A_976 = arith.constant 16 : i32
        %mul3A_977 = arith.muli %add3A_787, %mul3A_976 : i32
        %get3A_978 = arith.constant 4 : i32
        %get3A_979 = arith.index_cast %get3A_978 : i32 to index
        %get3A_980 = arith.index_cast %mul3A_977 : i32 to index
        %get3A_981 = tpu.vector_load %arg9[%get3A_979, %get3A_980] {strides = array<i32>} : memref<8x2048xf32, #tpu.memory_space<vmem>>, vector<1x16xf32>,
        %get3A_982 = vector.shape_cast %get3A_981 : vector<1x16xf32> to vector<16xf32>
        %mul3A_983 = arith.constant 16 : i32
        %mul3A_984 = arith.muli %add3A_787, %mul3A_983 : i32
        %swap3A_985 = arith.constant 20 : i32
        %swap3A_986 = arith.index_cast %swap3A_985 : i32 to index
        %swap3A_987 = arith.index_cast %mul3A_984 : i32 to index
        %swap3A_988 = tpu.vector_load %arg10[%swap3A_986, %swap3A_987] {strides = array<i32>} : memref<40x2048xf32, #tpu.memory_space<vmem>>, vector<1x16xf32>,
        %swap3A_989 = vector.shape_cast %swap3A_988 : vector<1x16xf32> to vector<16xf32>
        %swap3A_990 = vector.shape_cast %get3A_982 : vector<16xf32> to vector<1x16xf32>
        tpu.vector_store %arg10[%swap3A_986, %swap3A_987], %swap3A_990 {add = true, strides = array<i32>} : memref<40x2048xf32, #tpu.memory_space<vmem>>, vector<1x16xf32>,
        %mul3A_991 = arith.constant 16 : i32
        %mul3A_992 = arith.muli %add3A_787, %mul3A_991 : i32
        %swap3A_993 = arith.constant 21 : i32
        %swap3A_994 = arith.index_cast %swap3A_993 : i32 to index
        %swap3A_995 = arith.index_cast %mul3A_992 : i32 to index
        %swap3A_996 = tpu.vector_load %arg10[%swap3A_994, %swap3A_995] {strides = array<i32>} : memref<40x2048xf32, #tpu.memory_space<vmem>>, vector<1x16xf32>,
        %swap3A_997 = vector.shape_cast %swap3A_996 : vector<1x16xf32> to vector<16xf32>
        %swap3A_998 = vector.shape_cast %get3A_982 : vector<16xf32> to vector<1x16xf32>
        tpu.vector_store %arg10[%swap3A_994, %swap3A_995], %swap3A_998 {add = true, strides = array<i32>} : memref<40x2048xf32, #tpu.memory_space<vmem>>, vector<1x16xf32>,
        %mul3A_999 = arith.constant 16 : i32
        %mul3A_1000 = arith.muli %add3A_787, %mul3A_999 : i32
        %swap3A_1001 = arith.constant 22 : i32
        %swap3A_1002 = arith.index_cast %swap3A_1001 : i32 to index
        %swap3A_1003 = arith.index_cast %mul3A_1000 : i32 to index
        %swap3A_1004 = tpu.vector_load %arg10[%swap3A_1002, %swap3A_1003] {strides = array<i32>} : memref<40x2048xf32, #tpu.memory_space<vmem>>, vector<1x16xf32>,
        %swap3A_1005 = vector.shape_cast %swap3A_1004 : vector<1x16xf32> to vector<16xf32>
        %swap3A_1006 = vector.shape_cast %get3A_982 : vector<16xf32> to vector<1x16xf32>
        tpu.vector_store %arg10[%swap3A_1002, %swap3A_1003], %swap3A_1006 {add = true, strides = array<i32>} : memref<40x2048xf32, #tpu.memory_space<vmem>>, vector<1x16xf32>,
        %mul3A_1007 = arith.constant 16 : i32
        %mul3A_1008 = arith.muli %add3A_787, %mul3A_1007 : i32
        %swap3A_1009 = arith.constant 23 : i32
        %swap3A_1010 = arith.index_cast %swap3A_1009 : i32 to index
        %swap3A_1011 = arith.index_cast %mul3A_1008 : i32 to index
        %swap3A_1012 = tpu.vector_load %arg10[%swap3A_1010, %swap3A_1011] {strides = array<i32>} : memref<40x2048xf32, #tpu.memory_space<vmem>>, vector<1x16xf32>,
        %swap3A_1013 = vector.shape_cast %swap3A_1012 : vector<1x16xf32> to vector<16xf32>
        %swap3A_1014 = vector.shape_cast %get3A_982 : vector<16xf32> to vector<1x16xf32>
        tpu.vector_store %arg10[%swap3A_1010, %swap3A_1011], %swap3A_1014 {add = true, strides = array<i32>} : memref<40x2048xf32, #tpu.memory_space<vmem>>, vector<1x16xf32>,
        %mul3A_1015 = arith.constant 16 : i32
        %mul3A_1016 = arith.muli %add3A_787, %mul3A_1015 : i32
        %swap3A_1017 = arith.constant 24 : i32
        %swap3A_1018 = arith.index_cast %swap3A_1017 : i32 to index
        %swap3A_1019 = arith.index_cast %mul3A_1016 : i32 to index
        %swap3A_1020 = tpu.vector_load %arg10[%swap3A_1018, %swap3A_1019] {strides = array<i32>} : memref<40x2048xf32, #tpu.memory_space<vmem>>, vector<1x16xf32>,
        %swap3A_1021 = vector.shape_cast %swap3A_1020 : vector<1x16xf32> to vector<16xf32>
        %swap3A_1022 = vector.shape_cast %get3A_982 : vector<16xf32> to vector<1x16xf32>
        tpu.vector_store %arg10[%swap3A_1018, %swap3A_1019], %swap3A_1022 {add = true, strides = array<i32>} : memref<40x2048xf32, #tpu.memory_space<vmem>>, vector<1x16xf32>,
        %mul3A_1023 = arith.constant 16 : i32
        %mul3A_1024 = arith.muli %add3A_787, %mul3A_1023 : i32
        %get3A_1025 = arith.constant 5 : i32
        %get3A_1026 = arith.index_cast %get3A_1025 : i32 to index
        %get3A_1027 = arith.index_cast %mul3A_1024 : i32 to index
        %get3A_1028 = tpu.vector_load %arg9[%get3A_1026, %get3A_1027] {strides = array<i32>} : memref<8x2048xf32, #tpu.memory_space<vmem>>, vector<1x16xf32>,
        %get3A_1029 = vector.shape_cast %get3A_1028 : vector<1x16xf32> to vector<16xf32>
        %mul3A_1030 = arith.constant 16 : i32
        %mul3A_1031 = arith.muli %add3A_787, %mul3A_1030 : i32
        %swap3A_1032 = arith.constant 25 : i32
        %swap3A_1033 = arith.index_cast %swap3A_1032 : i32 to index
        %swap3A_1034 = arith.index_cast %mul3A_1031 : i32 to index
        %swap3A_1035 = tpu.vector_load %arg10[%swap3A_1033, %swap3A_1034] {strides = array<i32>} : memref<40x2048xf32, #tpu.memory_space<vmem>>, vector<1x16xf32>,
        %swap3A_1036 = vector.shape_cast %swap3A_1035 : vector<1x16xf32> to vector<16xf32>
        %swap3A_1037 = vector.shape_cast %get3A_1029 : vector<16xf32> to vector<1x16xf32>
        tpu.vector_store %arg10[%swap3A_1033, %swap3A_1034], %swap3A_1037 {add = true, strides = array<i32>} : memref<40x2048xf32, #tpu.memory_space<vmem>>, vector<1x16xf32>,
        %mul3A_1038 = arith.constant 16 : i32
        %mul3A_1039 = arith.muli %add3A_787, %mul3A_1038 : i32
        %swap3A_1040 = arith.constant 26 : i32
        %swap3A_1041 = arith.index_cast %swap3A_1040 : i32 to index
        %swap3A_1042 = arith.index_cast %mul3A_1039 : i32 to index
        %swap3A_1043 = tpu.vector_load %arg10[%swap3A_1041, %swap3A_1042] {strides = array<i32>} : memref<40x2048xf32, #tpu.memory_space<vmem>>, vector<1x16xf32>,
        %swap3A_1044 = vector.shape_cast %swap3A_1043 : vector<1x16xf32> to vector<16xf32>
        %swap3A_1045 = vector.shape_cast %get3A_1029 : vector<16xf32> to vector<1x16xf32>
        tpu.vector_store %arg10[%swap3A_1041, %swap3A_1042], %swap3A_1045 {add = true, strides = array<i32>} : memref<40x2048xf32, #tpu.memory_space<vmem>>, vector<1x16xf32>,
        %mul3A_1046 = arith.constant 16 : i32
        %mul3A_1047 = arith.muli %add3A_787, %mul3A_1046 : i32
        %swap3A_1048 = arith.constant 27 : i32
        %swap3A_1049 = arith.index_cast %swap3A_1048 : i32 to index
        %swap3A_1050 = arith.index_cast %mul3A_1047 : i32 to index
        %swap3A_1051 = tpu.vector_load %arg10[%swap3A_1049, %swap3A_1050] {strides = array<i32>} : memref<40x2048xf32, #tpu.memory_space<vmem>>, vector<1x16xf32>,
        %swap3A_1052 = vector.shape_cast %swap3A_1051 : vector<1x16xf32> to vector<16xf32>
        %swap3A_1053 = vector.shape_cast %get3A_1029 : vector<16xf32> to vector<1x16xf32>
        tpu.vector_store %arg10[%swap3A_1049, %swap3A_1050], %swap3A_1053 {add = true, strides = array<i32>} : memref<40x2048xf32, #tpu.memory_space<vmem>>, vector<1x16xf32>,
        %mul3A_1054 = arith.constant 16 : i32
        %mul3A_1055 = arith.muli %add3A_787, %mul3A_1054 : i32
        %swap3A_1056 = arith.constant 28 : i32
        %swap3A_1057 = arith.index_cast %swap3A_1056 : i32 to index
        %swap3A_1058 = arith.index_cast %mul3A_1055 : i32 to index
        %swap3A_1059 = tpu.vector_load %arg10[%swap3A_1057, %swap3A_1058] {strides = array<i32>} : memref<40x2048xf32, #tpu.memory_space<vmem>>, vector<1x16xf32>,
        %swap3A_1060 = vector.shape_cast %swap3A_1059 : vector<1x16xf32> to vector<16xf32>
        %swap3A_1061 = vector.shape_cast %get3A_1029 : vector<16xf32> to vector<1x16xf32>
        tpu.vector_store %arg10[%swap3A_1057, %swap3A_1058], %swap3A_1061 {add = true, strides = array<i32>} : memref<40x2048xf32, #tpu.memory_space<vmem>>, vector<1x16xf32>,
        %mul3A_1062 = arith.constant 16 : i32
        %mul3A_1063 = arith.muli %add3A_787, %mul3A_1062 : i32
        %swap3A_1064 = arith.constant 29 : i32
        %swap3A_1065 = arith.index_cast %swap3A_1064 : i32 to index
        %swap3A_1066 = arith.index_cast %mul3A_1063 : i32 to index
        %swap3A_1067 = tpu.vector_load %arg10[%swap3A_1065, %swap3A_1066] {strides = array<i32>} : memref<40x2048xf32, #tpu.memory_space<vmem>>, vector<1x16xf32>,
        %swap3A_1068 = vector.shape_cast %swap3A_1067 : vector<1x16xf32> to vector<16xf32>
        %swap3A_1069 = vector.shape_cast %get3A_1029 : vector<16xf32> to vector<1x16xf32>
        tpu.vector_store %arg10[%swap3A_1065, %swap3A_1066], %swap3A_1069 {add = true, strides = array<i32>} : memref<40x2048xf32, #tpu.memory_space<vmem>>, vector<1x16xf32>,
        %mul3A_1070 = arith.constant 16 : i32
        %mul3A_1071 = arith.muli %add3A_787, %mul3A_1070 : i32
        %get3A_1072 = arith.constant 6 : i32
        %get3A_1073 = arith.index_cast %get3A_1072 : i32 to index
        %get3A_1074 = arith.index_cast %mul3A_1071 : i32 to index
        %get3A_1075 = tpu.vector_load %arg9[%get3A_1073, %get3A_1074] {strides = array<i32>} : memref<8x2048xf32, #tpu.memory_space<vmem>>, vector<1x16xf32>,
        %get3A_1076 = vector.shape_cast %get3A_1075 : vector<1x16xf32> to vector<16xf32>
        %mul3A_1077 = arith.constant 16 : i32
        %mul3A_1078 = arith.muli %add3A_787, %mul3A_1077 : i32
        %swap3A_1079 = arith.constant 30 : i32
        %swap3A_1080 = arith.index_cast %swap3A_1079 : i32 to index
        %swap3A_1081 = arith.index_cast %mul3A_1078 : i32 to index
        %swap3A_1082 = tpu.vector_load %arg10[%swap3A_1080, %swap3A_1081] {strides = array<i32>} : memref<40x2048xf32, #tpu.memory_space<vmem>>, vector<1x16xf32>,
        %swap3A_1083 = vector.shape_cast %swap3A_1082 : vector<1x16xf32> to vector<16xf32>
        %swap3A_1084 = vector.shape_cast %get3A_1076 : vector<16xf32> to vector<1x16xf32>
        tpu.vector_store %arg10[%swap3A_1080, %swap3A_1081], %swap3A_1084 {add = true, strides = array<i32>} : memref<40x2048xf32, #tpu.memory_space<vmem>>, vector<1x16xf32>,
        %mul3A_1085 = arith.constant 16 : i32
        %mul3A_1086 = arith.muli %add3A_787, %mul3A_1085 : i32
        %swap3A_1087 = arith.constant 31 : i32
        %swap3A_1088 = arith.index_cast %swap3A_1087 : i32 to index
        %swap3A_1089 = arith.index_cast %mul3A_1086 : i32 to index
        %swap3A_1090 = tpu.vector_load %arg10[%swap3A_1088, %swap3A_1089] {strides = array<i32>} : memref<40x2048xf32, #tpu.memory_space<vmem>>, vector<1x16xf32>,
        %swap3A_1091 = vector.shape_cast %swap3A_1090 : vector<1x16xf32> to vector<16xf32>
        %swap3A_1092 = vector.shape_cast %get3A_1076 : vector<16xf32> to vector<1x16xf32>
        tpu.vector_store %arg10[%swap3A_1088, %swap3A_1089], %swap3A_1092 {add = true, strides = array<i32>} : memref<40x2048xf32, #tpu.memory_space<vmem>>, vector<1x16xf32>,
        %mul3A_1093 = arith.constant 16 : i32
        %mul3A_1094 = arith.muli %add3A_787, %mul3A_1093 : i32
        %swap3A_1095 = arith.constant 32 : i32
        %swap3A_1096 = arith.index_cast %swap3A_1095 : i32 to index
        %swap3A_1097 = arith.index_cast %mul3A_1094 : i32 to index
        %swap3A_1098 = tpu.vector_load %arg10[%swap3A_1096, %swap3A_1097] {strides = array<i32>} : memref<40x2048xf32, #tpu.memory_space<vmem>>, vector<1x16xf32>,
        %swap3A_1099 = vector.shape_cast %swap3A_1098 : vector<1x16xf32> to vector<16xf32>
        %swap3A_1100 = vector.shape_cast %get3A_1076 : vector<16xf32> to vector<1x16xf32>
        tpu.vector_store %arg10[%swap3A_1096, %swap3A_1097], %swap3A_1100 {add = true, strides = array<i32>} : memref<40x2048xf32, #tpu.memory_space<vmem>>, vector<1x16xf32>,
        %mul3A_1101 = arith.constant 16 : i32
        %mul3A_1102 = arith.muli %add3A_787, %mul3A_1101 : i32
        %swap3A_1103 = arith.constant 33 : i32
        %swap3A_1104 = arith.index_cast %swap3A_1103 : i32 to index
        %swap3A_1105 = arith.index_cast %mul3A_1102 : i32 to index
        %swap3A_1106 = tpu.vector_load %arg10[%swap3A_1104, %swap3A_1105] {strides = array<i32>} : memref<40x2048xf32, #tpu.memory_space<vmem>>, vector<1x16xf32>,
        %swap3A_1107 = vector.shape_cast %swap3A_1106 : vector<1x16xf32> to vector<16xf32>
        %swap3A_1108 = vector.shape_cast %get3A_1076 : vector<16xf32> to vector<1x16xf32>
        tpu.vector_store %arg10[%swap3A_1104, %swap3A_1105], %swap3A_1108 {add = true, strides = array<i32>} : memref<40x2048xf32, #tpu.memory_space<vmem>>, vector<1x16xf32>,
        %mul3A_1109 = arith.constant 16 : i32
        %mul3A_1110 = arith.muli %add3A_787, %mul3A_1109 : i32
        %swap3A_1111 = arith.constant 34 : i32
        %swap3A_1112 = arith.index_cast %swap3A_1111 : i32 to index
        %swap3A_1113 = arith.index_cast %mul3A_1110 : i32 to index
        %swap3A_1114 = tpu.vector_load %arg10[%swap3A_1112, %swap3A_1113] {strides = array<i32>} : memref<40x2048xf32, #tpu.memory_space<vmem>>, vector<1x16xf32>,
        %swap3A_1115 = vector.shape_cast %swap3A_1114 : vector<1x16xf32> to vector<16xf32>
        %swap3A_1116 = vector.shape_cast %get3A_1076 : vector<16xf32> to vector<1x16xf32>
        tpu.vector_store %arg10[%swap3A_1112, %swap3A_1113], %swap3A_1116 {add = true, strides = array<i32>} : memref<40x2048xf32, #tpu.memory_space<vmem>>, vector<1x16xf32>,
        %mul3A_1117 = arith.constant 16 : i32
        %mul3A_1118 = arith.muli %add3A_787, %mul3A_1117 : i32
        %get3A_1119 = arith.constant 7 : i32
        %get3A_1120 = arith.index_cast %get3A_1119 : i32 to index
        %get3A_1121 = arith.index_cast %mul3A_1118 : i32 to index
        %get3A_1122 = tpu.vector_load %arg9[%get3A_1120, %get3A_1121] {strides = array<i32>} : memref<8x2048xf32, #tpu.memory_space<vmem>>, vector<1x16xf32>,
        %get3A_1123 = vector.shape_cast %get3A_1122 : vector<1x16xf32> to vector<16xf32>
        %mul3A_1124 = arith.constant 16 : i32
        %mul3A_1125 = arith.muli %add3A_787, %mul3A_1124 : i32
        %swap3A_1126 = arith.constant 35 : i32
        %swap3A_1127 = arith.index_cast %swap3A_1126 : i32 to index
        %swap3A_1128 = arith.index_cast %mul3A_1125 : i32 to index
        %swap3A_1129 = tpu.vector_load %arg10[%swap3A_1127, %swap3A_1128] {strides = array<i32>} : memref<40x2048xf32, #tpu.memory_space<vmem>>, vector<1x16xf32>,
        %swap3A_1130 = vector.shape_cast %swap3A_1129 : vector<1x16xf32> to vector<16xf32>
        %swap3A_1131 = vector.shape_cast %get3A_1123 : vector<16xf32> to vector<1x16xf32>
        tpu.vector_store %arg10[%swap3A_1127, %swap3A_1128], %swap3A_1131 {add = true, strides = array<i32>} : memref<40x2048xf32, #tpu.memory_space<vmem>>, vector<1x16xf32>,
        %mul3A_1132 = arith.constant 16 : i32
        %mul3A_1133 = arith.muli %add3A_787, %mul3A_1132 : i32
        %swap3A_1134 = arith.constant 36 : i32
        %swap3A_1135 = arith.index_cast %swap3A_1134 : i32 to index
        %swap3A_1136 = arith.index_cast %mul3A_1133 : i32 to index
        %swap3A_1137 = tpu.vector_load %arg10[%swap3A_1135, %swap3A_1136] {strides = array<i32>} : memref<40x2048xf32, #tpu.memory_space<vmem>>, vector<1x16xf32>,
        %swap3A_1138 = vector.shape_cast %swap3A_1137 : vector<1x16xf32> to vector<16xf32>
        %swap3A_1139 = vector.shape_cast %get3A_1123 : vector<16xf32> to vector<1x16xf32>
        tpu.vector_store %arg10[%swap3A_1135, %swap3A_1136], %swap3A_1139 {add = true, strides = array<i32>} : memref<40x2048xf32, #tpu.memory_space<vmem>>, vector<1x16xf32>,
        %mul3A_1140 = arith.constant 16 : i32
        %mul3A_1141 = arith.muli %add3A_787, %mul3A_1140 : i32
        %swap3A_1142 = arith.constant 37 : i32
        %swap3A_1143 = arith.index_cast %swap3A_1142 : i32 to index
        %swap3A_1144 = arith.index_cast %mul3A_1141 : i32 to index
        %swap3A_1145 = tpu.vector_load %arg10[%swap3A_1143, %swap3A_1144] {strides = array<i32>} : memref<40x2048xf32, #tpu.memory_space<vmem>>, vector<1x16xf32>,
        %swap3A_1146 = vector.shape_cast %swap3A_1145 : vector<1x16xf32> to vector<16xf32>
        %swap3A_1147 = vector.shape_cast %get3A_1123 : vector<16xf32> to vector<1x16xf32>
        tpu.vector_store %arg10[%swap3A_1143, %swap3A_1144], %swap3A_1147 {add = true, strides = array<i32>} : memref<40x2048xf32, #tpu.memory_space<vmem>>, vector<1x16xf32>,
        %mul3A_1148 = arith.constant 16 : i32
        %mul3A_1149 = arith.muli %add3A_787, %mul3A_1148 : i32
        %swap3A_1150 = arith.constant 38 : i32
        %swap3A_1151 = arith.index_cast %swap3A_1150 : i32 to index
        %swap3A_1152 = arith.index_cast %mul3A_1149 : i32 to index
        %swap3A_1153 = tpu.vector_load %arg10[%swap3A_1151, %swap3A_1152] {strides = array<i32>} : memref<40x2048xf32, #tpu.memory_space<vmem>>, vector<1x16xf32>,
        %swap3A_1154 = vector.shape_cast %swap3A_1153 : vector<1x16xf32> to vector<16xf32>
        %swap3A_1155 = vector.shape_cast %get3A_1123 : vector<16xf32> to vector<1x16xf32>
        tpu.vector_store %arg10[%swap3A_1151, %swap3A_1152], %swap3A_1155 {add = true, strides = array<i32>} : memref<40x2048xf32, #tpu.memory_space<vmem>>, vector<1x16xf32>,
        %mul3A_1156 = arith.constant 16 : i32
        %mul3A_1157 = arith.muli %add3A_787, %mul3A_1156 : i32
        %swap3A_1158 = arith.constant 39 : i32
        %swap3A_1159 = arith.index_cast %swap3A_1158 : i32 to index
        %swap3A_1160 = arith.index_cast %mul3A_1157 : i32 to index
        %swap3A_1161 = tpu.vector_load %arg10[%swap3A_1159, %swap3A_1160] {strides = array<i32>} : memref<40x2048xf32, #tpu.memory_space<vmem>>, vector<1x16xf32>,
        %swap3A_1162 = vector.shape_cast %swap3A_1161 : vector<1x16xf32> to vector<16xf32>
        %swap3A_1163 = vector.shape_cast %get3A_1123 : vector<16xf32> to vector<1x16xf32>
        tpu.vector_store %arg10[%swap3A_1159, %swap3A_1160], %swap3A_1163 {add = true, strides = array<i32>} : memref<40x2048xf32, #tpu.memory_space<vmem>>, vector<1x16xf32>,
        %scan3A_1164 = arith.constant 3 : i32
        %scan3A_1165 = arith.addi %scan3A_21, %scan3A_1164 : i32
        %mul3A_1166 = arith.constant 1 : i32
        %mul3A_1167 = arith.muli %scan3A_1165, %mul3A_1166 : i32
        %add3A_1168 = arith.constant 0 : i32
        %add3A_1169 = arith.addi %add3A_1168, %mul3A_1167 : i32
        %mul3A_1170 = arith.constant 16 : i32
        %mul3A_1171 = arith.muli %add3A_1169, %mul3A_1170 : i32
        %get3A_1172 = arith.constant 0 : i32
        %get3A_1173 = arith.index_cast %get3A_1172 : i32 to index
        %get3A_1174 = arith.index_cast %mul3A_1171 : i32 to index
        %get3A_1175 = tpu.vector_load %arg9[%get3A_1173, %get3A_1174] {strides = array<i32>} : memref<8x2048xf32, #tpu.memory_space<vmem>>, vector<1x16xf32>,
        %get3A_1176 = vector.shape_cast %get3A_1175 : vector<1x16xf32> to vector<16xf32>
        %mul3A_1177 = arith.constant 16 : i32
        %mul3A_1178 = arith.muli %add3A_1169, %mul3A_1177 : i32
        %swap3A_1179 = arith.constant 0 : i32
        %swap3A_1180 = arith.index_cast %swap3A_1179 : i32 to index
        %swap3A_1181 = arith.index_cast %mul3A_1178 : i32 to index
        %swap3A_1182 = tpu.vector_load %arg10[%swap3A_1180, %swap3A_1181] {strides = array<i32>} : memref<40x2048xf32, #tpu.memory_space<vmem>>, vector<1x16xf32>,
        %swap3A_1183 = vector.shape_cast %swap3A_1182 : vector<1x16xf32> to vector<16xf32>
        %swap3A_1184 = vector.shape_cast %get3A_1176 : vector<16xf32> to vector<1x16xf32>
        tpu.vector_store %arg10[%swap3A_1180, %swap3A_1181], %swap3A_1184 {add = true, strides = array<i32>} : memref<40x2048xf32, #tpu.memory_space<vmem>>, vector<1x16xf32>,
        %mul3A_1185 = arith.constant 16 : i32
        %mul3A_1186 = arith.muli %add3A_1169, %mul3A_1185 : i32
        %swap3A_1187 = arith.constant 1 : i32
        %swap3A_1188 = arith.index_cast %swap3A_1187 : i32 to index
        %swap3A_1189 = arith.index_cast %mul3A_1186 : i32 to index
        %swap3A_1190 = tpu.vector_load %arg10[%swap3A_1188, %swap3A_1189] {strides = array<i32>} : memref<40x2048xf32, #tpu.memory_space<vmem>>, vector<1x16xf32>,
        %swap3A_1191 = vector.shape_cast %swap3A_1190 : vector<1x16xf32> to vector<16xf32>
        %swap3A_1192 = vector.shape_cast %get3A_1176 : vector<16xf32> to vector<1x16xf32>
        tpu.vector_store %arg10[%swap3A_1188, %swap3A_1189], %swap3A_1192 {add = true, strides = array<i32>} : memref<40x2048xf32, #tpu.memory_space<vmem>>, vector<1x16xf32>,
        %mul3A_1193 = arith.constant 16 : i32
        %mul3A_1194 = arith.muli %add3A_1169, %mul3A_1193 : i32
        %swap3A_1195 = arith.constant 2 : i32
        %swap3A_1196 = arith.index_cast %swap3A_1195 : i32 to index
        %swap3A_1197 = arith.index_cast %mul3A_1194 : i32 to index
        %swap3A_1198 = tpu.vector_load %arg10[%swap3A_1196, %swap3A_1197] {strides = array<i32>} : memref<40x2048xf32, #tpu.memory_space<vmem>>, vector<1x16xf32>,
        %swap3A_1199 = vector.shape_cast %swap3A_1198 : vector<1x16xf32> to vector<16xf32>
        %swap3A_1200 = vector.shape_cast %get3A_1176 : vector<16xf32> to vector<1x16xf32>
        tpu.vector_store %arg10[%swap3A_1196, %swap3A_1197], %swap3A_1200 {add = true, strides = array<i32>} : memref<40x2048xf32, #tpu.memory_space<vmem>>, vector<1x16xf32>,
        %mul3A_1201 = arith.constant 16 : i32
        %mul3A_1202 = arith.muli %add3A_1169, %mul3A_1201 : i32
        %swap3A_1203 = arith.constant 3 : i32
        %swap3A_1204 = arith.index_cast %swap3A_1203 : i32 to index
        %swap3A_1205 = arith.index_cast %mul3A_1202 : i32 to index
        %swap3A_1206 = tpu.vector_load %arg10[%swap3A_1204, %swap3A_1205] {strides = array<i32>} : memref<40x2048xf32, #tpu.memory_space<vmem>>, vector<1x16xf32>,
        %swap3A_1207 = vector.shape_cast %swap3A_1206 : vector<1x16xf32> to vector<16xf32>
        %swap3A_1208 = vector.shape_cast %get3A_1176 : vector<16xf32> to vector<1x16xf32>
        tpu.vector_store %arg10[%swap3A_1204, %swap3A_1205], %swap3A_1208 {add = true, strides = array<i32>} : memref<40x2048xf32, #tpu.memory_space<vmem>>, vector<1x16xf32>,
        %mul3A_1209 = arith.constant 16 : i32
        %mul3A_1210 = arith.muli %add3A_1169, %mul3A_1209 : i32
        %swap3A_1211 = arith.constant 4 : i32
        %swap3A_1212 = arith.index_cast %swap3A_1211 : i32 to index
        %swap3A_1213 = arith.index_cast %mul3A_1210 : i32 to index
        %swap3A_1214 = tpu.vector_load %arg10[%swap3A_1212, %swap3A_1213] {strides = array<i32>} : memref<40x2048xf32, #tpu.memory_space<vmem>>, vector<1x16xf32>,
        %swap3A_1215 = vector.shape_cast %swap3A_1214 : vector<1x16xf32> to vector<16xf32>
        %swap3A_1216 = vector.shape_cast %get3A_1176 : vector<16xf32> to vector<1x16xf32>
        tpu.vector_store %arg10[%swap3A_1212, %swap3A_1213], %swap3A_1216 {add = true, strides = array<i32>} : memref<40x2048xf32, #tpu.memory_space<vmem>>, vector<1x16xf32>,
        %mul3A_1217 = arith.constant 16 : i32
        %mul3A_1218 = arith.muli %add3A_1169, %mul3A_1217 : i32
        %get3A_1219 = arith.constant 1 : i32
        %get3A_1220 = arith.index_cast %get3A_1219 : i32 to index
        %get3A_1221 = arith.index_cast %mul3A_1218 : i32 to index
        %get3A_1222 = tpu.vector_load %arg9[%get3A_1220, %get3A_1221] {strides = array<i32>} : memref<8x2048xf32, #tpu.memory_space<vmem>>, vector<1x16xf32>,
        %get3A_1223 = vector.shape_cast %get3A_1222 : vector<1x16xf32> to vector<16xf32>
        %mul3A_1224 = arith.constant 16 : i32
        %mul3A_1225 = arith.muli %add3A_1169, %mul3A_1224 : i32
        %swap3A_1226 = arith.constant 5 : i32
        %swap3A_1227 = arith.index_cast %swap3A_1226 : i32 to index
        %swap3A_1228 = arith.index_cast %mul3A_1225 : i32 to index
        %swap3A_1229 = tpu.vector_load %arg10[%swap3A_1227, %swap3A_1228] {strides = array<i32>} : memref<40x2048xf32, #tpu.memory_space<vmem>>, vector<1x16xf32>,
        %swap3A_1230 = vector.shape_cast %swap3A_1229 : vector<1x16xf32> to vector<16xf32>
        %swap3A_1231 = vector.shape_cast %get3A_1223 : vector<16xf32> to vector<1x16xf32>
        tpu.vector_store %arg10[%swap3A_1227, %swap3A_1228], %swap3A_1231 {add = true, strides = array<i32>} : memref<40x2048xf32, #tpu.memory_space<vmem>>, vector<1x16xf32>,
        %mul3A_1232 = arith.constant 16 : i32
        %mul3A_1233 = arith.muli %add3A_1169, %mul3A_1232 : i32
        %swap3A_1234 = arith.constant 6 : i32
        %swap3A_1235 = arith.index_cast %swap3A_1234 : i32 to index
        %swap3A_1236 = arith.index_cast %mul3A_1233 : i32 to index
        %swap3A_1237 = tpu.vector_load %arg10[%swap3A_1235, %swap3A_1236] {strides = array<i32>} : memref<40x2048xf32, #tpu.memory_space<vmem>>, vector<1x16xf32>,
        %swap3A_1238 = vector.shape_cast %swap3A_1237 : vector<1x16xf32> to vector<16xf32>
        %swap3A_1239 = vector.shape_cast %get3A_1223 : vector<16xf32> to vector<1x16xf32>
        tpu.vector_store %arg10[%swap3A_1235, %swap3A_1236], %swap3A_1239 {add = true, strides = array<i32>} : memref<40x2048xf32, #tpu.memory_space<vmem>>, vector<1x16xf32>,
        %mul3A_1240 = arith.constant 16 : i32
        %mul3A_1241 = arith.muli %add3A_1169, %mul3A_1240 : i32
        %swap3A_1242 = arith.constant 7 : i32
        %swap3A_1243 = arith.index_cast %swap3A_1242 : i32 to index
        %swap3A_1244 = arith.index_cast %mul3A_1241 : i32 to index
        %swap3A_1245 = tpu.vector_load %arg10[%swap3A_1243, %swap3A_1244] {strides = array<i32>} : memref<40x2048xf32, #tpu.memory_space<vmem>>, vector<1x16xf32>,
        %swap3A_1246 = vector.shape_cast %swap3A_1245 : vector<1x16xf32> to vector<16xf32>
        %swap3A_1247 = vector.shape_cast %get3A_1223 : vector<16xf32> to vector<1x16xf32>
        tpu.vector_store %arg10[%swap3A_1243, %swap3A_1244], %swap3A_1247 {add = true, strides = array<i32>} : memref<40x2048xf32, #tpu.memory_space<vmem>>, vector<1x16xf32>,
        %mul3A_1248 = arith.constant 16 : i32
        %mul3A_1249 = arith.muli %add3A_1169, %mul3A_1248 : i32
        %swap3A_1250 = arith.constant 8 : i32
        %swap3A_1251 = arith.index_cast %swap3A_1250 : i32 to index
        %swap3A_1252 = arith.index_cast %mul3A_1249 : i32 to index
        %swap3A_1253 = tpu.vector_load %arg10[%swap3A_1251, %swap3A_1252] {strides = array<i32>} : memref<40x2048xf32, #tpu.memory_space<vmem>>, vector<1x16xf32>,
        %swap3A_1254 = vector.shape_cast %swap3A_1253 : vector<1x16xf32> to vector<16xf32>
        %swap3A_1255 = vector.shape_cast %get3A_1223 : vector<16xf32> to vector<1x16xf32>
        tpu.vector_store %arg10[%swap3A_1251, %swap3A_1252], %swap3A_1255 {add = true, strides = array<i32>} : memref<40x2048xf32, #tpu.memory_space<vmem>>, vector<1x16xf32>,
        %mul3A_1256 = arith.constant 16 : i32
        %mul3A_1257 = arith.muli %add3A_1169, %mul3A_1256 : i32
        %swap3A_1258 = arith.constant 9 : i32
        %swap3A_1259 = arith.index_cast %swap3A_1258 : i32 to index
        %swap3A_1260 = arith.index_cast %mul3A_1257 : i32 to index
        %swap3A_1261 = tpu.vector_load %arg10[%swap3A_1259, %swap3A_1260] {strides = array<i32>} : memref<40x2048xf32, #tpu.memory_space<vmem>>, vector<1x16xf32>,
        %swap3A_1262 = vector.shape_cast %swap3A_1261 : vector<1x16xf32> to vector<16xf32>
        %swap3A_1263 = vector.shape_cast %get3A_1223 : vector<16xf32> to vector<1x16xf32>
        tpu.vector_store %arg10[%swap3A_1259, %swap3A_1260], %swap3A_1263 {add = true, strides = array<i32>} : memref<40x2048xf32, #tpu.memory_space<vmem>>, vector<1x16xf32>,
        %mul3A_1264 = arith.constant 16 : i32
        %mul3A_1265 = arith.muli %add3A_1169, %mul3A_1264 : i32
        %get3A_1266 = arith.constant 2 : i32
        %get3A_1267 = arith.index_cast %get3A_1266 : i32 to index
        %get3A_1268 = arith.index_cast %mul3A_1265 : i32 to index
        %get3A_1269 = tpu.vector_load %arg9[%get3A_1267, %get3A_1268] {strides = array<i32>} : memref<8x2048xf32, #tpu.memory_space<vmem>>, vector<1x16xf32>,
        %get3A_1270 = vector.shape_cast %get3A_1269 : vector<1x16xf32> to vector<16xf32>
        %mul3A_1271 = arith.constant 16 : i32
        %mul3A_1272 = arith.muli %add3A_1169, %mul3A_1271 : i32
        %swap3A_1273 = arith.constant 10 : i32
        %swap3A_1274 = arith.index_cast %swap3A_1273 : i32 to index
        %swap3A_1275 = arith.index_cast %mul3A_1272 : i32 to index
        %swap3A_1276 = tpu.vector_load %arg10[%swap3A_1274, %swap3A_1275] {strides = array<i32>} : memref<40x2048xf32, #tpu.memory_space<vmem>>, vector<1x16xf32>,
        %swap3A_1277 = vector.shape_cast %swap3A_1276 : vector<1x16xf32> to vector<16xf32>
        %swap3A_1278 = vector.shape_cast %get3A_1270 : vector<16xf32> to vector<1x16xf32>
        tpu.vector_store %arg10[%swap3A_1274, %swap3A_1275], %swap3A_1278 {add = true, strides = array<i32>} : memref<40x2048xf32, #tpu.memory_space<vmem>>, vector<1x16xf32>,
        %mul3A_1279 = arith.constant 16 : i32
        %mul3A_1280 = arith.muli %add3A_1169, %mul3A_1279 : i32
        %swap3A_1281 = arith.constant 11 : i32
        %swap3A_1282 = arith.index_cast %swap3A_1281 : i32 to index
        %swap3A_1283 = arith.index_cast %mul3A_1280 : i32 to index
        %swap3A_1284 = tpu.vector_load %arg10[%swap3A_1282, %swap3A_1283] {strides = array<i32>} : memref<40x2048xf32, #tpu.memory_space<vmem>>, vector<1x16xf32>,
        %swap3A_1285 = vector.shape_cast %swap3A_1284 : vector<1x16xf32> to vector<16xf32>
        %swap3A_1286 = vector.shape_cast %get3A_1270 : vector<16xf32> to vector<1x16xf32>
        tpu.vector_store %arg10[%swap3A_1282, %swap3A_1283], %swap3A_1286 {add = true, strides = array<i32>} : memref<40x2048xf32, #tpu.memory_space<vmem>>, vector<1x16xf32>,
        %mul3A_1287 = arith.constant 16 : i32
        %mul3A_1288 = arith.muli %add3A_1169, %mul3A_1287 : i32
        %swap3A_1289 = arith.constant 12 : i32
        %swap3A_1290 = arith.index_cast %swap3A_1289 : i32 to index
        %swap3A_1291 = arith.index_cast %mul3A_1288 : i32 to index
        %swap3A_1292 = tpu.vector_load %arg10[%swap3A_1290, %swap3A_1291] {strides = array<i32>} : memref<40x2048xf32, #tpu.memory_space<vmem>>, vector<1x16xf32>,
        %swap3A_1293 = vector.shape_cast %swap3A_1292 : vector<1x16xf32> to vector<16xf32>
        %swap3A_1294 = vector.shape_cast %get3A_1270 : vector<16xf32> to vector<1x16xf32>
        tpu.vector_store %arg10[%swap3A_1290, %swap3A_1291], %swap3A_1294 {add = true, strides = array<i32>} : memref<40x2048xf32, #tpu.memory_space<vmem>>, vector<1x16xf32>,
        %mul3A_1295 = arith.constant 16 : i32
        %mul3A_1296 = arith.muli %add3A_1169, %mul3A_1295 : i32
        %swap3A_1297 = arith.constant 13 : i32
        %swap3A_1298 = arith.index_cast %swap3A_1297 : i32 to index
        %swap3A_1299 = arith.index_cast %mul3A_1296 : i32 to index
        %swap3A_1300 = tpu.vector_load %arg10[%swap3A_1298, %swap3A_1299] {strides = array<i32>} : memref<40x2048xf32, #tpu.memory_space<vmem>>, vector<1x16xf32>,
        %swap3A_1301 = vector.shape_cast %swap3A_1300 : vector<1x16xf32> to vector<16xf32>
        %swap3A_1302 = vector.shape_cast %get3A_1270 : vector<16xf32> to vector<1x16xf32>
        tpu.vector_store %arg10[%swap3A_1298, %swap3A_1299], %swap3A_1302 {add = true, strides = array<i32>} : memref<40x2048xf32, #tpu.memory_space<vmem>>, vector<1x16xf32>,
        %mul3A_1303 = arith.constant 16 : i32
        %mul3A_1304 = arith.muli %add3A_1169, %mul3A_1303 : i32
        %swap3A_1305 = arith.constant 14 : i32
        %swap3A_1306 = arith.index_cast %swap3A_1305 : i32 to index
        %swap3A_1307 = arith.index_cast %mul3A_1304 : i32 to index
        %swap3A_1308 = tpu.vector_load %arg10[%swap3A_1306, %swap3A_1307] {strides = array<i32>} : memref<40x2048xf32, #tpu.memory_space<vmem>>, vector<1x16xf32>,
        %swap3A_1309 = vector.shape_cast %swap3A_1308 : vector<1x16xf32> to vector<16xf32>
        %swap3A_1310 = vector.shape_cast %get3A_1270 : vector<16xf32> to vector<1x16xf32>
        tpu.vector_store %arg10[%swap3A_1306, %swap3A_1307], %swap3A_1310 {add = true, strides = array<i32>} : memref<40x2048xf32, #tpu.memory_space<vmem>>, vector<1x16xf32>,
        %mul3A_1311 = arith.constant 16 : i32
        %mul3A_1312 = arith.muli %add3A_1169, %mul3A_1311 : i32
        %get3A_1313 = arith.constant 3 : i32
        %get3A_1314 = arith.index_cast %get3A_1313 : i32 to index
        %get3A_1315 = arith.index_cast %mul3A_1312 : i32 to index
        %get3A_1316 = tpu.vector_load %arg9[%get3A_1314, %get3A_1315] {strides = array<i32>} : memref<8x2048xf32, #tpu.memory_space<vmem>>, vector<1x16xf32>,
        %get3A_1317 = vector.shape_cast %get3A_1316 : vector<1x16xf32> to vector<16xf32>
        %mul3A_1318 = arith.constant 16 : i32
        %mul3A_1319 = arith.muli %add3A_1169, %mul3A_1318 : i32
        %swap3A_1320 = arith.constant 15 : i32
        %swap3A_1321 = arith.index_cast %swap3A_1320 : i32 to index
        %swap3A_1322 = arith.index_cast %mul3A_1319 : i32 to index
        %swap3A_1323 = tpu.vector_load %arg10[%swap3A_1321, %swap3A_1322] {strides = array<i32>} : memref<40x2048xf32, #tpu.memory_space<vmem>>, vector<1x16xf32>,
        %swap3A_1324 = vector.shape_cast %swap3A_1323 : vector<1x16xf32> to vector<16xf32>
        %swap3A_1325 = vector.shape_cast %get3A_1317 : vector<16xf32> to vector<1x16xf32>
        tpu.vector_store %arg10[%swap3A_1321, %swap3A_1322], %swap3A_1325 {add = true, strides = array<i32>} : memref<40x2048xf32, #tpu.memory_space<vmem>>, vector<1x16xf32>,
        %mul3A_1326 = arith.constant 16 : i32
        %mul3A_1327 = arith.muli %add3A_1169, %mul3A_1326 : i32
        %swap3A_1328 = arith.constant 16 : i32
        %swap3A_1329 = arith.index_cast %swap3A_1328 : i32 to index
        %swap3A_1330 = arith.index_cast %mul3A_1327 : i32 to index
        %swap3A_1331 = tpu.vector_load %arg10[%swap3A_1329, %swap3A_1330] {strides = array<i32>} : memref<40x2048xf32, #tpu.memory_space<vmem>>, vector<1x16xf32>,
        %swap3A_1332 = vector.shape_cast %swap3A_1331 : vector<1x16xf32> to vector<16xf32>
        %swap3A_1333 = vector.shape_cast %get3A_1317 : vector<16xf32> to vector<1x16xf32>
        tpu.vector_store %arg10[%swap3A_1329, %swap3A_1330], %swap3A_1333 {add = true, strides = array<i32>} : memref<40x2048xf32, #tpu.memory_space<vmem>>, vector<1x16xf32>,
        %mul3A_1334 = arith.constant 16 : i32
        %mul3A_1335 = arith.muli %add3A_1169, %mul3A_1334 : i32
        %swap3A_1336 = arith.constant 17 : i32
        %swap3A_1337 = arith.index_cast %swap3A_1336 : i32 to index
        %swap3A_1338 = arith.index_cast %mul3A_1335 : i32 to index
        %swap3A_1339 = tpu.vector_load %arg10[%swap3A_1337, %swap3A_1338] {strides = array<i32>} : memref<40x2048xf32, #tpu.memory_space<vmem>>, vector<1x16xf32>,
        %swap3A_1340 = vector.shape_cast %swap3A_1339 : vector<1x16xf32> to vector<16xf32>
        %swap3A_1341 = vector.shape_cast %get3A_1317 : vector<16xf32> to vector<1x16xf32>
        tpu.vector_store %arg10[%swap3A_1337, %swap3A_1338], %swap3A_1341 {add = true, strides = array<i32>} : memref<40x2048xf32, #tpu.memory_space<vmem>>, vector<1x16xf32>,
        %mul3A_1342 = arith.constant 16 : i32
        %mul3A_1343 = arith.muli %add3A_1169, %mul3A_1342 : i32
        %swap3A_1344 = arith.constant 18 : i32
        %swap3A_1345 = arith.index_cast %swap3A_1344 : i32 to index
        %swap3A_1346 = arith.index_cast %mul3A_1343 : i32 to index
        %swap3A_1347 = tpu.vector_load %arg10[%swap3A_1345, %swap3A_1346] {strides = array<i32>} : memref<40x2048xf32, #tpu.memory_space<vmem>>, vector<1x16xf32>,
        %swap3A_1348 = vector.shape_cast %swap3A_1347 : vector<1x16xf32> to vector<16xf32>
        %swap3A_1349 = vector.shape_cast %get3A_1317 : vector<16xf32> to vector<1x16xf32>
        tpu.vector_store %arg10[%swap3A_1345, %swap3A_1346], %swap3A_1349 {add = true, strides = array<i32>} : memref<40x2048xf32, #tpu.memory_space<vmem>>, vector<1x16xf32>,
        %mul3A_1350 = arith.constant 16 : i32
        %mul3A_1351 = arith.muli %add3A_1169, %mul3A_1350 : i32
        %swap3A_1352 = arith.constant 19 : i32
        %swap3A_1353 = arith.index_cast %swap3A_1352 : i32 to index
        %swap3A_1354 = arith.index_cast %mul3A_1351 : i32 to index
        %swap3A_1355 = tpu.vector_load %arg10[%swap3A_1353, %swap3A_1354] {strides = array<i32>} : memref<40x2048xf32, #tpu.memory_space<vmem>>, vector<1x16xf32>,
        %swap3A_1356 = vector.shape_cast %swap3A_1355 : vector<1x16xf32> to vector<16xf32>
        %swap3A_1357 = vector.shape_cast %get3A_1317 : vector<16xf32> to vector<1x16xf32>
        tpu.vector_store %arg10[%swap3A_1353, %swap3A_1354], %swap3A_1357 {add = true, strides = array<i32>} : memref<40x2048xf32, #tpu.memory_space<vmem>>, vector<1x16xf32>,
        %mul3A_1358 = arith.constant 16 : i32
        %mul3A_1359 = arith.muli %add3A_1169, %mul3A_1358 : i32
        %get3A_1360 = arith.constant 4 : i32
        %get3A_1361 = arith.index_cast %get3A_1360 : i32 to index
        %get3A_1362 = arith.index_cast %mul3A_1359 : i32 to index
        %get3A_1363 = tpu.vector_load %arg9[%get3A_1361, %get3A_1362] {strides = array<i32>} : memref<8x2048xf32, #tpu.memory_space<vmem>>, vector<1x16xf32>,
        %get3A_1364 = vector.shape_cast %get3A_1363 : vector<1x16xf32> to vector<16xf32>
        %mul3A_1365 = arith.constant 16 : i32
        %mul3A_1366 = arith.muli %add3A_1169, %mul3A_1365 : i32
        %swap3A_1367 = arith.constant 20 : i32
        %swap3A_1368 = arith.index_cast %swap3A_1367 : i32 to index
        %swap3A_1369 = arith.index_cast %mul3A_1366 : i32 to index
        %swap3A_1370 = tpu.vector_load %arg10[%swap3A_1368, %swap3A_1369] {strides = array<i32>} : memref<40x2048xf32, #tpu.memory_space<vmem>>, vector<1x16xf32>,
        %swap3A_1371 = vector.shape_cast %swap3A_1370 : vector<1x16xf32> to vector<16xf32>
        %swap3A_1372 = vector.shape_cast %get3A_1364 : vector<16xf32> to vector<1x16xf32>
        tpu.vector_store %arg10[%swap3A_1368, %swap3A_1369], %swap3A_1372 {add = true, strides = array<i32>} : memref<40x2048xf32, #tpu.memory_space<vmem>>, vector<1x16xf32>,
        %mul3A_1373 = arith.constant 16 : i32
        %mul3A_1374 = arith.muli %add3A_1169, %mul3A_1373 : i32
        %swap3A_1375 = arith.constant 21 : i32
        %swap3A_1376 = arith.index_cast %swap3A_1375 : i32 to index
        %swap3A_1377 = arith.index_cast %mul3A_1374 : i32 to index
        %swap3A_1378 = tpu.vector_load %arg10[%swap3A_1376, %swap3A_1377] {strides = array<i32>} : memref<40x2048xf32, #tpu.memory_space<vmem>>, vector<1x16xf32>,
        %swap3A_1379 = vector.shape_cast %swap3A_1378 : vector<1x16xf32> to vector<16xf32>
        %swap3A_1380 = vector.shape_cast %get3A_1364 : vector<16xf32> to vector<1x16xf32>
        tpu.vector_store %arg10[%swap3A_1376, %swap3A_1377], %swap3A_1380 {add = true, strides = array<i32>} : memref<40x2048xf32, #tpu.memory_space<vmem>>, vector<1x16xf32>,
        %mul3A_1381 = arith.constant 16 : i32
        %mul3A_1382 = arith.muli %add3A_1169, %mul3A_1381 : i32
        %swap3A_1383 = arith.constant 22 : i32
        %swap3A_1384 = arith.index_cast %swap3A_1383 : i32 to index
        %swap3A_1385 = arith.index_cast %mul3A_1382 : i32 to index
        %swap3A_1386 = tpu.vector_load %arg10[%swap3A_1384, %swap3A_1385] {strides = array<i32>} : memref<40x2048xf32, #tpu.memory_space<vmem>>, vector<1x16xf32>,
        %swap3A_1387 = vector.shape_cast %swap3A_1386 : vector<1x16xf32> to vector<16xf32>
        %swap3A_1388 = vector.shape_cast %get3A_1364 : vector<16xf32> to vector<1x16xf32>
        tpu.vector_store %arg10[%swap3A_1384, %swap3A_1385], %swap3A_1388 {add = true, strides = array<i32>} : memref<40x2048xf32, #tpu.memory_space<vmem>>, vector<1x16xf32>,
        %mul3A_1389 = arith.constant 16 : i32
        %mul3A_1390 = arith.muli %add3A_1169, %mul3A_1389 : i32
        %swap3A_1391 = arith.constant 23 : i32
        %swap3A_1392 = arith.index_cast %swap3A_1391 : i32 to index
        %swap3A_1393 = arith.index_cast %mul3A_1390 : i32 to index
        %swap3A_1394 = tpu.vector_load %arg10[%swap3A_1392, %swap3A_1393] {strides = array<i32>} : memref<40x2048xf32, #tpu.memory_space<vmem>>, vector<1x16xf32>,
        %swap3A_1395 = vector.shape_cast %swap3A_1394 : vector<1x16xf32> to vector<16xf32>
        %swap3A_1396 = vector.shape_cast %get3A_1364 : vector<16xf32> to vector<1x16xf32>
        tpu.vector_store %arg10[%swap3A_1392, %swap3A_1393], %swap3A_1396 {add = true, strides = array<i32>} : memref<40x2048xf32, #tpu.memory_space<vmem>>, vector<1x16xf32>,
        %mul3A_1397 = arith.constant 16 : i32
        %mul3A_1398 = arith.muli %add3A_1169, %mul3A_1397 : i32
        %swap3A_1399 = arith.constant 24 : i32
        %swap3A_1400 = arith.index_cast %swap3A_1399 : i32 to index
        %swap3A_1401 = arith.index_cast %mul3A_1398 : i32 to index
        %swap3A_1402 = tpu.vector_load %arg10[%swap3A_1400, %swap3A_1401] {strides = array<i32>} : memref<40x2048xf32, #tpu.memory_space<vmem>>, vector<1x16xf32>,
        %swap3A_1403 = vector.shape_cast %swap3A_1402 : vector<1x16xf32> to vector<16xf32>
        %swap3A_1404 = vector.shape_cast %get3A_1364 : vector<16xf32> to vector<1x16xf32>
        tpu.vector_store %arg10[%swap3A_1400, %swap3A_1401], %swap3A_1404 {add = true, strides = array<i32>} : memref<40x2048xf32, #tpu.memory_space<vmem>>, vector<1x16xf32>,
        %mul3A_1405 = arith.constant 16 : i32
        %mul3A_1406 = arith.muli %add3A_1169, %mul3A_1405 : i32
        %get3A_1407 = arith.constant 5 : i32
        %get3A_1408 = arith.index_cast %get3A_1407 : i32 to index
        %get3A_1409 = arith.index_cast %mul3A_1406 : i32 to index
        %get3A_1410 = tpu.vector_load %arg9[%get3A_1408, %get3A_1409] {strides = array<i32>} : memref<8x2048xf32, #tpu.memory_space<vmem>>, vector<1x16xf32>,
        %get3A_1411 = vector.shape_cast %get3A_1410 : vector<1x16xf32> to vector<16xf32>
        %mul3A_1412 = arith.constant 16 : i32
        %mul3A_1413 = arith.muli %add3A_1169, %mul3A_1412 : i32
        %swap3A_1414 = arith.constant 25 : i32
        %swap3A_1415 = arith.index_cast %swap3A_1414 : i32 to index
        %swap3A_1416 = arith.index_cast %mul3A_1413 : i32 to index
        %swap3A_1417 = tpu.vector_load %arg10[%swap3A_1415, %swap3A_1416] {strides = array<i32>} : memref<40x2048xf32, #tpu.memory_space<vmem>>, vector<1x16xf32>,
        %swap3A_1418 = vector.shape_cast %swap3A_1417 : vector<1x16xf32> to vector<16xf32>
        %swap3A_1419 = vector.shape_cast %get3A_1411 : vector<16xf32> to vector<1x16xf32>
        tpu.vector_store %arg10[%swap3A_1415, %swap3A_1416], %swap3A_1419 {add = true, strides = array<i32>} : memref<40x2048xf32, #tpu.memory_space<vmem>>, vector<1x16xf32>,
        %mul3A_1420 = arith.constant 16 : i32
        %mul3A_1421 = arith.muli %add3A_1169, %mul3A_1420 : i32
        %swap3A_1422 = arith.constant 26 : i32
        %swap3A_1423 = arith.index_cast %swap3A_1422 : i32 to index
        %swap3A_1424 = arith.index_cast %mul3A_1421 : i32 to index
        %swap3A_1425 = tpu.vector_load %arg10[%swap3A_1423, %swap3A_1424] {strides = array<i32>} : memref<40x2048xf32, #tpu.memory_space<vmem>>, vector<1x16xf32>,
        %swap3A_1426 = vector.shape_cast %swap3A_1425 : vector<1x16xf32> to vector<16xf32>
        %swap3A_1427 = vector.shape_cast %get3A_1411 : vector<16xf32> to vector<1x16xf32>
        tpu.vector_store %arg10[%swap3A_1423, %swap3A_1424], %swap3A_1427 {add = true, strides = array<i32>} : memref<40x2048xf32, #tpu.memory_space<vmem>>, vector<1x16xf32>,
        %mul3A_1428 = arith.constant 16 : i32
        %mul3A_1429 = arith.muli %add3A_1169, %mul3A_1428 : i32
        %swap3A_1430 = arith.constant 27 : i32
        %swap3A_1431 = arith.index_cast %swap3A_1430 : i32 to index
        %swap3A_1432 = arith.index_cast %mul3A_1429 : i32 to index
        %swap3A_1433 = tpu.vector_load %arg10[%swap3A_1431, %swap3A_1432] {strides = array<i32>} : memref<40x2048xf32, #tpu.memory_space<vmem>>, vector<1x16xf32>,
        %swap3A_1434 = vector.shape_cast %swap3A_1433 : vector<1x16xf32> to vector<16xf32>
        %swap3A_1435 = vector.shape_cast %get3A_1411 : vector<16xf32> to vector<1x16xf32>
        tpu.vector_store %arg10[%swap3A_1431, %swap3A_1432], %swap3A_1435 {add = true, strides = array<i32>} : memref<40x2048xf32, #tpu.memory_space<vmem>>, vector<1x16xf32>,
        %mul3A_1436 = arith.constant 16 : i32
        %mul3A_1437 = arith.muli %add3A_1169, %mul3A_1436 : i32
        %swap3A_1438 = arith.constant 28 : i32
        %swap3A_1439 = arith.index_cast %swap3A_1438 : i32 to index
        %swap3A_1440 = arith.index_cast %mul3A_1437 : i32 to index
        %swap3A_1441 = tpu.vector_load %arg10[%swap3A_1439, %swap3A_1440] {strides = array<i32>} : memref<40x2048xf32, #tpu.memory_space<vmem>>, vector<1x16xf32>,
        %swap3A_1442 = vector.shape_cast %swap3A_1441 : vector<1x16xf32> to vector<16xf32>
        %swap3A_1443 = vector.shape_cast %get3A_1411 : vector<16xf32> to vector<1x16xf32>
        tpu.vector_store %arg10[%swap3A_1439, %swap3A_1440], %swap3A_1443 {add = true, strides = array<i32>} : memref<40x2048xf32, #tpu.memory_space<vmem>>, vector<1x16xf32>,
        %mul3A_1444 = arith.constant 16 : i32
        %mul3A_1445 = arith.muli %add3A_1169, %mul3A_1444 : i32
        %swap3A_1446 = arith.constant 29 : i32
        %swap3A_1447 = arith.index_cast %swap3A_1446 : i32 to index
        %swap3A_1448 = arith.index_cast %mul3A_1445 : i32 to index
        %swap3A_1449 = tpu.vector_load %arg10[%swap3A_1447, %swap3A_1448] {strides = array<i32>} : memref<40x2048xf32, #tpu.memory_space<vmem>>, vector<1x16xf32>,
        %swap3A_1450 = vector.shape_cast %swap3A_1449 : vector<1x16xf32> to vector<16xf32>
        %swap3A_1451 = vector.shape_cast %get3A_1411 : vector<16xf32> to vector<1x16xf32>
        tpu.vector_store %arg10[%swap3A_1447, %swap3A_1448], %swap3A_1451 {add = true, strides = array<i32>} : memref<40x2048xf32, #tpu.memory_space<vmem>>, vector<1x16xf32>,
        %mul3A_1452 = arith.constant 16 : i32
        %mul3A_1453 = arith.muli %add3A_1169, %mul3A_1452 : i32
        %get3A_1454 = arith.constant 6 : i32
        %get3A_1455 = arith.index_cast %get3A_1454 : i32 to index
        %get3A_1456 = arith.index_cast %mul3A_1453 : i32 to index
        %get3A_1457 = tpu.vector_load %arg9[%get3A_1455, %get3A_1456] {strides = array<i32>} : memref<8x2048xf32, #tpu.memory_space<vmem>>, vector<1x16xf32>,
        %get3A_1458 = vector.shape_cast %get3A_1457 : vector<1x16xf32> to vector<16xf32>
        %mul3A_1459 = arith.constant 16 : i32
        %mul3A_1460 = arith.muli %add3A_1169, %mul3A_1459 : i32
        %swap3A_1461 = arith.constant 30 : i32
        %swap3A_1462 = arith.index_cast %swap3A_1461 : i32 to index
        %swap3A_1463 = arith.index_cast %mul3A_1460 : i32 to index
        %swap3A_1464 = tpu.vector_load %arg10[%swap3A_1462, %swap3A_1463] {strides = array<i32>} : memref<40x2048xf32, #tpu.memory_space<vmem>>, vector<1x16xf32>,
        %swap3A_1465 = vector.shape_cast %swap3A_1464 : vector<1x16xf32> to vector<16xf32>
        %swap3A_1466 = vector.shape_cast %get3A_1458 : vector<16xf32> to vector<1x16xf32>
        tpu.vector_store %arg10[%swap3A_1462, %swap3A_1463], %swap3A_1466 {add = true, strides = array<i32>} : memref<40x2048xf32, #tpu.memory_space<vmem>>, vector<1x16xf32>,
        %mul3A_1467 = arith.constant 16 : i32
        %mul3A_1468 = arith.muli %add3A_1169, %mul3A_1467 : i32
        %swap3A_1469 = arith.constant 31 : i32
        %swap3A_1470 = arith.index_cast %swap3A_1469 : i32 to index
        %swap3A_1471 = arith.index_cast %mul3A_1468 : i32 to index
        %swap3A_1472 = tpu.vector_load %arg10[%swap3A_1470, %swap3A_1471] {strides = array<i32>} : memref<40x2048xf32, #tpu.memory_space<vmem>>, vector<1x16xf32>,
        %swap3A_1473 = vector.shape_cast %swap3A_1472 : vector<1x16xf32> to vector<16xf32>
        %swap3A_1474 = vector.shape_cast %get3A_1458 : vector<16xf32> to vector<1x16xf32>
        tpu.vector_store %arg10[%swap3A_1470, %swap3A_1471], %swap3A_1474 {add = true, strides = array<i32>} : memref<40x2048xf32, #tpu.memory_space<vmem>>, vector<1x16xf32>,
        %mul3A_1475 = arith.constant 16 : i32
        %mul3A_1476 = arith.muli %add3A_1169, %mul3A_1475 : i32
        %swap3A_1477 = arith.constant 32 : i32
        %swap3A_1478 = arith.index_cast %swap3A_1477 : i32 to index
        %swap3A_1479 = arith.index_cast %mul3A_1476 : i32 to index
        %swap3A_1480 = tpu.vector_load %arg10[%swap3A_1478, %swap3A_1479] {strides = array<i32>} : memref<40x2048xf32, #tpu.memory_space<vmem>>, vector<1x16xf32>,
        %swap3A_1481 = vector.shape_cast %swap3A_1480 : vector<1x16xf32> to vector<16xf32>
        %swap3A_1482 = vector.shape_cast %get3A_1458 : vector<16xf32> to vector<1x16xf32>
        tpu.vector_store %arg10[%swap3A_1478, %swap3A_1479], %swap3A_1482 {add = true, strides = array<i32>} : memref<40x2048xf32, #tpu.memory_space<vmem>>, vector<1x16xf32>,
        %mul3A_1483 = arith.constant 16 : i32
        %mul3A_1484 = arith.muli %add3A_1169, %mul3A_1483 : i32
        %swap3A_1485 = arith.constant 33 : i32
        %swap3A_1486 = arith.index_cast %swap3A_1485 : i32 to index
        %swap3A_1487 = arith.index_cast %mul3A_1484 : i32 to index
        %swap3A_1488 = tpu.vector_load %arg10[%swap3A_1486, %swap3A_1487] {strides = array<i32>} : memref<40x2048xf32, #tpu.memory_space<vmem>>, vector<1x16xf32>,
        %swap3A_1489 = vector.shape_cast %swap3A_1488 : vector<1x16xf32> to vector<16xf32>
        %swap3A_1490 = vector.shape_cast %get3A_1458 : vector<16xf32> to vector<1x16xf32>
        tpu.vector_store %arg10[%swap3A_1486, %swap3A_1487], %swap3A_1490 {add = true, strides = array<i32>} : memref<40x2048xf32, #tpu.memory_space<vmem>>, vector<1x16xf32>,
        %mul3A_1491 = arith.constant 16 : i32
        %mul3A_1492 = arith.muli %add3A_1169, %mul3A_1491 : i32
        %swap3A_1493 = arith.constant 34 : i32
        %swap3A_1494 = arith.index_cast %swap3A_1493 : i32 to index
        %swap3A_1495 = arith.index_cast %mul3A_1492 : i32 to index
        %swap3A_1496 = tpu.vector_load %arg10[%swap3A_1494, %swap3A_1495] {strides = array<i32>} : memref<40x2048xf32, #tpu.memory_space<vmem>>, vector<1x16xf32>,
        %swap3A_1497 = vector.shape_cast %swap3A_1496 : vector<1x16xf32> to vector<16xf32>
        %swap3A_1498 = vector.shape_cast %get3A_1458 : vector<16xf32> to vector<1x16xf32>
        tpu.vector_store %arg10[%swap3A_1494, %swap3A_1495], %swap3A_1498 {add = true, strides = array<i32>} : memref<40x2048xf32, #tpu.memory_space<vmem>>, vector<1x16xf32>,
        %mul3A_1499 = arith.constant 16 : i32
        %mul3A_1500 = arith.muli %add3A_1169, %mul3A_1499 : i32
        %get3A_1501 = arith.constant 7 : i32
        %get3A_1502 = arith.index_cast %get3A_1501 : i32 to index
        %get3A_1503 = arith.index_cast %mul3A_1500 : i32 to index
        %get3A_1504 = tpu.vector_load %arg9[%get3A_1502, %get3A_1503] {strides = array<i32>} : memref<8x2048xf32, #tpu.memory_space<vmem>>, vector<1x16xf32>,
        %get3A_1505 = vector.shape_cast %get3A_1504 : vector<1x16xf32> to vector<16xf32>
        %mul3A_1506 = arith.constant 16 : i32
        %mul3A_1507 = arith.muli %add3A_1169, %mul3A_1506 : i32
        %swap3A_1508 = arith.constant 35 : i32
        %swap3A_1509 = arith.index_cast %swap3A_1508 : i32 to index
        %swap3A_1510 = arith.index_cast %mul3A_1507 : i32 to index
        %swap3A_1511 = tpu.vector_load %arg10[%swap3A_1509, %swap3A_1510] {strides = array<i32>} : memref<40x2048xf32, #tpu.memory_space<vmem>>, vector<1x16xf32>,
        %swap3A_1512 = vector.shape_cast %swap3A_1511 : vector<1x16xf32> to vector<16xf32>
        %swap3A_1513 = vector.shape_cast %get3A_1505 : vector<16xf32> to vector<1x16xf32>
        tpu.vector_store %arg10[%swap3A_1509, %swap3A_1510], %swap3A_1513 {add = true, strides = array<i32>} : memref<40x2048xf32, #tpu.memory_space<vmem>>, vector<1x16xf32>,
        %mul3A_1514 = arith.constant 16 : i32
        %mul3A_1515 = arith.muli %add3A_1169, %mul3A_1514 : i32
        %swap3A_1516 = arith.constant 36 : i32
        %swap3A_1517 = arith.index_cast %swap3A_1516 : i32 to index
        %swap3A_1518 = arith.index_cast %mul3A_1515 : i32 to index
        %swap3A_1519 = tpu.vector_load %arg10[%swap3A_1517, %swap3A_1518] {strides = array<i32>} : memref<40x2048xf32, #tpu.memory_space<vmem>>, vector<1x16xf32>,
        %swap3A_1520 = vector.shape_cast %swap3A_1519 : vector<1x16xf32> to vector<16xf32>
        %swap3A_1521 = vector.shape_cast %get3A_1505 : vector<16xf32> to vector<1x16xf32>
        tpu.vector_store %arg10[%swap3A_1517, %swap3A_1518], %swap3A_1521 {add = true, strides = array<i32>} : memref<40x2048xf32, #tpu.memory_space<vmem>>, vector<1x16xf32>,
        %mul3A_1522 = arith.constant 16 : i32
        %mul3A_1523 = arith.muli %add3A_1169, %mul3A_1522 : i32
        %swap3A_1524 = arith.constant 37 : i32
        %swap3A_1525 = arith.index_cast %swap3A_1524 : i32 to index
        %swap3A_1526 = arith.index_cast %mul3A_1523 : i32 to index
        %swap3A_1527 = tpu.vector_load %arg10[%swap3A_1525, %swap3A_1526] {strides = array<i32>} : memref<40x2048xf32, #tpu.memory_space<vmem>>, vector<1x16xf32>,
        %swap3A_1528 = vector.shape_cast %swap3A_1527 : vector<1x16xf32> to vector<16xf32>
        %swap3A_1529 = vector.shape_cast %get3A_1505 : vector<16xf32> to vector<1x16xf32>
        tpu.vector_store %arg10[%swap3A_1525, %swap3A_1526], %swap3A_1529 {add = true, strides = array<i32>} : memref<40x2048xf32, #tpu.memory_space<vmem>>, vector<1x16xf32>,
        %mul3A_1530 = arith.constant 16 : i32
        %mul3A_1531 = arith.muli %add3A_1169, %mul3A_1530 : i32
        %swap3A_1532 = arith.constant 38 : i32
        %swap3A_1533 = arith.index_cast %swap3A_1532 : i32 to index
        %swap3A_1534 = arith.index_cast %mul3A_1531 : i32 to index
        %swap3A_1535 = tpu.vector_load %arg10[%swap3A_1533, %swap3A_1534] {strides = array<i32>} : memref<40x2048xf32, #tpu.memory_space<vmem>>, vector<1x16xf32>,
        %swap3A_1536 = vector.shape_cast %swap3A_1535 : vector<1x16xf32> to vector<16xf32>
        %swap3A_1537 = vector.shape_cast %get3A_1505 : vector<16xf32> to vector<1x16xf32>
        tpu.vector_store %arg10[%swap3A_1533, %swap3A_1534], %swap3A_1537 {add = true, strides = array<i32>} : memref<40x2048xf32, #tpu.memory_space<vmem>>, vector<1x16xf32>,
        %mul3A_1538 = arith.constant 16 : i32
        %mul3A_1539 = arith.muli %add3A_1169, %mul3A_1538 : i32
        %swap3A_1540 = arith.constant 39 : i32
        %swap3A_1541 = arith.index_cast %swap3A_1540 : i32 to index
        %swap3A_1542 = arith.index_cast %mul3A_1539 : i32 to index
        %swap3A_1543 = tpu.vector_load %arg10[%swap3A_1541, %swap3A_1542] {strides = array<i32>} : memref<40x2048xf32, #tpu.memory_space<vmem>>, vector<1x16xf32>,
        %swap3A_1544 = vector.shape_cast %swap3A_1543 : vector<1x16xf32> to vector<16xf32>
        %swap3A_1545 = vector.shape_cast %get3A_1505 : vector<16xf32> to vector<1x16xf32>
        tpu.vector_store %arg10[%swap3A_1541, %swap3A_1542], %swap3A_1545 {add = true, strides = array<i32>} : memref<40x2048xf32, #tpu.memory_space<vmem>>, vector<1x16xf32>,
        %scan3A_1546 = arith.constant 4 : i32
        %scan3A_1547 = arith.addi %scan3A_21, %scan3A_1546 : i32
        %mul3A_1548 = arith.constant 1 : i32
        %mul3A_1549 = arith.muli %scan3A_1547, %mul3A_1548 : i32
        %add3A_1550 = arith.constant 0 : i32
        %add3A_1551 = arith.addi %add3A_1550, %mul3A_1549 : i32
        %mul3A_1552 = arith.constant 16 : i32
        %mul3A_1553 = arith.muli %add3A_1551, %mul3A_1552 : i32
        %get3A_1554 = arith.constant 0 : i32
        %get3A_1555 = arith.index_cast %get3A_1554 : i32 to index
        %get3A_1556 = arith.index_cast %mul3A_1553 : i32 to index
        %get3A_1557 = tpu.vector_load %arg9[%get3A_1555, %get3A_1556] {strides = array<i32>} : memref<8x2048xf32, #tpu.memory_space<vmem>>, vector<1x16xf32>,
        %get3A_1558 = vector.shape_cast %get3A_1557 : vector<1x16xf32> to vector<16xf32>
        %mul3A_1559 = arith.constant 16 : i32
        %mul3A_1560 = arith.muli %add3A_1551, %mul3A_1559 : i32
        %swap3A_1561 = arith.constant 0 : i32
        %swap3A_1562 = arith.index_cast %swap3A_1561 : i32 to index
        %swap3A_1563 = arith.index_cast %mul3A_1560 : i32 to index
        %swap3A_1564 = tpu.vector_load %arg10[%swap3A_1562, %swap3A_1563] {strides = array<i32>} : memref<40x2048xf32, #tpu.memory_space<vmem>>, vector<1x16xf32>,
        %swap3A_1565 = vector.shape_cast %swap3A_1564 : vector<1x16xf32> to vector<16xf32>
        %swap3A_1566 = vector.shape_cast %get3A_1558 : vector<16xf32> to vector<1x16xf32>
        tpu.vector_store %arg10[%swap3A_1562, %swap3A_1563], %swap3A_1566 {add = true, strides = array<i32>} : memref<40x2048xf32, #tpu.memory_space<vmem>>, vector<1x16xf32>,
        %mul3A_1567 = arith.constant 16 : i32
        %mul3A_1568 = arith.muli %add3A_1551, %mul3A_1567 : i32
        %swap3A_1569 = arith.constant 1 : i32
        %swap3A_1570 = arith.index_cast %swap3A_1569 : i32 to index
        %swap3A_1571 = arith.index_cast %mul3A_1568 : i32 to index
        %swap3A_1572 = tpu.vector_load %arg10[%swap3A_1570, %swap3A_1571] {strides = array<i32>} : memref<40x2048xf32, #tpu.memory_space<vmem>>, vector<1x16xf32>,
        %swap3A_1573 = vector.shape_cast %swap3A_1572 : vector<1x16xf32> to vector<16xf32>
        %swap3A_1574 = vector.shape_cast %get3A_1558 : vector<16xf32> to vector<1x16xf32>
        tpu.vector_store %arg10[%swap3A_1570, %swap3A_1571], %swap3A_1574 {add = true, strides = array<i32>} : memref<40x2048xf32, #tpu.memory_space<vmem>>, vector<1x16xf32>,
        %mul3A_1575 = arith.constant 16 : i32
        %mul3A_1576 = arith.muli %add3A_1551, %mul3A_1575 : i32
        %swap3A_1577 = arith.constant 2 : i32
        %swap3A_1578 = arith.index_cast %swap3A_1577 : i32 to index
        %swap3A_1579 = arith.index_cast %mul3A_1576 : i32 to index
        %swap3A_1580 = tpu.vector_load %arg10[%swap3A_1578, %swap3A_1579] {strides = array<i32>} : memref<40x2048xf32, #tpu.memory_space<vmem>>, vector<1x16xf32>,
        %swap3A_1581 = vector.shape_cast %swap3A_1580 : vector<1x16xf32> to vector<16xf32>
        %swap3A_1582 = vector.shape_cast %get3A_1558 : vector<16xf32> to vector<1x16xf32>
        tpu.vector_store %arg10[%swap3A_1578, %swap3A_1579], %swap3A_1582 {add = true, strides = array<i32>} : memref<40x2048xf32, #tpu.memory_space<vmem>>, vector<1x16xf32>,
        %mul3A_1583 = arith.constant 16 : i32
        %mul3A_1584 = arith.muli %add3A_1551, %mul3A_1583 : i32
        %swap3A_1585 = arith.constant 3 : i32
        %swap3A_1586 = arith.index_cast %swap3A_1585 : i32 to index
        %swap3A_1587 = arith.index_cast %mul3A_1584 : i32 to index
        %swap3A_1588 = tpu.vector_load %arg10[%swap3A_1586, %swap3A_1587] {strides = array<i32>} : memref<40x2048xf32, #tpu.memory_space<vmem>>, vector<1x16xf32>,
        %swap3A_1589 = vector.shape_cast %swap3A_1588 : vector<1x16xf32> to vector<16xf32>
        %swap3A_1590 = vector.shape_cast %get3A_1558 : vector<16xf32> to vector<1x16xf32>
        tpu.vector_store %arg10[%swap3A_1586, %swap3A_1587], %swap3A_1590 {add = true, strides = array<i32>} : memref<40x2048xf32, #tpu.memory_space<vmem>>, vector<1x16xf32>,
        %mul3A_1591 = arith.constant 16 : i32
        %mul3A_1592 = arith.muli %add3A_1551, %mul3A_1591 : i32
        %swap3A_1593 = arith.constant 4 : i32
        %swap3A_1594 = arith.index_cast %swap3A_1593 : i32 to index
        %swap3A_1595 = arith.index_cast %mul3A_1592 : i32 to index
        %swap3A_1596 = tpu.vector_load %arg10[%swap3A_1594, %swap3A_1595] {strides = array<i32>} : memref<40x2048xf32, #tpu.memory_space<vmem>>, vector<1x16xf32>,
        %swap3A_1597 = vector.shape_cast %swap3A_1596 : vector<1x16xf32> to vector<16xf32>
        %swap3A_1598 = vector.shape_cast %get3A_1558 : vector<16xf32> to vector<1x16xf32>
        tpu.vector_store %arg10[%swap3A_1594, %swap3A_1595], %swap3A_1598 {add = true, strides = array<i32>} : memref<40x2048xf32, #tpu.memory_space<vmem>>, vector<1x16xf32>,
        %mul3A_1599 = arith.constant 16 : i32
        %mul3A_1600 = arith.muli %add3A_1551, %mul3A_1599 : i32
        %get3A_1601 = arith.constant 1 : i32
        %get3A_1602 = arith.index_cast %get3A_1601 : i32 to index
        %get3A_1603 = arith.index_cast %mul3A_1600 : i32 to index
        %get3A_1604 = tpu.vector_load %arg9[%get3A_1602, %get3A_1603] {strides = array<i32>} : memref<8x2048xf32, #tpu.memory_space<vmem>>, vector<1x16xf32>,
        %get3A_1605 = vector.shape_cast %get3A_1604 : vector<1x16xf32> to vector<16xf32>
        %mul3A_1606 = arith.constant 16 : i32
        %mul3A_1607 = arith.muli %add3A_1551, %mul3A_1606 : i32
        %swap3A_1608 = arith.constant 5 : i32
        %swap3A_1609 = arith.index_cast %swap3A_1608 : i32 to index
        %swap3A_1610 = arith.index_cast %mul3A_1607 : i32 to index
        %swap3A_1611 = tpu.vector_load %arg10[%swap3A_1609, %swap3A_1610] {strides = array<i32>} : memref<40x2048xf32, #tpu.memory_space<vmem>>, vector<1x16xf32>,
        %swap3A_1612 = vector.shape_cast %swap3A_1611 : vector<1x16xf32> to vector<16xf32>
        %swap3A_1613 = vector.shape_cast %get3A_1605 : vector<16xf32> to vector<1x16xf32>
        tpu.vector_store %arg10[%swap3A_1609, %swap3A_1610], %swap3A_1613 {add = true, strides = array<i32>} : memref<40x2048xf32, #tpu.memory_space<vmem>>, vector<1x16xf32>,
        %mul3A_1614 = arith.constant 16 : i32
        %mul3A_1615 = arith.muli %add3A_1551, %mul3A_1614 : i32
        %swap3A_1616 = arith.constant 6 : i32
        %swap3A_1617 = arith.index_cast %swap3A_1616 : i32 to index
        %swap3A_1618 = arith.index_cast %mul3A_1615 : i32 to index
        %swap3A_1619 = tpu.vector_load %arg10[%swap3A_1617, %swap3A_1618] {strides = array<i32>} : memref<40x2048xf32, #tpu.memory_space<vmem>>, vector<1x16xf32>,
        %swap3A_1620 = vector.shape_cast %swap3A_1619 : vector<1x16xf32> to vector<16xf32>
        %swap3A_1621 = vector.shape_cast %get3A_1605 : vector<16xf32> to vector<1x16xf32>
        tpu.vector_store %arg10[%swap3A_1617, %swap3A_1618], %swap3A_1621 {add = true, strides = array<i32>} : memref<40x2048xf32, #tpu.memory_space<vmem>>, vector<1x16xf32>,
        %mul3A_1622 = arith.constant 16 : i32
        %mul3A_1623 = arith.muli %add3A_1551, %mul3A_1622 : i32
        %swap3A_1624 = arith.constant 7 : i32
        %swap3A_1625 = arith.index_cast %swap3A_1624 : i32 to index
        %swap3A_1626 = arith.index_cast %mul3A_1623 : i32 to index
        %swap3A_1627 = tpu.vector_load %arg10[%swap3A_1625, %swap3A_1626] {strides = array<i32>} : memref<40x2048xf32, #tpu.memory_space<vmem>>, vector<1x16xf32>,
        %swap3A_1628 = vector.shape_cast %swap3A_1627 : vector<1x16xf32> to vector<16xf32>
        %swap3A_1629 = vector.shape_cast %get3A_1605 : vector<16xf32> to vector<1x16xf32>
        tpu.vector_store %arg10[%swap3A_1625, %swap3A_1626], %swap3A_1629 {add = true, strides = array<i32>} : memref<40x2048xf32, #tpu.memory_space<vmem>>, vector<1x16xf32>,
        %mul3A_1630 = arith.constant 16 : i32
        %mul3A_1631 = arith.muli %add3A_1551, %mul3A_1630 : i32
        %swap3A_1632 = arith.constant 8 : i32
        %swap3A_1633 = arith.index_cast %swap3A_1632 : i32 to index
        %swap3A_1634 = arith.index_cast %mul3A_1631 : i32 to index
        %swap3A_1635 = tpu.vector_load %arg10[%swap3A_1633, %swap3A_1634] {strides = array<i32>} : memref<40x2048xf32, #tpu.memory_space<vmem>>, vector<1x16xf32>,
        %swap3A_1636 = vector.shape_cast %swap3A_1635 : vector<1x16xf32> to vector<16xf32>
        %swap3A_1637 = vector.shape_cast %get3A_1605 : vector<16xf32> to vector<1x16xf32>
        tpu.vector_store %arg10[%swap3A_1633, %swap3A_1634], %swap3A_1637 {add = true, strides = array<i32>} : memref<40x2048xf32, #tpu.memory_space<vmem>>, vector<1x16xf32>,
        %mul3A_1638 = arith.constant 16 : i32
        %mul3A_1639 = arith.muli %add3A_1551, %mul3A_1638 : i32
        %swap3A_1640 = arith.constant 9 : i32
        %swap3A_1641 = arith.index_cast %swap3A_1640 : i32 to index
        %swap3A_1642 = arith.index_cast %mul3A_1639 : i32 to index
        %swap3A_1643 = tpu.vector_load %arg10[%swap3A_1641, %swap3A_1642] {strides = array<i32>} : memref<40x2048xf32, #tpu.memory_space<vmem>>, vector<1x16xf32>,
        %swap3A_1644 = vector.shape_cast %swap3A_1643 : vector<1x16xf32> to vector<16xf32>
        %swap3A_1645 = vector.shape_cast %get3A_1605 : vector<16xf32> to vector<1x16xf32>
        tpu.vector_store %arg10[%swap3A_1641, %swap3A_1642], %swap3A_1645 {add = true, strides = array<i32>} : memref<40x2048xf32, #tpu.memory_space<vmem>>, vector<1x16xf32>,
        %mul3A_1646 = arith.constant 16 : i32
        %mul3A_1647 = arith.muli %add3A_1551, %mul3A_1646 : i32
        %get3A_1648 = arith.constant 2 : i32
        %get3A_1649 = arith.index_cast %get3A_1648 : i32 to index
        %get3A_1650 = arith.index_cast %mul3A_1647 : i32 to index
        %get3A_1651 = tpu.vector_load %arg9[%get3A_1649, %get3A_1650] {strides = array<i32>} : memref<8x2048xf32, #tpu.memory_space<vmem>>, vector<1x16xf32>,
        %get3A_1652 = vector.shape_cast %get3A_1651 : vector<1x16xf32> to vector<16xf32>
        %mul3A_1653 = arith.constant 16 : i32
        %mul3A_1654 = arith.muli %add3A_1551, %mul3A_1653 : i32
        %swap3A_1655 = arith.constant 10 : i32
        %swap3A_1656 = arith.index_cast %swap3A_1655 : i32 to index
        %swap3A_1657 = arith.index_cast %mul3A_1654 : i32 to index
        %swap3A_1658 = tpu.vector_load %arg10[%swap3A_1656, %swap3A_1657] {strides = array<i32>} : memref<40x2048xf32, #tpu.memory_space<vmem>>, vector<1x16xf32>,
        %swap3A_1659 = vector.shape_cast %swap3A_1658 : vector<1x16xf32> to vector<16xf32>
        %swap3A_1660 = vector.shape_cast %get3A_1652 : vector<16xf32> to vector<1x16xf32>
        tpu.vector_store %arg10[%swap3A_1656, %swap3A_1657], %swap3A_1660 {add = true, strides = array<i32>} : memref<40x2048xf32, #tpu.memory_space<vmem>>, vector<1x16xf32>,
        %mul3A_1661 = arith.constant 16 : i32
        %mul3A_1662 = arith.muli %add3A_1551, %mul3A_1661 : i32
        %swap3A_1663 = arith.constant 11 : i32
        %swap3A_1664 = arith.index_cast %swap3A_1663 : i32 to index
        %swap3A_1665 = arith.index_cast %mul3A_1662 : i32 to index
        %swap3A_1666 = tpu.vector_load %arg10[%swap3A_1664, %swap3A_1665] {strides = array<i32>} : memref<40x2048xf32, #tpu.memory_space<vmem>>, vector<1x16xf32>,
        %swap3A_1667 = vector.shape_cast %swap3A_1666 : vector<1x16xf32> to vector<16xf32>
        %swap3A_1668 = vector.shape_cast %get3A_1652 : vector<16xf32> to vector<1x16xf32>
        tpu.vector_store %arg10[%swap3A_1664, %swap3A_1665], %swap3A_1668 {add = true, strides = array<i32>} : memref<40x2048xf32, #tpu.memory_space<vmem>>, vector<1x16xf32>,
        %mul3A_1669 = arith.constant 16 : i32
        %mul3A_1670 = arith.muli %add3A_1551, %mul3A_1669 : i32
        %swap3A_1671 = arith.constant 12 : i32
        %swap3A_1672 = arith.index_cast %swap3A_1671 : i32 to index
        %swap3A_1673 = arith.index_cast %mul3A_1670 : i32 to index
        %swap3A_1674 = tpu.vector_load %arg10[%swap3A_1672, %swap3A_1673] {strides = array<i32>} : memref<40x2048xf32, #tpu.memory_space<vmem>>, vector<1x16xf32>,
        %swap3A_1675 = vector.shape_cast %swap3A_1674 : vector<1x16xf32> to vector<16xf32>
        %swap3A_1676 = vector.shape_cast %get3A_1652 : vector<16xf32> to vector<1x16xf32>
        tpu.vector_store %arg10[%swap3A_1672, %swap3A_1673], %swap3A_1676 {add = true, strides = array<i32>} : memref<40x2048xf32, #tpu.memory_space<vmem>>, vector<1x16xf32>,
        %mul3A_1677 = arith.constant 16 : i32
        %mul3A_1678 = arith.muli %add3A_1551, %mul3A_1677 : i32
        %swap3A_1679 = arith.constant 13 : i32
        %swap3A_1680 = arith.index_cast %swap3A_1679 : i32 to index
        %swap3A_1681 = arith.index_cast %mul3A_1678 : i32 to index
        %swap3A_1682 = tpu.vector_load %arg10[%swap3A_1680, %swap3A_1681] {strides = array<i32>} : memref<40x2048xf32, #tpu.memory_space<vmem>>, vector<1x16xf32>,
        %swap3A_1683 = vector.shape_cast %swap3A_1682 : vector<1x16xf32> to vector<16xf32>
        %swap3A_1684 = vector.shape_cast %get3A_1652 : vector<16xf32> to vector<1x16xf32>
        tpu.vector_store %arg10[%swap3A_1680, %swap3A_1681], %swap3A_1684 {add = true, strides = array<i32>} : memref<40x2048xf32, #tpu.memory_space<vmem>>, vector<1x16xf32>,
        %mul3A_1685 = arith.constant 16 : i32
        %mul3A_1686 = arith.muli %add3A_1551, %mul3A_1685 : i32
        %swap3A_1687 = arith.constant 14 : i32
        %swap3A_1688 = arith.index_cast %swap3A_1687 : i32 to index
        %swap3A_1689 = arith.index_cast %mul3A_1686 : i32 to index
        %swap3A_1690 = tpu.vector_load %arg10[%swap3A_1688, %swap3A_1689] {strides = array<i32>} : memref<40x2048xf32, #tpu.memory_space<vmem>>, vector<1x16xf32>,
        %swap3A_1691 = vector.shape_cast %swap3A_1690 : vector<1x16xf32> to vector<16xf32>
        %swap3A_1692 = vector.shape_cast %get3A_1652 : vector<16xf32> to vector<1x16xf32>
        tpu.vector_store %arg10[%swap3A_1688, %swap3A_1689], %swap3A_1692 {add = true, strides = array<i32>} : memref<40x2048xf32, #tpu.memory_space<vmem>>, vector<1x16xf32>,
        %mul3A_1693 = arith.constant 16 : i32
        %mul3A_1694 = arith.muli %add3A_1551, %mul3A_1693 : i32
        %get3A_1695 = arith.constant 3 : i32
        %get3A_1696 = arith.index_cast %get3A_1695 : i32 to index
        %get3A_1697 = arith.index_cast %mul3A_1694 : i32 to index
        %get3A_1698 = tpu.vector_load %arg9[%get3A_1696, %get3A_1697] {strides = array<i32>} : memref<8x2048xf32, #tpu.memory_space<vmem>>, vector<1x16xf32>,
        %get3A_1699 = vector.shape_cast %get3A_1698 : vector<1x16xf32> to vector<16xf32>
        %mul3A_1700 = arith.constant 16 : i32
        %mul3A_1701 = arith.muli %add3A_1551, %mul3A_1700 : i32
        %swap3A_1702 = arith.constant 15 : i32
        %swap3A_1703 = arith.index_cast %swap3A_1702 : i32 to index
        %swap3A_1704 = arith.index_cast %mul3A_1701 : i32 to index
        %swap3A_1705 = tpu.vector_load %arg10[%swap3A_1703, %swap3A_1704] {strides = array<i32>} : memref<40x2048xf32, #tpu.memory_space<vmem>>, vector<1x16xf32>,
        %swap3A_1706 = vector.shape_cast %swap3A_1705 : vector<1x16xf32> to vector<16xf32>
        %swap3A_1707 = vector.shape_cast %get3A_1699 : vector<16xf32> to vector<1x16xf32>
        tpu.vector_store %arg10[%swap3A_1703, %swap3A_1704], %swap3A_1707 {add = true, strides = array<i32>} : memref<40x2048xf32, #tpu.memory_space<vmem>>, vector<1x16xf32>,
        %mul3A_1708 = arith.constant 16 : i32
        %mul3A_1709 = arith.muli %add3A_1551, %mul3A_1708 : i32
        %swap3A_1710 = arith.constant 16 : i32
        %swap3A_1711 = arith.index_cast %swap3A_1710 : i32 to index
        %swap3A_1712 = arith.index_cast %mul3A_1709 : i32 to index
        %swap3A_1713 = tpu.vector_load %arg10[%swap3A_1711, %swap3A_1712] {strides = array<i32>} : memref<40x2048xf32, #tpu.memory_space<vmem>>, vector<1x16xf32>,
        %swap3A_1714 = vector.shape_cast %swap3A_1713 : vector<1x16xf32> to vector<16xf32>
        %swap3A_1715 = vector.shape_cast %get3A_1699 : vector<16xf32> to vector<1x16xf32>
        tpu.vector_store %arg10[%swap3A_1711, %swap3A_1712], %swap3A_1715 {add = true, strides = array<i32>} : memref<40x2048xf32, #tpu.memory_space<vmem>>, vector<1x16xf32>,
        %mul3A_1716 = arith.constant 16 : i32
        %mul3A_1717 = arith.muli %add3A_1551, %mul3A_1716 : i32
        %swap3A_1718 = arith.constant 17 : i32
        %swap3A_1719 = arith.index_cast %swap3A_1718 : i32 to index
        %swap3A_1720 = arith.index_cast %mul3A_1717 : i32 to index
        %swap3A_1721 = tpu.vector_load %arg10[%swap3A_1719, %swap3A_1720] {strides = array<i32>} : memref<40x2048xf32, #tpu.memory_space<vmem>>, vector<1x16xf32>,
        %swap3A_1722 = vector.shape_cast %swap3A_1721 : vector<1x16xf32> to vector<16xf32>
        %swap3A_1723 = vector.shape_cast %get3A_1699 : vector<16xf32> to vector<1x16xf32>
        tpu.vector_store %arg10[%swap3A_1719, %swap3A_1720], %swap3A_1723 {add = true, strides = array<i32>} : memref<40x2048xf32, #tpu.memory_space<vmem>>, vector<1x16xf32>,
        %mul3A_1724 = arith.constant 16 : i32
        %mul3A_1725 = arith.muli %add3A_1551, %mul3A_1724 : i32
        %swap3A_1726 = arith.constant 18 : i32
        %swap3A_1727 = arith.index_cast %swap3A_1726 : i32 to index
        %swap3A_1728 = arith.index_cast %mul3A_1725 : i32 to index
        %swap3A_1729 = tpu.vector_load %arg10[%swap3A_1727, %swap3A_1728] {strides = array<i32>} : memref<40x2048xf32, #tpu.memory_space<vmem>>, vector<1x16xf32>,
        %swap3A_1730 = vector.shape_cast %swap3A_1729 : vector<1x16xf32> to vector<16xf32>
        %swap3A_1731 = vector.shape_cast %get3A_1699 : vector<16xf32> to vector<1x16xf32>
        tpu.vector_store %arg10[%swap3A_1727, %swap3A_1728], %swap3A_1731 {add = true, strides = array<i32>} : memref<40x2048xf32, #tpu.memory_space<vmem>>, vector<1x16xf32>,
        %mul3A_1732 = arith.constant 16 : i32
        %mul3A_1733 = arith.muli %add3A_1551, %mul3A_1732 : i32
        %swap3A_1734 = arith.constant 19 : i32
        %swap3A_1735 = arith.index_cast %swap3A_1734 : i32 to index
        %swap3A_1736 = arith.index_cast %mul3A_1733 : i32 to index
        %swap3A_1737 = tpu.vector_load %arg10[%swap3A_1735, %swap3A_1736] {strides = array<i32>} : memref<40x2048xf32, #tpu.memory_space<vmem>>, vector<1x16xf32>,
        %swap3A_1738 = vector.shape_cast %swap3A_1737 : vector<1x16xf32> to vector<16xf32>
        %swap3A_1739 = vector.shape_cast %get3A_1699 : vector<16xf32> to vector<1x16xf32>
        tpu.vector_store %arg10[%swap3A_1735, %swap3A_1736], %swap3A_1739 {add = true, strides = array<i32>} : memref<40x2048xf32, #tpu.memory_space<vmem>>, vector<1x16xf32>,
        %mul3A_1740 = arith.constant 16 : i32
        %mul3A_1741 = arith.muli %add3A_1551, %mul3A_1740 : i32
        %get3A_1742 = arith.constant 4 : i32
        %get3A_1743 = arith.index_cast %get3A_1742 : i32 to index
        %get3A_1744 = arith.index_cast %mul3A_1741 : i32 to index
        %get3A_1745 = tpu.vector_load %arg9[%get3A_1743, %get3A_1744] {strides = array<i32>} : memref<8x2048xf32, #tpu.memory_space<vmem>>, vector<1x16xf32>,
        %get3A_1746 = vector.shape_cast %get3A_1745 : vector<1x16xf32> to vector<16xf32>
        %mul3A_1747 = arith.constant 16 : i32
        %mul3A_1748 = arith.muli %add3A_1551, %mul3A_1747 : i32
        %swap3A_1749 = arith.constant 20 : i32
        %swap3A_1750 = arith.index_cast %swap3A_1749 : i32 to index
        %swap3A_1751 = arith.index_cast %mul3A_1748 : i32 to index
        %swap3A_1752 = tpu.vector_load %arg10[%swap3A_1750, %swap3A_1751] {strides = array<i32>} : memref<40x2048xf32, #tpu.memory_space<vmem>>, vector<1x16xf32>,
        %swap3A_1753 = vector.shape_cast %swap3A_1752 : vector<1x16xf32> to vector<16xf32>
        %swap3A_1754 = vector.shape_cast %get3A_1746 : vector<16xf32> to vector<1x16xf32>
        tpu.vector_store %arg10[%swap3A_1750, %swap3A_1751], %swap3A_1754 {add = true, strides = array<i32>} : memref<40x2048xf32, #tpu.memory_space<vmem>>, vector<1x16xf32>,
        %mul3A_1755 = arith.constant 16 : i32
        %mul3A_1756 = arith.muli %add3A_1551, %mul3A_1755 : i32
        %swap3A_1757 = arith.constant 21 : i32
        %swap3A_1758 = arith.index_cast %swap3A_1757 : i32 to index
        %swap3A_1759 = arith.index_cast %mul3A_1756 : i32 to index
        %swap3A_1760 = tpu.vector_load %arg10[%swap3A_1758, %swap3A_1759] {strides = array<i32>} : memref<40x2048xf32, #tpu.memory_space<vmem>>, vector<1x16xf32>,
        %swap3A_1761 = vector.shape_cast %swap3A_1760 : vector<1x16xf32> to vector<16xf32>
        %swap3A_1762 = vector.shape_cast %get3A_1746 : vector<16xf32> to vector<1x16xf32>
        tpu.vector_store %arg10[%swap3A_1758, %swap3A_1759], %swap3A_1762 {add = true, strides = array<i32>} : memref<40x2048xf32, #tpu.memory_space<vmem>>, vector<1x16xf32>,
        %mul3A_1763 = arith.constant 16 : i32
        %mul3A_1764 = arith.muli %add3A_1551, %mul3A_1763 : i32
        %swap3A_1765 = arith.constant 22 : i32
        %swap3A_1766 = arith.index_cast %swap3A_1765 : i32 to index
        %swap3A_1767 = arith.index_cast %mul3A_1764 : i32 to index
        %swap3A_1768 = tpu.vector_load %arg10[%swap3A_1766, %swap3A_1767] {strides = array<i32>} : memref<40x2048xf32, #tpu.memory_space<vmem>>, vector<1x16xf32>,
        %swap3A_1769 = vector.shape_cast %swap3A_1768 : vector<1x16xf32> to vector<16xf32>
        %swap3A_1770 = vector.shape_cast %get3A_1746 : vector<16xf32> to vector<1x16xf32>
        tpu.vector_store %arg10[%swap3A_1766, %swap3A_1767], %swap3A_1770 {add = true, strides = array<i32>} : memref<40x2048xf32, #tpu.memory_space<vmem>>, vector<1x16xf32>,
        %mul3A_1771 = arith.constant 16 : i32
        %mul3A_1772 = arith.muli %add3A_1551, %mul3A_1771 : i32
        %swap3A_1773 = arith.constant 23 : i32
        %swap3A_1774 = arith.index_cast %swap3A_1773 : i32 to index
        %swap3A_1775 = arith.index_cast %mul3A_1772 : i32 to index
        %swap3A_1776 = tpu.vector_load %arg10[%swap3A_1774, %swap3A_1775] {strides = array<i32>} : memref<40x2048xf32, #tpu.memory_space<vmem>>, vector<1x16xf32>,
        %swap3A_1777 = vector.shape_cast %swap3A_1776 : vector<1x16xf32> to vector<16xf32>
        %swap3A_1778 = vector.shape_cast %get3A_1746 : vector<16xf32> to vector<1x16xf32>
        tpu.vector_store %arg10[%swap3A_1774, %swap3A_1775], %swap3A_1778 {add = true, strides = array<i32>} : memref<40x2048xf32, #tpu.memory_space<vmem>>, vector<1x16xf32>,
        %mul3A_1779 = arith.constant 16 : i32
        %mul3A_1780 = arith.muli %add3A_1551, %mul3A_1779 : i32
        %swap3A_1781 = arith.constant 24 : i32
        %swap3A_1782 = arith.index_cast %swap3A_1781 : i32 to index
        %swap3A_1783 = arith.index_cast %mul3A_1780 : i32 to index
        %swap3A_1784 = tpu.vector_load %arg10[%swap3A_1782, %swap3A_1783] {strides = array<i32>} : memref<40x2048xf32, #tpu.memory_space<vmem>>, vector<1x16xf32>,
        %swap3A_1785 = vector.shape_cast %swap3A_1784 : vector<1x16xf32> to vector<16xf32>
        %swap3A_1786 = vector.shape_cast %get3A_1746 : vector<16xf32> to vector<1x16xf32>
        tpu.vector_store %arg10[%swap3A_1782, %swap3A_1783], %swap3A_1786 {add = true, strides = array<i32>} : memref<40x2048xf32, #tpu.memory_space<vmem>>, vector<1x16xf32>,
        %mul3A_1787 = arith.constant 16 : i32
        %mul3A_1788 = arith.muli %add3A_1551, %mul3A_1787 : i32
        %get3A_1789 = arith.constant 5 : i32
        %get3A_1790 = arith.index_cast %get3A_1789 : i32 to index
        %get3A_1791 = arith.index_cast %mul3A_1788 : i32 to index
        %get3A_1792 = tpu.vector_load %arg9[%get3A_1790, %get3A_1791] {strides = array<i32>} : memref<8x2048xf32, #tpu.memory_space<vmem>>, vector<1x16xf32>,
        %get3A_1793 = vector.shape_cast %get3A_1792 : vector<1x16xf32> to vector<16xf32>
        %mul3A_1794 = arith.constant 16 : i32
        %mul3A_1795 = arith.muli %add3A_1551, %mul3A_1794 : i32
        %swap3A_1796 = arith.constant 25 : i32
        %swap3A_1797 = arith.index_cast %swap3A_1796 : i32 to index
        %swap3A_1798 = arith.index_cast %mul3A_1795 : i32 to index
        %swap3A_1799 = tpu.vector_load %arg10[%swap3A_1797, %swap3A_1798] {strides = array<i32>} : memref<40x2048xf32, #tpu.memory_space<vmem>>, vector<1x16xf32>,
        %swap3A_1800 = vector.shape_cast %swap3A_1799 : vector<1x16xf32> to vector<16xf32>
        %swap3A_1801 = vector.shape_cast %get3A_1793 : vector<16xf32> to vector<1x16xf32>
        tpu.vector_store %arg10[%swap3A_1797, %swap3A_1798], %swap3A_1801 {add = true, strides = array<i32>} : memref<40x2048xf32, #tpu.memory_space<vmem>>, vector<1x16xf32>,
        %mul3A_1802 = arith.constant 16 : i32
        %mul3A_1803 = arith.muli %add3A_1551, %mul3A_1802 : i32
        %swap3A_1804 = arith.constant 26 : i32
        %swap3A_1805 = arith.index_cast %swap3A_1804 : i32 to index
        %swap3A_1806 = arith.index_cast %mul3A_1803 : i32 to index
        %swap3A_1807 = tpu.vector_load %arg10[%swap3A_1805, %swap3A_1806] {strides = array<i32>} : memref<40x2048xf32, #tpu.memory_space<vmem>>, vector<1x16xf32>,
        %swap3A_1808 = vector.shape_cast %swap3A_1807 : vector<1x16xf32> to vector<16xf32>
        %swap3A_1809 = vector.shape_cast %get3A_1793 : vector<16xf32> to vector<1x16xf32>
        tpu.vector_store %arg10[%swap3A_1805, %swap3A_1806], %swap3A_1809 {add = true, strides = array<i32>} : memref<40x2048xf32, #tpu.memory_space<vmem>>, vector<1x16xf32>,
        %mul3A_1810 = arith.constant 16 : i32
        %mul3A_1811 = arith.muli %add3A_1551, %mul3A_1810 : i32
        %swap3A_1812 = arith.constant 27 : i32
        %swap3A_1813 = arith.index_cast %swap3A_1812 : i32 to index
        %swap3A_1814 = arith.index_cast %mul3A_1811 : i32 to index
        %swap3A_1815 = tpu.vector_load %arg10[%swap3A_1813, %swap3A_1814] {strides = array<i32>} : memref<40x2048xf32, #tpu.memory_space<vmem>>, vector<1x16xf32>,
        %swap3A_1816 = vector.shape_cast %swap3A_1815 : vector<1x16xf32> to vector<16xf32>
        %swap3A_1817 = vector.shape_cast %get3A_1793 : vector<16xf32> to vector<1x16xf32>
        tpu.vector_store %arg10[%swap3A_1813, %swap3A_1814], %swap3A_1817 {add = true, strides = array<i32>} : memref<40x2048xf32, #tpu.memory_space<vmem>>, vector<1x16xf32>,
        %mul3A_1818 = arith.constant 16 : i32
        %mul3A_1819 = arith.muli %add3A_1551, %mul3A_1818 : i32
        %swap3A_1820 = arith.constant 28 : i32
        %swap3A_1821 = arith.index_cast %swap3A_1820 : i32 to index
        %swap3A_1822 = arith.index_cast %mul3A_1819 : i32 to index
        %swap3A_1823 = tpu.vector_load %arg10[%swap3A_1821, %swap3A_1822] {strides = array<i32>} : memref<40x2048xf32, #tpu.memory_space<vmem>>, vector<1x16xf32>,
        %swap3A_1824 = vector.shape_cast %swap3A_1823 : vector<1x16xf32> to vector<16xf32>
        %swap3A_1825 = vector.shape_cast %get3A_1793 : vector<16xf32> to vector<1x16xf32>
        tpu.vector_store %arg10[%swap3A_1821, %swap3A_1822], %swap3A_1825 {add = true, strides = array<i32>} : memref<40x2048xf32, #tpu.memory_space<vmem>>, vector<1x16xf32>,
        %mul3A_1826 = arith.constant 16 : i32
        %mul3A_1827 = arith.muli %add3A_1551, %mul3A_1826 : i32
        %swap3A_1828 = arith.constant 29 : i32
        %swap3A_1829 = arith.index_cast %swap3A_1828 : i32 to index
        %swap3A_1830 = arith.index_cast %mul3A_1827 : i32 to index
        %swap3A_1831 = tpu.vector_load %arg10[%swap3A_1829, %swap3A_1830] {strides = array<i32>} : memref<40x2048xf32, #tpu.memory_space<vmem>>, vector<1x16xf32>,
        %swap3A_1832 = vector.shape_cast %swap3A_1831 : vector<1x16xf32> to vector<16xf32>
        %swap3A_1833 = vector.shape_cast %get3A_1793 : vector<16xf32> to vector<1x16xf32>
        tpu.vector_store %arg10[%swap3A_1829, %swap3A_1830], %swap3A_1833 {add = true, strides = array<i32>} : memref<40x2048xf32, #tpu.memory_space<vmem>>, vector<1x16xf32>,
        %mul3A_1834 = arith.constant 16 : i32
        %mul3A_1835 = arith.muli %add3A_1551, %mul3A_1834 : i32
        %get3A_1836 = arith.constant 6 : i32
        %get3A_1837 = arith.index_cast %get3A_1836 : i32 to index
        %get3A_1838 = arith.index_cast %mul3A_1835 : i32 to index
        %get3A_1839 = tpu.vector_load %arg9[%get3A_1837, %get3A_1838] {strides = array<i32>} : memref<8x2048xf32, #tpu.memory_space<vmem>>, vector<1x16xf32>,
        %get3A_1840 = vector.shape_cast %get3A_1839 : vector<1x16xf32> to vector<16xf32>
        %mul3A_1841 = arith.constant 16 : i32
        %mul3A_1842 = arith.muli %add3A_1551, %mul3A_1841 : i32
        %swap3A_1843 = arith.constant 30 : i32
        %swap3A_1844 = arith.index_cast %swap3A_1843 : i32 to index
        %swap3A_1845 = arith.index_cast %mul3A_1842 : i32 to index
        %swap3A_1846 = tpu.vector_load %arg10[%swap3A_1844, %swap3A_1845] {strides = array<i32>} : memref<40x2048xf32, #tpu.memory_space<vmem>>, vector<1x16xf32>,
        %swap3A_1847 = vector.shape_cast %swap3A_1846 : vector<1x16xf32> to vector<16xf32>
        %swap3A_1848 = vector.shape_cast %get3A_1840 : vector<16xf32> to vector<1x16xf32>
        tpu.vector_store %arg10[%swap3A_1844, %swap3A_1845], %swap3A_1848 {add = true, strides = array<i32>} : memref<40x2048xf32, #tpu.memory_space<vmem>>, vector<1x16xf32>,
        %mul3A_1849 = arith.constant 16 : i32
        %mul3A_1850 = arith.muli %add3A_1551, %mul3A_1849 : i32
        %swap3A_1851 = arith.constant 31 : i32
        %swap3A_1852 = arith.index_cast %swap3A_1851 : i32 to index
        %swap3A_1853 = arith.index_cast %mul3A_1850 : i32 to index
        %swap3A_1854 = tpu.vector_load %arg10[%swap3A_1852, %swap3A_1853] {strides = array<i32>} : memref<40x2048xf32, #tpu.memory_space<vmem>>, vector<1x16xf32>,
        %swap3A_1855 = vector.shape_cast %swap3A_1854 : vector<1x16xf32> to vector<16xf32>
        %swap3A_1856 = vector.shape_cast %get3A_1840 : vector<16xf32> to vector<1x16xf32>
        tpu.vector_store %arg10[%swap3A_1852, %swap3A_1853], %swap3A_1856 {add = true, strides = array<i32>} : memref<40x2048xf32, #tpu.memory_space<vmem>>, vector<1x16xf32>,
        %mul3A_1857 = arith.constant 16 : i32
        %mul3A_1858 = arith.muli %add3A_1551, %mul3A_1857 : i32
        %swap3A_1859 = arith.constant 32 : i32
        %swap3A_1860 = arith.index_cast %swap3A_1859 : i32 to index
        %swap3A_1861 = arith.index_cast %mul3A_1858 : i32 to index
        %swap3A_1862 = tpu.vector_load %arg10[%swap3A_1860, %swap3A_1861] {strides = array<i32>} : memref<40x2048xf32, #tpu.memory_space<vmem>>, vector<1x16xf32>,
        %swap3A_1863 = vector.shape_cast %swap3A_1862 : vector<1x16xf32> to vector<16xf32>
        %swap3A_1864 = vector.shape_cast %get3A_1840 : vector<16xf32> to vector<1x16xf32>
        tpu.vector_store %arg10[%swap3A_1860, %swap3A_1861], %swap3A_1864 {add = true, strides = array<i32>} : memref<40x2048xf32, #tpu.memory_space<vmem>>, vector<1x16xf32>,
        %mul3A_1865 = arith.constant 16 : i32
        %mul3A_1866 = arith.muli %add3A_1551, %mul3A_1865 : i32
        %swap3A_1867 = arith.constant 33 : i32
        %swap3A_1868 = arith.index_cast %swap3A_1867 : i32 to index
        %swap3A_1869 = arith.index_cast %mul3A_1866 : i32 to index
        %swap3A_1870 = tpu.vector_load %arg10[%swap3A_1868, %swap3A_1869] {strides = array<i32>} : memref<40x2048xf32, #tpu.memory_space<vmem>>, vector<1x16xf32>,
        %swap3A_1871 = vector.shape_cast %swap3A_1870 : vector<1x16xf32> to vector<16xf32>
        %swap3A_1872 = vector.shape_cast %get3A_1840 : vector<16xf32> to vector<1x16xf32>
        tpu.vector_store %arg10[%swap3A_1868, %swap3A_1869], %swap3A_1872 {add = true, strides = array<i32>} : memref<40x2048xf32, #tpu.memory_space<vmem>>, vector<1x16xf32>,
        %mul3A_1873 = arith.constant 16 : i32
        %mul3A_1874 = arith.muli %add3A_1551, %mul3A_1873 : i32
        %swap3A_1875 = arith.constant 34 : i32
        %swap3A_1876 = arith.index_cast %swap3A_1875 : i32 to index
        %swap3A_1877 = arith.index_cast %mul3A_1874 : i32 to index
        %swap3A_1878 = tpu.vector_load %arg10[%swap3A_1876, %swap3A_1877] {strides = array<i32>} : memref<40x2048xf32, #tpu.memory_space<vmem>>, vector<1x16xf32>,
        %swap3A_1879 = vector.shape_cast %swap3A_1878 : vector<1x16xf32> to vector<16xf32>
        %swap3A_1880 = vector.shape_cast %get3A_1840 : vector<16xf32> to vector<1x16xf32>
        tpu.vector_store %arg10[%swap3A_1876, %swap3A_1877], %swap3A_1880 {add = true, strides = array<i32>} : memref<40x2048xf32, #tpu.memory_space<vmem>>, vector<1x16xf32>,
        %mul3A_1881 = arith.constant 16 : i32
        %mul3A_1882 = arith.muli %add3A_1551, %mul3A_1881 : i32
        %get3A_1883 = arith.constant 7 : i32
        %get3A_1884 = arith.index_cast %get3A_1883 : i32 to index
        %get3A_1885 = arith.index_cast %mul3A_1882 : i32 to index
        %get3A_1886 = tpu.vector_load %arg9[%get3A_1884, %get3A_1885] {strides = array<i32>} : memref<8x2048xf32, #tpu.memory_space<vmem>>, vector<1x16xf32>,
        %get3A_1887 = vector.shape_cast %get3A_1886 : vector<1x16xf32> to vector<16xf32>
        %mul3A_1888 = arith.constant 16 : i32
        %mul3A_1889 = arith.muli %add3A_1551, %mul3A_1888 : i32
        %swap3A_1890 = arith.constant 35 : i32
        %swap3A_1891 = arith.index_cast %swap3A_1890 : i32 to index
        %swap3A_1892 = arith.index_cast %mul3A_1889 : i32 to index
        %swap3A_1893 = tpu.vector_load %arg10[%swap3A_1891, %swap3A_1892] {strides = array<i32>} : memref<40x2048xf32, #tpu.memory_space<vmem>>, vector<1x16xf32>,
        %swap3A_1894 = vector.shape_cast %swap3A_1893 : vector<1x16xf32> to vector<16xf32>
        %swap3A_1895 = vector.shape_cast %get3A_1887 : vector<16xf32> to vector<1x16xf32>
        tpu.vector_store %arg10[%swap3A_1891, %swap3A_1892], %swap3A_1895 {add = true, strides = array<i32>} : memref<40x2048xf32, #tpu.memory_space<vmem>>, vector<1x16xf32>,
        %mul3A_1896 = arith.constant 16 : i32
        %mul3A_1897 = arith.muli %add3A_1551, %mul3A_1896 : i32
        %swap3A_1898 = arith.constant 36 : i32
        %swap3A_1899 = arith.index_cast %swap3A_1898 : i32 to index
        %swap3A_1900 = arith.index_cast %mul3A_1897 : i32 to index
        %swap3A_1901 = tpu.vector_load %arg10[%swap3A_1899, %swap3A_1900] {strides = array<i32>} : memref<40x2048xf32, #tpu.memory_space<vmem>>, vector<1x16xf32>,
        %swap3A_1902 = vector.shape_cast %swap3A_1901 : vector<1x16xf32> to vector<16xf32>
        %swap3A_1903 = vector.shape_cast %get3A_1887 : vector<16xf32> to vector<1x16xf32>
        tpu.vector_store %arg10[%swap3A_1899, %swap3A_1900], %swap3A_1903 {add = true, strides = array<i32>} : memref<40x2048xf32, #tpu.memory_space<vmem>>, vector<1x16xf32>,
        %mul3A_1904 = arith.constant 16 : i32
        %mul3A_1905 = arith.muli %add3A_1551, %mul3A_1904 : i32
        %swap3A_1906 = arith.constant 37 : i32
        %swap3A_1907 = arith.index_cast %swap3A_1906 : i32 to index
        %swap3A_1908 = arith.index_cast %mul3A_1905 : i32 to index
        %swap3A_1909 = tpu.vector_load %arg10[%swap3A_1907, %swap3A_1908] {strides = array<i32>} : memref<40x2048xf32, #tpu.memory_space<vmem>>, vector<1x16xf32>,
        %swap3A_1910 = vector.shape_cast %swap3A_1909 : vector<1x16xf32> to vector<16xf32>
        %swap3A_1911 = vector.shape_cast %get3A_1887 : vector<16xf32> to vector<1x16xf32>
        tpu.vector_store %arg10[%swap3A_1907, %swap3A_1908], %swap3A_1911 {add = true, strides = array<i32>} : memref<40x2048xf32, #tpu.memory_space<vmem>>, vector<1x16xf32>,
        %mul3A_1912 = arith.constant 16 : i32
        %mul3A_1913 = arith.muli %add3A_1551, %mul3A_1912 : i32
        %swap3A_1914 = arith.constant 38 : i32
        %swap3A_1915 = arith.index_cast %swap3A_1914 : i32 to index
        %swap3A_1916 = arith.index_cast %mul3A_1913 : i32 to index
        %swap3A_1917 = tpu.vector_load %arg10[%swap3A_1915, %swap3A_1916] {strides = array<i32>} : memref<40x2048xf32, #tpu.memory_space<vmem>>, vector<1x16xf32>,
        %swap3A_1918 = vector.shape_cast %swap3A_1917 : vector<1x16xf32> to vector<16xf32>
        %swap3A_1919 = vector.shape_cast %get3A_1887 : vector<16xf32> to vector<1x16xf32>
        tpu.vector_store %arg10[%swap3A_1915, %swap3A_1916], %swap3A_1919 {add = true, strides = array<i32>} : memref<40x2048xf32, #tpu.memory_space<vmem>>, vector<1x16xf32>,
        %mul3A_1920 = arith.constant 16 : i32
        %mul3A_1921 = arith.muli %add3A_1551, %mul3A_1920 : i32
        %swap3A_1922 = arith.constant 39 : i32
        %swap3A_1923 = arith.index_cast %swap3A_1922 : i32 to index
        %swap3A_1924 = arith.index_cast %mul3A_1921 : i32 to index
        %swap3A_1925 = tpu.vector_load %arg10[%swap3A_1923, %swap3A_1924] {strides = array<i32>} : memref<40x2048xf32, #tpu.memory_space<vmem>>, vector<1x16xf32>,
        %swap3A_1926 = vector.shape_cast %swap3A_1925 : vector<1x16xf32> to vector<16xf32>
        %swap3A_1927 = vector.shape_cast %get3A_1887 : vector<16xf32> to vector<1x16xf32>
        tpu.vector_store %arg10[%swap3A_1923, %swap3A_1924], %swap3A_1927 {add = true, strides = array<i32>} : memref<40x2048xf32, #tpu.memory_space<vmem>>, vector<1x16xf32>,
      }
      %scan3A_19 = arith.constant 125 : i32
      %run_scoped3A_20 = arith.constant 0 : i32
      "tpu.region"() ({
        %run_scoped3A_21 = tpu.sem_alloc : memref<!tpu.dma_semaphore, #tpu.memory_space<semaphore_mem>>
        %dma_start3A = arith.constant 0 : i32
        %dma_start3A_22 = tpu.memref_slice %arg8[%run_scoped3A_20, %dma_start3A] : memref<1x40xi32, #tpu.memory_space<vmem>> -> memref<1x40xi32, #tpu.memory_space<vmem>>
        %dma_start3A_23 = tpu.memref_squeeze %dma_start3A_22 : memref<1x40xi32, #tpu.memory_space<vmem>> -> memref<40xi32, #tpu.memory_space<vmem>>
        %dma_start3A_24 = arith.constant 0 : i32
        %dma_start3A_25 = arith.constant 0 : i32
        %dma_start3A_26 = tpu.memref_slice %arg6[%dma_start3A_24, %dma_start3A_25] : memref<32768x2048xf32, #tpu.memory_space<hbm>> -> memref<32768x2048xf32, #tpu.memory_space<hbm>>
        tpu.enqueue_indirect_dma source(%arg10 : memref<40x2048xf32, #tpu.memory_space<vmem>>) target(%dma_start3A_26 : memref<32768x2048xf32, #tpu.memory_space<hbm>>) offsets(%dma_start3A_23 : memref<40xi32, #tpu.memory_space<vmem>>) semaphore(%run_scoped3A_21 : memref<!tpu.dma_semaphore, #tpu.memory_space<semaphore_mem>>)
        %dma_wait3A = arith.constant 0 : i32
        %dma_wait3A_27 = tpu.memref_slice %arg8[%run_scoped3A_20, %dma_wait3A] : memref<1x40xi32, #tpu.memory_space<vmem>> -> memref<1x40xi32, #tpu.memory_space<vmem>>
        %dma_wait3A_28 = tpu.memref_squeeze %dma_wait3A_27 : memref<1x40xi32, #tpu.memory_space<vmem>> -> memref<40xi32, #tpu.memory_space<vmem>>
        %dma_wait3A_29 = arith.constant 0 : i32
        %dma_wait3A_30 = arith.constant 0 : i32
        %dma_wait3A_31 = tpu.memref_slice %arg6[%dma_wait3A_29, %dma_wait3A_30] : memref<32768x2048xf32, #tpu.memory_space<hbm>> -> memref<32768x2048xf32, #tpu.memory_space<hbm>>
        tpu.wait_indirect_dma semaphore(%run_scoped3A_21 : memref<!tpu.dma_semaphore, #tpu.memory_space<semaphore_mem>>) src(%arg10 : memref<40x2048xf32, #tpu.memory_space<vmem>>) dst(%dma_wait3A_31 : memref<32768x2048xf32, #tpu.memory_space<hbm>>)
        tpu.yield
      }) : () -> ()
    }
    %scan3A_4 = arith.constant 16 : i32
    return
  }
}

module attributes {stable_mosaic.version = 14 : i64} {
  func.func @_head_body(%arg0: i32, %arg1: memref<512x1024xf32, #tpu.memory_space<vmem>>, %arg2: memref<1024x2000xf32, #tpu.memory_space<vmem>>, %arg3: memref<1x2000xf32, #tpu.memory_space<vmem>>, %arg4: memref<1024x2048xf32, #tpu.memory_space<vmem>>, %arg5: memref<1x2048xf32, #tpu.memory_space<vmem>>, %arg6: memref<512x2000xf32, #tpu.memory_space<vmem>>, %arg7: memref<512x5xi32, #tpu.memory_space<vmem>>, %arg8: memref<512x2048xf32, #tpu.memory_space<vmem>>) attributes {dimension_semantics = [#tpu.dimension_semantics<arbitrary>], iteration_bounds = array<i64: 8>, scalar_prefetch = 0 : i64, scratch_operands = 0 : i64, tpu.core_type = #tpu.core_type<tc>, window_params = [{transform_indices = @transform_0, window_bounds = array<i64: 512, 1024>}, {pipeline_mode = #tpu.pipeline_mode<synchronous>, transform_indices = @transform_1, window_bounds = array<i64: 1024, 2000>}, {pipeline_mode = #tpu.pipeline_mode<synchronous>, transform_indices = @transform_2, window_bounds = array<i64: 1, 2000>}, {pipeline_mode = #tpu.pipeline_mode<synchronous>, transform_indices = @transform_3, window_bounds = array<i64: 1024, 2048>}, {pipeline_mode = #tpu.pipeline_mode<synchronous>, transform_indices = @transform_4, window_bounds = array<i64: 1, 2048>}, {transform_indices = @transform_5, window_bounds = array<i64: 512, 2000>}, {transform_indices = @transform_6, window_bounds = array<i64: 512, 5>}, {transform_indices = @transform_7, window_bounds = array<i64: 512, 2048>}]} {
    %get3A = arith.constant 0 : index
    %get3A_0 = arith.constant 0 : index
    %get3A_1 = vector.load %arg1[%get3A, %get3A_0] : memref<512x1024xf32, #tpu.memory_space<vmem>>, vector<512x1024xf32>
    %get3A_2 = arith.constant 0 : index
    %get3A_3 = arith.constant 0 : index
    %get3A_4 = vector.load %arg2[%get3A_2, %get3A_3] : memref<1024x2000xf32, #tpu.memory_space<vmem>>, vector<1024x2000xf32>
    %dot_general3A = arith.constant dense<0.000000e+00> : vector<512x2000xf32>
    %dot_general3A_5 = tpu.matmul %get3A_1, %get3A_4, %dot_general3A {dimension_numbers = #tpu.dot_dimension_numbers<[1], [0], [0], [1], [0, 0, 1, 1], [], []>, transpose_lhs_hint = false} : vector<512x1024xf32>, vector<1024x2000xf32>, vector<512x2000xf32> -> vector<512x2000xf32>
    %get3A_6 = arith.constant 0 : index
    %get3A_7 = arith.constant 0 : index
    %get3A_8 = vector.load %arg3[%get3A_6, %get3A_7] : memref<1x2000xf32, #tpu.memory_space<vmem>>, vector<1x2000xf32>
    %add3A = vector.broadcast %get3A_8 : vector<1x2000xf32> to vector<512x2000xf32>
    %add3A_9 = arith.addf %dot_general3A_5, %add3A : vector<512x2000xf32>
    %swap3A = arith.constant 0 : index
    %swap3A_10 = arith.constant 0 : index
    %swap3A_11 = vector.load %arg6[%swap3A, %swap3A_10] : memref<512x2000xf32, #tpu.memory_space<vmem>>, vector<512x2000xf32>
    tpu.vector_store %arg6[%swap3A, %swap3A_10], %add3A_9 {strides = array<i32>} : memref<512x2000xf32, #tpu.memory_space<vmem>>, vector<512x2000xf32>,
    %get3A_12 = arith.constant 0 : index
    %get3A_13 = arith.constant 0 : index
    %get3A_14 = vector.load %arg4[%get3A_12, %get3A_13] : memref<1024x2048xf32, #tpu.memory_space<vmem>>, vector<1024x2048xf32>
    %dot_general3A_15 = arith.constant dense<0.000000e+00> : vector<512x2048xf32>
    %dot_general3A_16 = tpu.matmul %get3A_1, %get3A_14, %dot_general3A_15 {dimension_numbers = #tpu.dot_dimension_numbers<[1], [0], [0], [1], [0, 0, 1, 1], [], []>, transpose_lhs_hint = false} : vector<512x1024xf32>, vector<1024x2048xf32>, vector<512x2048xf32> -> vector<512x2048xf32>
    %get3A_17 = arith.constant 0 : index
    %get3A_18 = arith.constant 0 : index
    %get3A_19 = vector.load %arg5[%get3A_17, %get3A_18] : memref<1x2048xf32, #tpu.memory_space<vmem>>, vector<1x2048xf32>
    %add3A_20 = vector.broadcast %get3A_19 : vector<1x2048xf32> to vector<512x2048xf32>
    %add3A_21 = arith.addf %dot_general3A_16, %add3A_20 : vector<512x2048xf32>
    %swap3A_22 = arith.constant 0 : index
    %swap3A_23 = arith.constant 0 : index
    %swap3A_24 = vector.load %arg8[%swap3A_22, %swap3A_23] : memref<512x2048xf32, #tpu.memory_space<vmem>>, vector<512x2048xf32>
    tpu.vector_store %arg8[%swap3A_22, %swap3A_23], %add3A_21 {strides = array<i32>} : memref<512x2048xf32, #tpu.memory_space<vmem>>, vector<512x2048xf32>,
    %iota3A = tpu.iota {dimensions = array<i32: 1>} : vector<512x2000xi32>
    %reduce_max3A = arith.constant dense<0xFF800000> : vector<512xf32>
    %reduce_max3A_25 = vector.multi_reduction <maximumf>, %add3A_9, %reduce_max3A [1] : vector<512x2000xf32> to vector<512xf32>
    %broadcast_in_dim3A = vector.shape_cast %reduce_max3A_25 : vector<512xf32> to vector<512x1xf32>
    %ge3A = vector.broadcast %broadcast_in_dim3A : vector<512x1xf32> to vector<512x2000xf32>
    %ge3A_26 = arith.cmpf oge, %add3A_9, %ge3A : vector<512x2000xf32>
    %jit3A = arith.constant 2000 : i32
    %broadcast_in_dim3A_27 = vector.broadcast %jit3A : i32 to vector<512x2000xi32>
    %select_n3A = arith.select %ge3A_26, %iota3A, %broadcast_in_dim3A_27 : vector<512x2000xi1>, vector<512x2000xi32>
    %reduce_min3A = arith.constant dense<2147483647> : vector<512xi32>
    %reduce_min3A_28 = vector.multi_reduction <minsi>, %select_n3A, %reduce_min3A [1] : vector<512x2000xi32> to vector<512xi32>
    %broadcast_in_dim3A_29 = vector.shape_cast %reduce_min3A_28 : vector<512xi32> to vector<512x1xi32>
    %eq3A = vector.broadcast %broadcast_in_dim3A_29 : vector<512x1xi32> to vector<512x2000xi32>
    %eq3A_30 = arith.cmpi eq, %iota3A, %eq3A : vector<512x2000xi32>
    %jit3A_31 = arith.constant 0xFF800000 : f32
    %broadcast_in_dim3A_32 = vector.broadcast %jit3A_31 : f32 to vector<512x2000xf32>
    %select_n3A_33 = arith.select %eq3A_30, %broadcast_in_dim3A_32, %add3A_9 : vector<512x2000xi1>, vector<512x2000xf32>
    %reduce_max3A_34 = arith.constant dense<0xFF800000> : vector<512xf32>
    %reduce_max3A_35 = vector.multi_reduction <maximumf>, %select_n3A_33, %reduce_max3A_34 [1] : vector<512x2000xf32> to vector<512xf32>
    %broadcast_in_dim3A_36 = vector.shape_cast %reduce_max3A_35 : vector<512xf32> to vector<512x1xf32>
    %ge3A_37 = vector.broadcast %broadcast_in_dim3A_36 : vector<512x1xf32> to vector<512x2000xf32>
    %ge3A_38 = arith.cmpf oge, %select_n3A_33, %ge3A_37 : vector<512x2000xf32>
    %jit3A_39 = arith.constant 2000 : i32
    %broadcast_in_dim3A_40 = vector.broadcast %jit3A_39 : i32 to vector<512x2000xi32>
    %select_n3A_41 = arith.select %ge3A_38, %iota3A, %broadcast_in_dim3A_40 : vector<512x2000xi1>, vector<512x2000xi32>
    %reduce_min3A_42 = arith.constant dense<2147483647> : vector<512xi32>
    %reduce_min3A_43 = vector.multi_reduction <minsi>, %select_n3A_41, %reduce_min3A_42 [1] : vector<512x2000xi32> to vector<512xi32>
    %broadcast_in_dim3A_44 = vector.shape_cast %reduce_min3A_43 : vector<512xi32> to vector<512x1xi32>
    %eq3A_45 = vector.broadcast %broadcast_in_dim3A_44 : vector<512x1xi32> to vector<512x2000xi32>
    %eq3A_46 = arith.cmpi eq, %iota3A, %eq3A_45 : vector<512x2000xi32>
    %jit3A_47 = arith.constant 0xFF800000 : f32
    %broadcast_in_dim3A_48 = vector.broadcast %jit3A_47 : f32 to vector<512x2000xf32>
    %select_n3A_49 = arith.select %eq3A_46, %broadcast_in_dim3A_48, %select_n3A_33 : vector<512x2000xi1>, vector<512x2000xf32>
    %reduce_max3A_50 = arith.constant dense<0xFF800000> : vector<512xf32>
    %reduce_max3A_51 = vector.multi_reduction <maximumf>, %select_n3A_49, %reduce_max3A_50 [1] : vector<512x2000xf32> to vector<512xf32>
    %broadcast_in_dim3A_52 = vector.shape_cast %reduce_max3A_51 : vector<512xf32> to vector<512x1xf32>
    %ge3A_53 = vector.broadcast %broadcast_in_dim3A_52 : vector<512x1xf32> to vector<512x2000xf32>
    %ge3A_54 = arith.cmpf oge, %select_n3A_49, %ge3A_53 : vector<512x2000xf32>
    %jit3A_55 = arith.constant 2000 : i32
    %broadcast_in_dim3A_56 = vector.broadcast %jit3A_55 : i32 to vector<512x2000xi32>
    %select_n3A_57 = arith.select %ge3A_54, %iota3A, %broadcast_in_dim3A_56 : vector<512x2000xi1>, vector<512x2000xi32>
    %reduce_min3A_58 = arith.constant dense<2147483647> : vector<512xi32>
    %reduce_min3A_59 = vector.multi_reduction <minsi>, %select_n3A_57, %reduce_min3A_58 [1] : vector<512x2000xi32> to vector<512xi32>
    %broadcast_in_dim3A_60 = vector.shape_cast %reduce_min3A_59 : vector<512xi32> to vector<512x1xi32>
    %eq3A_61 = vector.broadcast %broadcast_in_dim3A_60 : vector<512x1xi32> to vector<512x2000xi32>
    %eq3A_62 = arith.cmpi eq, %iota3A, %eq3A_61 : vector<512x2000xi32>
    %jit3A_63 = arith.constant 0xFF800000 : f32
    %broadcast_in_dim3A_64 = vector.broadcast %jit3A_63 : f32 to vector<512x2000xf32>
    %select_n3A_65 = arith.select %eq3A_62, %broadcast_in_dim3A_64, %select_n3A_49 : vector<512x2000xi1>, vector<512x2000xf32>
    %reduce_max3A_66 = arith.constant dense<0xFF800000> : vector<512xf32>
    %reduce_max3A_67 = vector.multi_reduction <maximumf>, %select_n3A_65, %reduce_max3A_66 [1] : vector<512x2000xf32> to vector<512xf32>
    %broadcast_in_dim3A_68 = vector.shape_cast %reduce_max3A_67 : vector<512xf32> to vector<512x1xf32>
    %ge3A_69 = vector.broadcast %broadcast_in_dim3A_68 : vector<512x1xf32> to vector<512x2000xf32>
    %ge3A_70 = arith.cmpf oge, %select_n3A_65, %ge3A_69 : vector<512x2000xf32>
    %jit3A_71 = arith.constant 2000 : i32
    %broadcast_in_dim3A_72 = vector.broadcast %jit3A_71 : i32 to vector<512x2000xi32>
    %select_n3A_73 = arith.select %ge3A_70, %iota3A, %broadcast_in_dim3A_72 : vector<512x2000xi1>, vector<512x2000xi32>
    %reduce_min3A_74 = arith.constant dense<2147483647> : vector<512xi32>
    %reduce_min3A_75 = vector.multi_reduction <minsi>, %select_n3A_73, %reduce_min3A_74 [1] : vector<512x2000xi32> to vector<512xi32>
    %broadcast_in_dim3A_76 = vector.shape_cast %reduce_min3A_75 : vector<512xi32> to vector<512x1xi32>
    %eq3A_77 = vector.broadcast %broadcast_in_dim3A_76 : vector<512x1xi32> to vector<512x2000xi32>
    %eq3A_78 = arith.cmpi eq, %iota3A, %eq3A_77 : vector<512x2000xi32>
    %jit3A_79 = arith.constant 0xFF800000 : f32
    %broadcast_in_dim3A_80 = vector.broadcast %jit3A_79 : f32 to vector<512x2000xf32>
    %select_n3A_81 = arith.select %eq3A_78, %broadcast_in_dim3A_80, %select_n3A_65 : vector<512x2000xi1>, vector<512x2000xf32>
    %reduce_max3A_82 = arith.constant dense<0xFF800000> : vector<512xf32>
    %reduce_max3A_83 = vector.multi_reduction <maximumf>, %select_n3A_81, %reduce_max3A_82 [1] : vector<512x2000xf32> to vector<512xf32>
    %broadcast_in_dim3A_84 = vector.shape_cast %reduce_max3A_83 : vector<512xf32> to vector<512x1xf32>
    %ge3A_85 = vector.broadcast %broadcast_in_dim3A_84 : vector<512x1xf32> to vector<512x2000xf32>
    %ge3A_86 = arith.cmpf oge, %select_n3A_81, %ge3A_85 : vector<512x2000xf32>
    %jit3A_87 = arith.constant 2000 : i32
    %broadcast_in_dim3A_88 = vector.broadcast %jit3A_87 : i32 to vector<512x2000xi32>
    %select_n3A_89 = arith.select %ge3A_86, %iota3A, %broadcast_in_dim3A_88 : vector<512x2000xi1>, vector<512x2000xi32>
    %reduce_min3A_90 = arith.constant dense<2147483647> : vector<512xi32>
    %reduce_min3A_91 = vector.multi_reduction <minsi>, %select_n3A_89, %reduce_min3A_90 [1] : vector<512x2000xi32> to vector<512xi32>
    %broadcast_in_dim3A_92 = vector.shape_cast %reduce_min3A_91 : vector<512xi32> to vector<512x1xi32>
    %concatenate3A = tpu.concatenate %broadcast_in_dim3A_29, %broadcast_in_dim3A_44, %broadcast_in_dim3A_60, %broadcast_in_dim3A_76, %broadcast_in_dim3A_92 in 1 : vector<512x1xi32>, vector<512x1xi32>, vector<512x1xi32>, vector<512x1xi32>, vector<512x1xi32> -> vector<512x5xi32>
    %swap3A_93 = arith.constant 0 : index
    %swap3A_94 = arith.constant 0 : index
    %swap3A_95 = vector.load %arg7[%swap3A_93, %swap3A_94] : memref<512x5xi32, #tpu.memory_space<vmem>>, vector<512x5xi32>
    tpu.vector_store %arg7[%swap3A_93, %swap3A_94], %concatenate3A {strides = array<i32>} : memref<512x5xi32, #tpu.memory_space<vmem>>, vector<512x5xi32>,
    return
  }
  func.func @transform_0(%arg0: i32) -> (i32, i32) {
    %c0_i32 = arith.constant 0 : i32
    %c0_i32_0 = arith.constant 0 : i32
    return %arg0, %c0_i32 : i32, i32
  }
  func.func @transform_1(%arg0: i32) -> (i32, i32) {
    %c0_i32 = arith.constant 0 : i32
    %c0_i32_0 = arith.constant 0 : i32
    %c0_i32_1 = arith.constant 0 : i32
    return %c0_i32, %c0_i32_0 : i32, i32
  }
  func.func @transform_2(%arg0: i32) -> (i32, i32) {
    %c0_i32 = arith.constant 0 : i32
    %c0_i32_0 = arith.constant 0 : i32
    %c0_i32_1 = arith.constant 0 : i32
    return %c0_i32, %c0_i32_0 : i32, i32
  }
  func.func @transform_3(%arg0: i32) -> (i32, i32) {
    %c0_i32 = arith.constant 0 : i32
    %c0_i32_0 = arith.constant 0 : i32
    %c0_i32_1 = arith.constant 0 : i32
    return %c0_i32, %c0_i32_0 : i32, i32
  }
  func.func @transform_4(%arg0: i32) -> (i32, i32) {
    %c0_i32 = arith.constant 0 : i32
    %c0_i32_0 = arith.constant 0 : i32
    %c0_i32_1 = arith.constant 0 : i32
    return %c0_i32, %c0_i32_0 : i32, i32
  }
  func.func @transform_5(%arg0: i32) -> (i32, i32) {
    %c0_i32 = arith.constant 0 : i32
    %c0_i32_0 = arith.constant 0 : i32
    return %arg0, %c0_i32 : i32, i32
  }
  func.func @transform_6(%arg0: i32) -> (i32, i32) {
    %c0_i32 = arith.constant 0 : i32
    %c0_i32_0 = arith.constant 0 : i32
    return %arg0, %c0_i32 : i32, i32
  }
  func.func @transform_7(%arg0: i32) -> (i32, i32) {
    %c0_i32 = arith.constant 0 : i32
    %c0_i32_0 = arith.constant 0 : i32
    return %arg0, %c0_i32 : i32, i32
  }
}

module attributes {stable_mosaic.version = 14 : i64} {
  func.func @_table_body(%arg0: i32, %arg1: memref<400x300xf32, #tpu.memory_space<vmem>>, %arg2: memref<300x1024xf32, #tpu.memory_space<vmem>>, %arg3: memref<1x1024xf32, #tpu.memory_space<vmem>>, %arg4: memref<1024x2048xf32, #tpu.memory_space<vmem>>, %arg5: memref<400x2048xf32, #tpu.memory_space<vmem>>, %arg6: memref<400x1024xf32, #tpu.memory_space<vmem>>) attributes {dimension_semantics = [#tpu.dimension_semantics<arbitrary>], iteration_bounds = array<i64: 5>, scalar_prefetch = 0 : i64, scratch_operands = 1 : i64, tpu.core_type = #tpu.core_type<tc>, window_params = [{transform_indices = @transform_0, window_bounds = array<i64: 400, 300>}, {pipeline_mode = #tpu.pipeline_mode<synchronous>, transform_indices = @transform_1, window_bounds = array<i64: 300, 1024>}, {pipeline_mode = #tpu.pipeline_mode<synchronous>, transform_indices = @transform_2, window_bounds = array<i64: 1, 1024>}, {pipeline_mode = #tpu.pipeline_mode<synchronous>, transform_indices = @transform_3, window_bounds = array<i64: 1024, 2048>}, {transform_indices = @transform_4, window_bounds = array<i64: 400, 2048>}]} {
    %get3A = arith.constant 0 : index
    %get3A_0 = arith.constant 0 : index
    %get3A_1 = vector.load %arg1[%get3A, %get3A_0] : memref<400x300xf32, #tpu.memory_space<vmem>>, vector<400x300xf32>
    %get3A_2 = arith.constant 0 : index
    %get3A_3 = arith.constant 0 : index
    %get3A_4 = vector.load %arg2[%get3A_2, %get3A_3] : memref<300x1024xf32, #tpu.memory_space<vmem>>, vector<300x1024xf32>
    %dot_general3A = arith.constant dense<0.000000e+00> : vector<400x1024xf32>
    %dot_general3A_5 = tpu.matmul %get3A_1, %get3A_4, %dot_general3A {dimension_numbers = #tpu.dot_dimension_numbers<[1], [0], [0], [1], [0, 0, 1, 1], [], []>, transpose_lhs_hint = false} : vector<400x300xf32>, vector<300x1024xf32>, vector<400x1024xf32> -> vector<400x1024xf32>
    %get3A_6 = arith.constant 0 : index
    %get3A_7 = arith.constant 0 : index
    %get3A_8 = vector.load %arg3[%get3A_6, %get3A_7] : memref<1x1024xf32, #tpu.memory_space<vmem>>, vector<1x1024xf32>
    %add3A = vector.broadcast %get3A_8 : vector<1x1024xf32> to vector<400x1024xf32>
    %add3A_9 = arith.addf %dot_general3A_5, %add3A : vector<400x1024xf32>
    %swap3A = arith.constant 0 : index
    %swap3A_10 = arith.constant 0 : index
    %swap3A_11 = vector.load %arg6[%swap3A, %swap3A_10] : memref<400x1024xf32, #tpu.memory_space<vmem>>, vector<400x1024xf32>
    tpu.vector_store %arg6[%swap3A, %swap3A_10], %add3A_9 {strides = array<i32>} : memref<400x1024xf32, #tpu.memory_space<vmem>>, vector<400x1024xf32>,
    %get3A_12 = arith.constant 0 : index
    %get3A_13 = arith.constant 0 : index
    %get3A_14 = vector.load %arg6[%get3A_12, %get3A_13] : memref<400x1024xf32, #tpu.memory_space<vmem>>, vector<400x1024xf32>
    %get3A_15 = arith.constant 0 : index
    %get3A_16 = arith.constant 0 : index
    %get3A_17 = vector.load %arg4[%get3A_15, %get3A_16] : memref<1024x2048xf32, #tpu.memory_space<vmem>>, vector<1024x2048xf32>
    %dot_general3A_18 = arith.constant dense<0.000000e+00> : vector<400x2048xf32>
    %dot_general3A_19 = tpu.matmul %get3A_14, %get3A_17, %dot_general3A_18 {dimension_numbers = #tpu.dot_dimension_numbers<[1], [0], [0], [1], [0, 0, 1, 1], [], []>, transpose_lhs_hint = false} : vector<400x1024xf32>, vector<1024x2048xf32>, vector<400x2048xf32> -> vector<400x2048xf32>
    %swap3A_20 = arith.constant 0 : index
    %swap3A_21 = arith.constant 0 : index
    %swap3A_22 = vector.load %arg5[%swap3A_20, %swap3A_21] : memref<400x2048xf32, #tpu.memory_space<vmem>>, vector<400x2048xf32>
    tpu.vector_store %arg5[%swap3A_20, %swap3A_21], %dot_general3A_19 {strides = array<i32>} : memref<400x2048xf32, #tpu.memory_space<vmem>>, vector<400x2048xf32>,
    return
  }
  func.func @transform_0(%arg0: i32) -> (i32, i32) {
    %c0_i32 = arith.constant 0 : i32
    %c0_i32_0 = arith.constant 0 : i32
    return %arg0, %c0_i32 : i32, i32
  }
  func.func @transform_1(%arg0: i32) -> (i32, i32) {
    %c0_i32 = arith.constant 0 : i32
    %c0_i32_0 = arith.constant 0 : i32
    %c0_i32_1 = arith.constant 0 : i32
    return %c0_i32, %c0_i32_0 : i32, i32
  }
  func.func @transform_2(%arg0: i32) -> (i32, i32) {
    %c0_i32 = arith.constant 0 : i32
    %c0_i32_0 = arith.constant 0 : i32
    %c0_i32_1 = arith.constant 0 : i32
    return %c0_i32, %c0_i32_0 : i32, i32
  }
  func.func @transform_3(%arg0: i32) -> (i32, i32) {
    %c0_i32 = arith.constant 0 : i32
    %c0_i32_0 = arith.constant 0 : i32
    %c0_i32_1 = arith.constant 0 : i32
    return %c0_i32, %c0_i32_0 : i32, i32
  }
  func.func @transform_4(%arg0: i32) -> (i32, i32) {
    %c0_i32 = arith.constant 0 : i32
    %c0_i32_0 = arith.constant 0 : i32
    return %arg0, %c0_i32 : i32, i32
  }
}

</mosaic_0001>

<sc_bundles>
// kernel: kernel.5.cloned.1.call-start
scs
__scs_entry_jumppad:
0x0: {  	(pc) =	sbr.rel $0x88, $3  }
0x1: {  	(tag) =	ssettag $0x0;
	lr =	simm.s32 $0x1  }
0x2: {  	[smem:$0x3F99] =	sst lr;
	_ =	strace $0xD0000000  }
0x3: {  	_ = 	snop  }
0x4: {  	_ = 	snop  }
0x5: {  	_ = 	snop  }
0x6: {  	_ = 	snop  }
0x7: {  	_ = 	snop  }
__scs_overlays_trampoline_lowered:
0x8: {  	[smem:$0x3FA8] =	sst s0  }
0x9: {  	[smem:$0x3FA9] =	sst s1  }
0xa: {  	[smem:$0x3FAA] =	sst s2  }
0xb: {  	[smem:$0x3FAB] =	sst s3  }
0xc: {  	[smem:$0x3FAC] =	sst s4  }
0xd: {  	[smem:$0x3FAD] =	sst s5  }
0xe: {  	[smem:$0x3FAE] =	sst s6  }
0xf: {  	[smem:$0x3FAF] =	sst s7  }
0x10: {  	[smem:$0x3FB0] =	sst s8  }
0x11: {  	[smem:$0x3FB1] =	sst s9;
	s0 =	simm.s32 @!p0 $0x0  }
0x12: {  	s1 =	sld [smem:$0x3F97];
	s0 =	simm.s32 @p0 $0x1  }
0x13: {  	[smem:$0x3FB2] =	sst s0;
	s0 =	simm.s32 @!p1 $0x0  }
0x14: {  	s2 =	sld [smem:$0x3F96];
	s0 =	simm.s32 @p1 $0x1  }
0x15: {  	[smem:$0x3FB3] =	sst s0;
	s0 =	simm.s32 @!p2 $0x0  }
0x16: {  	s3 =	sld [smem:$0x3FDB];
	s0 =	simm.s32 @p2 $0x1  }
0x17: {  	s4 =	simm.s32 $0x1BF5;
	[smem:$0x3FB5] =	sst s0  }
0x18: {  	s0 =	sld [smem:$0x3F98];
	_ =	swait.ge [sflag:s4], $0x0  }
0x19: {  	s7 =	sld [smem:$0x3F99]  }
0x1a: {  	s8 =	sadd.s32 $0xFFFFE003, lr  }
0x1b: {  	s9 =	sadd.s32 $0xFFFFFEF7, lr;
	s5 =	simm.s32 $0xFFFFFFFF;
	p2 =	slt.u32 s8, $0xFFFFF086  }
0x1c: {  	p1 =	slt.u32 s9, $0xF7A;
	s5 =	simm.s32 @!p2 $0x0  }
0x1d: {  	s5 =	simm.s32 @p1 $0x1;
	p0 =	seq.s32 s7, s2  }
0x1e: {  	s7 =	smul.u32 @!p0 $0xF7A, s2;
	p2 =	seq.s32 @!p0 s5, $0x0  }
0x1f: {  	s9 =	smul.u32 $0xF7A, s1;
	s8 =	simm.s32 @!p0 $0x1BF5;
	p2 =	por !p2, p0  }
0x20: {  	[sflag:s8] =	ssyncset.s32 @!p0 $0xFFFFF086;
	s6 =	sadd.s32 @!p0 s3, s7;
	s7 =	simm.s32 @!p0 $0x108  }
0x21: {  	s3 =	sadd.s32 s3, s9;
	s6 =	sadd.s32 @!p0 $0x88, s6;
	s7 =	simm.s32 @p2 $0x1082  }
0x22: {  	[simem:s7], [sflag:s8] =	dma.local @!p0 [hbm:s6], $0xF7A  }
0x23: {  	s9 =	sor.u32 $0xD0000000, s2;
	s6 =	simm.s32 $0x108;
	_ =	swait.ge @!p0 [sflag:s8], $0x0  }
0x24: {  	s3 =	sadd.s32 $0x88, s3;
	s6 =	simm.s32 @!p1 $0x1082;
	[sflag:s4] =	ssyncset.s32 $0xFFFFF086  }
0x25: {  	[simem:s6], [sflag:s4] =	dma.local [hbm:s3], $0xF7A  }
0x26: {  	[smem:$0x3F99] =	sst s1;
	(tag) =	ssettag s2;
	_ =	strace s9  }
0x27: {  	s1 =	sld [smem:$0x3FA9]  }
0x28: {  	s2 =	sld [smem:$0x3FAA]  }
0x29: {  	s4 =	sld [smem:$0x3FAC]  }
0x2a: {  	p0 =	seq.s32 s5, $0x0;
	s5 =	sld [smem:$0x3FAD]  }
0x2b: {  	s6 =	sld [smem:$0x3FAE]  }
0x2c: {  	s7 =	sld [smem:$0x3FAF]  }
0x2d: {  	s3 =	simm.s32 $0x108;
	s8 =	sld [smem:$0x3FB0]  }
0x2e: {  	s3 =	simm.s32 @!p0 $0x1082;
	s9 =	sld [smem:$0x3FB1]  }
0x2f: {  	lr =	sadd.s32 s0, s3;
	s0 =	sld [smem:$0x3FA8]  }
0x30: {  	s3 =	sld [smem:$0x3FAB]  }
0x31: {  	[smem:$0x3FB4] =	sst s10  }
0x32: {  	s10 =	sld [smem:$0x3FB2];
	_ =	sdelay $0x3  }
0x33: {  	p0 =	seq.s32 s10, $0x1;
	s10 =	sld [smem:$0x3FB4];
	_ =	sdelay $0x3  }
0x34: {  	[smem:$0x3FB4] =	sst s10  }
0x35: {  	s10 =	sld [smem:$0x3FB3];
	_ =	sdelay $0x3  }
0x36: {  	p1 =	seq.s32 s10, $0x1;
	s10 =	sld [smem:$0x3FB4];
	_ =	sdelay $0x3  }
0x37: {  	[smem:$0x3FB4] =	sst s10  }
0x38: {  	s10 =	sld [smem:$0x3FB5]  }
0x39: {  	_ = 	snop;
	(pc) =	sbr.ind lr, $3  }
0x3a: {  	_ = 	snop  }
0x3b: {  	_ = 	snop  }
0x3c: {  	p2 =	seq.s32 s10, $0x1;
	s10 =	sld [smem:$0x3FB4]  }
0x3d: {  	_ =	shalt  }
0x3e: {  	_ =	shalt  }
0x3f: {  	_ =	shalt  }
0x40: {  	_ =	shalt  }
0x41: {  	_ =	shalt  }
0x42: {  	_ =	shalt  }
0x43: {  	_ =	shalt  }
0x44: {  	_ =	shalt  }
0x45: {  	_ =	shalt  }
0x46: {  	_ =	shalt  }
0x47: {  	_ =	shalt  }
0x48: {  	_ =	shalt  }
0x49: {  	_ =	shalt  }
0x4a: {  	_ =	shalt  }
0x4b: {  	_ =	shalt  }
0x4c: {  	_ =	shalt  }
0x4d: {  	_ =	shalt  }
0x4e: {  	_ =	shalt  }
0x4f: {  	_ =	shalt  }
0x50: {  	_ =	shalt  }
0x51: {  	_ =	shalt  }
0x52: {  	_ =	shalt  }
0x53: {  	_ =	shalt  }
0x54: {  	_ =	shalt  }
0x55: {  	_ =	shalt  }
0x56: {  	_ =	shalt  }
0x57: {  	_ =	shalt  }
0x58: {  	_ =	shalt  }
0x59: {  	_ =	shalt  }
0x5a: {  	_ =	shalt  }
0x5b: {  	_ =	shalt  }
0x5c: {  	_ =	shalt  }
0x5d: {  	_ =	shalt  }
0x5e: {  	_ =	shalt  }
0x5f: {  	_ =	shalt  }
0x60: {  	_ =	shalt  }
0x61: {  	_ =	shalt  }
0x62: {  	_ =	shalt  }
0x63: {  	_ =	shalt  }
0x64: {  	_ =	shalt  }
0x65: {  	_ =	shalt  }
0x66: {  	_ =	shalt  }
0x67: {  	_ =	shalt  }
0x68: {  	_ =	shalt  }
0x69: {  	_ =	shalt  }
0x6a: {  	_ =	shalt  }
0x6b: {  	_ =	shalt  }
0x6c: {  	_ =	shalt  }
0x6d: {  	_ =	shalt  }
0x6e: {  	_ =	shalt  }
0x6f: {  	_ =	shalt  }
0x70: {  	_ =	shalt  }
0x71: {  	_ =	shalt  }
0x72: {  	_ =	shalt  }
0x73: {  	_ =	shalt  }
0x74: {  	_ =	shalt  }
0x75: {  	_ =	shalt  }
0x76: {  	_ =	shalt  }
0x77: {  	_ =	shalt  }
0x78: {  	_ =	shalt  }
0x79: {  	_ =	shalt  }
0x7a: {  	_ =	shalt  }
0x7b: {  	_ =	shalt  }
0x7c: {  	_ =	shalt  }
0x7d: {  	_ =	shalt  }
0x7e: {  	_ =	shalt  }
0x7f: {  	_ =	shalt  }
0x80: {  	_ =	shalt  }
0x81: {  	_ =	shalt  }
0x82: {  	_ =	shalt  }
0x83: {  	_ =	shalt  }
0x84: {  	_ =	shalt  }
0x85: {  	_ =	shalt  }
0x86: {  	_ =	shalt  }
0x87: {  	_ =	shalt  }
.Lfunc_end0:
.L_simem_size_0:
called_computation.1_lowered:
.L_overlay_start_0:
0x88: {  	s2 =	sld [smem:$0x3FD9]  }
0x89: {  	s3 =	sld [smem:$0x3FFE];
	_ =	sdelay $0x1  }
0x8a: {  	s1 =	srdreg.scid  }
0x8b: {  	s0 =	sand.u32 $0x1, s1  }
0x8c: {  	s14 =	sshll.u32 s0, $0xA;
	s2 =	sadd.s32 s3, s2  }
0x8d: {  	s2 =	sadd.s32 s2, s14  }
0x8e: {  	[smem:$0x3FC0] =	sst s2  }
0x8f: {  	_ = 	snop  }
0x90: {  	s2 =	sld [smem:$0x3FD0];
	_ =	sdelay $0x2  }
0x91: {  	s15 =	simm.s32 $0xA;
	s4 =	simm.s32 $0x10  }
0x92: {  	[smem:s4], [sflag:s15] =	dma.local [hbm:s2], $0x1  }
0x93: {  	_ =	swait.eq [sflag:s15], $0x1  }
0x94: {  	[sflag:s15] =	ssyncset.done $0x0  }
0x95: {  	s16 =	sld [smem:$0x10];
	[sflag:s15] =	ssyncadd.s32 $0xFFFFFFFF  }
0x96: {  	s17 =	sld [smem:$0x11];
	(tm) =	ssettm $0x1  }
0x97: {  	s18 =	sld [smem:$0x3FFB];
	_ =	sdelay $0x3  }
0x98: {  	_ =	strace s18  }
0x99: {  	s4 =	sld [smem:$0x3FFC];
	_ =	sdelay $0x3  }
0x9a: {  	_ =	strace s4  }
0x9b: {  	s4 =	sld [smem:$0x3FFD];
	_ =	sdelay $0x3  }
0x9c: {  	_ =	strace s4  }
0x9d: {  	_ =	strace $0x8FFFFFFF  }
0x9e: {  	s19 =	sld [smem:$0x3FDB];
	_ =	sdelay $0x1  }
0x9f: {  	s5 =	simm.s32 $_scs_section_size  }
0xa0: {  	s6 =	simm.s32 $_size__tile_overlayer_lowered;
	s7 =	simm.s32 $_tile_overlayer_lowered  }
0xa1: {  	s22 =	simm.s32 $0x1BFF;
	s21 =	sshll.u32 s7, $0x1;
	s4 =	sadd.s32 s5, s19  }
0xa2: {  	s8 =	simm.s32 $0x0;
	s20 =	sshll.u32 s6, $0x1;
	s6 =	sadd.s32 s21, s4  }
0xa3: {  	[timem:s8], [sflag:s22] =	dma.local [hbm:s6], s20  }
0xa4: {  	_ =	swait.ge [sflag:s22], s20  }
0xa5: {  	s5 =	ssub.s32 $0x0, s20;
	[sflag:s22] =	ssyncset.done $0x0  }
0xa6: {  	[sflag:s22] =	ssyncadd.s32 s5;
	_ =	sdelay $0x1  }
0xa7: {  	s23 =	simm.s32 $0x1B8B  }
0xa8: {  	_ =	swait.ge [sflag:s23], $0x1  }
0xa9: {  	[sflag:s23] =	ssyncset.done $0x0  }
0xaa: {  	s25 =	simm.s32 $0x1B8E;
	s24 =	sld [smem:$0x3FFE];
	[sflag:s23] =	ssyncadd.s32 $0xFFFFFFFF  }
0xab: {  	s26 =	simm.s32 $execute0_lowered;
	[smem:$0x3FD2] =	sst s25  }
0xac: {  	s6 =	sshll.u32 s26, $0x1;
	_ =	strace $0x80000046;
	[dreg:$0x1] =	wrdreg $0xFFFFFFFF  }
0xad: {  	s28 =	simm.s32 $_size_execute0_lowered;
	s4 =	sadd.s32 s4, s6;
	[dreg:$0x0] =	wrdreg $0x0  }
0xae: {  	s6 =	sshll.u32 s28, $0x1;
	[dreg:$0x2] =	wrdreg s4  }
0xaf: {  	[dreg:$0x3] =	wrdreg s6  }
0xb0: {  	[dreg:$0x4] =	wrdreg $0xC0  }
0xb1: {  	_ =	task [dreg:s8], $0x5FFFF  }
0xb2: {  	[dreg:$0x1] =	wrdreg $0xFFFFFFFF  }
0xb3: {  	[dreg:$0x0] =	wrdreg $0x60  }
0xb4: {  	[dreg:$0x2] =	wrdreg s16  }
0xb5: {  	[dreg:$0x3] =	wrdreg s24  }
0xb6: {  	[dreg:$0x4] =	wrdreg s17  }
0xb7: {  	[dreg:$0x5] =	wrdreg $0x9  }
0xb8: {  	_ =	task.clear_ibuf [dreg:s8], $0x6FFFF;
	_ =	strace $0x90000046  }
0xb9: {  	s29 =	simm.s32 $0x9;
	_ =	strace $0x80000048  }
0xba: {  	_ =	swait.ge [sflag:s29], $0x1  }
0xbb: {  	[sflag:s29] =	ssyncadd.s32 $0xFFFFFFFF  }
0xbc: {  	_ =	strace $0x90000048  }
0xbd: {  	_ =	sfence  }
0xbe: {  	s30 =	sld [smem:$0x0];
	_ =	sdelay $0x2  }
0xbf: {  	s31 =	sshll.u32 s1, $0xD;
	s1 =	sshrl.u32 s1, $0x2  }
0xc0: {  	s3 =	sand.u32 $0x4000, s31;
	s1 =	sadd.s32 s1, s30  }
0xc1: {  	s0 =	sor.u32 s3, s0;
	s1 =	sshll.u32 s1, $0x11  }
0xc2: {  	s0 =	sor.u32 s1, s0  }
0xc3: {  	s0 =	sadd.s32 $0x8F2B, s0  }
0xc4: {  	[sflag:s0] =	ssyncadd.remote.s32 $0x1  }
0xc5: {  	_ =	sfence.sel $0xFFFF  }
0xc6: {  	[dreg:$0x0] =	wrdreg $0xFFFFFFFF;
	(pc) =	sbr.abs _section_cstart, $3  }
0xc7: {  	[dreg:$0x1] =	wrdreg $0xFFFFFFFF  }
0xc8: {  	_ =	task.clear_ibuf [dreg:s8], $0x2FFFF;
	_ =	strace $0x9FFFFFFF  }
0xc9: {  	(tm) =	ssettm $0x7FFFFFFF  }
tec
execute0_lowered:
.L_overlay_start_1:
0x0: {  	(tag) =	ssettag $0x1  }
0x1: {  	s1 =	rddreg [dreg:$0x0]  }
0x2: {  	s0 =	rddreg [dreg:$0x1];
	s3 =	simm.s32 $0x0  }
0x3: {  	[smem:$0x7FF] =	sst s3;
	s4 =	sadd.s32 $0x113E00, s0  }
0x4: {  	s11 =	sadd.s32 $0x1E00, s0;
	_ =	strace $0x80000047;
	[dreg:$0x4] =	wrdreg s4  }
0x5: {  	s5 =	sadd.s32 $0x115E00, s0;
	[dreg:$0x5] =	wrdreg s11  }
0x6: {  	s15 =	sadd.s32 $0x200, s1;
	[dreg:$0x8] =	wrdreg s5  }
0x7: {  	s16 =	sadd.s32 $0x300, s1;
	[dreg:$0x9] =	wrdreg s15  }
0x8: {  	s17 =	sadd.s32 $0x400, s1;
	[dreg:$0xa] =	wrdreg s16  }
0x9: {  	s18 =	sadd.s32 $0x500, s1;
	[dreg:$0xb] =	wrdreg s17  }
0xa: {  	s19 =	sadd.s32 $0x600, s1;
	[dreg:$0xc] =	wrdreg s18  }
0xb: {  	s2 =	srdreg.scid;
	s20 =	sadd.s32 $0x115F00, s0;
	[dreg:$0xd] =	wrdreg s19  }
0xc: {  	s6 =	stileid.u32;
	s21 =	sadd.s32 $0x700, s1;
	[dreg:$0xe] =	wrdreg s20  }
0xd: {  	s29 =	simm.s32 $0x6100;
	s22 =	sadd.s32 $0x116000, s0;
	[dreg:$0xf] =	wrdreg s21  }
0xe: {  	s30 =	simm.s32 $0x6900;
	s23 =	sadd.s32 $0x116100, s0;
	[dreg:$0x10] =	wrdreg s22  }
0xf: {  	s31 =	simm.s32 $0x7100;
	s24 =	sadd.s32 $0x116200, s0;
	[dreg:$0x11] =	wrdreg s23  }
0x10: {  	s2 =	sand.u32 $0x1, s2;
	s25 =	sadd.s32 $0x116300, s0;
	[dreg:$0x12] =	wrdreg s24  }
0x11: {  	s14 =	sshll.u32 s6, $0x5;
	s1 =	sadd.s32 $0x100, s1;
	[dreg:$0x13] =	wrdreg s25  }
0x12: {  	s26 =	sadd.s32 $0x116400, s0;
	s0 =	sadd.s32 $0x116500, s0;
	[dreg:$0x14] =	wrdreg s1  }
0x13: {  	s12 =	ssub.s32 $0x2, s2;
	s2 =	sshll.u32 s2, $0x4;
	[dreg:$0x15] =	wrdreg s26  }
0x14: {  	[dreg:$0x16] =	wrdreg s0;
	s5 =	simm.s32 $0x4100;
	s13 =	sshrl.u32 s12, $0x1  }
0x15: {  	v2 =	vlaneseq.u32;
	s23 =	simm.s32 $0x4900;
	s2 =	sor.u32 s2, s14;
	s4 =	ssub.s32 s12, s13  }
0x16: {  	vm0 =	vmmov $0xffff;
	v1 =	vshrl.u32 v2, $0x3;
	s24 =	simm.s32 $0x5100;
	[dreg:$0x6] =	wrdreg s2;
	s28 =	smax.u32 s4, $0x1  }
0x17: {  	v0 =	vand.u32 $0x7, v2;
	v2 =	vor.u32 $0x8, v2;
	s25 =	simm.s32 $0x5900;
	v1 =	vmul.u32 $0x8, v1;
	s1 =	simm.s32 $0x0;
	[dreg:$0x7] =	wrdreg s28  }
.LBB2_1:
0x18: {  	[dreg:$0x17] =	wrdreg s1;
	s17 =	simm.s32 $0x0  }
.LBB2_2:
0x19: {  	s0 =	rddreg [dreg:$0x6]  }
0x1a: {  	s0 =	sadd.s32 s0, s17  }
0x1b: {  	s4 =	rddreg [dreg:$0x4];
	s2 =	sshll.u32 s0, $0x4  }
0x1c: {  	s26 =	simm.s32 $0x0;
	s28 =	simm.s32 $0x1;
	s4 =	sadd.s32 s4, s2  }
0x1d: {  	[tilespmem:s26], [sflag:$0x1] =	stream.linear.gather [hbm4b:s4+s26], $0x80, $0x38;
	[tilespmem:$0x18100] =	vst v63  }
0x1e: {  	_ =	swait.ge [sflag:s28], $0x80  }
0x1f: {  	[sflag:s28] =	ssyncset.done $0x0;
	s21 =	rddreg [dreg:$0x5]  }
0x20: {  	[sflag:s28] =	ssyncadd.s32 $0xFFFFFF80;
	s2 =	sadd.s32 s21, s2;
	s21 =	simm.s32 $0x80  }
0x21: {  	[tilespmem:s21], [sflag:$0x1] =	stream.linear.gather [hbm4b:s2+s26], $0x80, $0x38;
	[tilespmem:$0x18100] =	vst v63  }
0x22: {  	_ =	swait.ge [sflag:s28], $0x80  }
0x23: {  	[sflag:s28] =	ssyncset.done $0x0  }
0x24: {  	[sflag:s28] =	ssyncadd.s32 $0xFFFFFF80  }
0x25: {  	s0 =	sshll.u32 s0, $0xB;
	s21 =	rddreg [dreg:$0x2]  }
0x26: {  	s4 =	simm.s32 $0x100;
	s0 =	sadd.s32 s21, s0  }
0x27: {  	[tilespmem:s4], [sflag:$0x1] =	stream.linear.gather [hbm4b:s0+s26], $0x4000, $0x38;
	[tilespmem:$0x18100] =	vst v63  }
0x28: {  	_ =	swait.ge [sflag:s28], $0x4000  }
0x29: {  	[sflag:s28] =	ssyncset.done $0x0  }
0x2a: {  	[sflag:s28] =	ssyncadd.s32 $0xFFFFC000  }
0x2b: {  	v3 =	vld [tilespmem:$0x0];
	_ =	sdelay $0x4  }
0x2c: {  	v4 =	vshll.u32 v3, $0x4  }
0x2d: {  	v3 =	vand.u32 $0x7, v3;
	v4 =	vand.u32 $0xFFFFFF80, v4  }
0x2e: {  	v3 =	vor.u32 v3, v4  }
0x2f: {  	v4 =	vperm.xlane v3, v0;
	_ =	sdelay $0x1  }
0x30: {  	v4 =	vadd.s32 v1, v4;
	_ =	sdelay $0x3  }
0x31: {  	s0 =	rddreg [dreg:$0x0]  }
0x32: {  	[tilespmem:s5], [sflag:$0x1] =	stream.indirect_vreg.gather [hbm4b:s0+s26], $0x80, v4, vm0, $0xb8;
	[tilespmem:$0x18100] =	vst v63  }
0x33: {  	s21 =	rddreg [dreg:$0x14]  }
0x34: {  	[tilespmem:s23], [sflag:$0x1] =	stream.indirect_vreg.gather [hbm4b:s21+s26], $0x80, v4, vm0, $0xb8;
	[tilespmem:$0x18100] =	vst v63  }
0x35: {  	s2 =	rddreg [dreg:$0x9]  }
0x36: {  	[tilespmem:s24], [sflag:$0x1] =	stream.indirect_vreg.gather [hbm4b:s2+s26], $0x80, v4, vm0, $0xb8;
	[tilespmem:$0x18100] =	vst v63  }
0x37: {  	s4 =	rddreg [dreg:$0xa]  }
0x38: {  	[tilespmem:s25], [sflag:$0x1] =	stream.indirect_vreg.gather [hbm4b:s4+s26], $0x80, v4, vm0, $0xb8;
	[tilespmem:$0x18100] =	vst v63  }
0x39: {  	s5 =	rddreg [dreg:$0xb]  }
0x3a: {  	[tilespmem:s29], [sflag:$0x1] =	stream.indirect_vreg.gather [hbm4b:s5+s26], $0x80, v4, vm0, $0xb8;
	[tilespmem:$0x18100] =	vst v63  }
0x3b: {  	v3 =	vperm.xlane v3, v2;
	s23 =	rddreg [dreg:$0xc]  }
0x3c: {  	[tilespmem:s30], [sflag:$0x1] =	stream.indirect_vreg.gather [hbm4b:s23+s26], $0x80, v4, vm0, $0xb8;
	[tilespmem:$0x18100] =	vst v63  }
0x3d: {  	v3 =	vadd.s32 v1, v3;
	s24 =	rddreg [dreg:$0xd]  }
0x3e: {  	[tilespmem:s31], [sflag:$0x1] =	stream.indirect_vreg.gather [hbm4b:s24+s26], $0x80, v4, vm0, $0xb8;
	[tilespmem:$0x18100] =	vst v63  }
0x3f: {  	s6 =	simm.s32 $0x7900;
	s25 =	rddreg [dreg:$0xf]  }
0x40: {  	[tilespmem:s6], [sflag:$0x1] =	stream.indirect_vreg.gather [hbm4b:s25+s26], $0x80, v4, vm0, $0xb8;
	[tilespmem:$0x18100] =	vst v63  }
0x41: {  	s6 =	simm.s32 $0x8100  }
0x42: {  	[tilespmem:s6], [sflag:$0x1] =	stream.indirect_vreg.gather [hbm4b:s0+s26], $0x80, v3, vm0, $0xb8;
	[tilespmem:$0x18100] =	vst v63  }
0x43: {  	s1 =	simm.s32 $0x8900  }
0x44: {  	[tilespmem:s1], [sflag:$0x1] =	stream.indirect_vreg.gather [hbm4b:s21+s26], $0x80, v3, vm0, $0xb8;
	[tilespmem:$0x18100] =	vst v63  }
0x45: {  	s1 =	simm.s32 $0x9100  }
0x46: {  	[tilespmem:s1], [sflag:$0x1] =	stream.indirect_vreg.gather [hbm4b:s2+s26], $0x80, v3, vm0, $0xb8;
	[tilespmem:$0x18100] =	vst v63  }
0x47: {  	s7 =	simm.s32 $0x9900  }
0x48: {  	[tilespmem:s7], [sflag:$0x1] =	stream.indirect_vreg.gather [hbm4b:s4+s26], $0x80, v3, vm0, $0xb8;
	[tilespmem:$0x18100] =	vst v63  }
0x49: {  	s7 =	simm.s32 $0xA100  }
0x4a: {  	[tilespmem:s7], [sflag:$0x1] =	stream.indirect_vreg.gather [hbm4b:s5+s26], $0x80, v3, vm0, $0xb8;
	[tilespmem:$0x18100] =	vst v63  }
0x4b: {  	s8 =	simm.s32 $0xA900  }
0x4c: {  	[tilespmem:s8], [sflag:$0x1] =	stream.indirect_vreg.gather [hbm4b:s23+s26], $0x80, v3, vm0, $0xb8;
	[tilespmem:$0x18100] =	vst v63  }
0x4d: {  	s8 =	simm.s32 $0xB100  }
0x4e: {  	[tilespmem:s8], [sflag:$0x1] =	stream.indirect_vreg.gather [hbm4b:s24+s26], $0x80, v3, vm0, $0xb8;
	[tilespmem:$0x18100] =	vst v63  }
0x4f: {  	s9 =	simm.s32 $0xB900  }
0x50: {  	[tilespmem:s9], [sflag:$0x1] =	stream.indirect_vreg.gather [hbm4b:s25+s26], $0x80, v3, vm0, $0xb8;
	[tilespmem:$0x18100] =	vst v63  }
0x51: {  	v3 =	vld [tilespmem:$0x10];
	_ =	sdelay $0x4  }
0x52: {  	v62 =	vshll.u32 v3, $0x4  }
0x53: {  	v3 =	vand.u32 $0x7, v3;
	v4 =	vand.u32 $0xFFFFFF80, v62  }
0x54: {  	v3 =	vor.u32 v3, v4  }
0x55: {  	v4 =	vperm.xlane v3, v0;
	_ =	sdelay $0x1  }
0x56: {  	v4 =	vadd.s32 v1, v4;
	_ =	sdelay $0x3  }
0x57: {  	s9 =	simm.s32 $0xC100  }
0x58: {  	[tilespmem:s9], [sflag:$0x1] =	stream.indirect_vreg.gather [hbm4b:s0+s26], $0x80, v4, vm0, $0xb8;
	[tilespmem:$0x18100] =	vst v63  }
0x59: {  	s10 =	simm.s32 $0xC900  }
0x5a: {  	[tilespmem:s10], [sflag:$0x1] =	stream.indirect_vreg.gather [hbm4b:s21+s26], $0x80, v4, vm0, $0xb8;
	[tilespmem:$0x18100] =	vst v63  }
0x5b: {  	s10 =	simm.s32 $0xD100  }
0x5c: {  	[tilespmem:s10], [sflag:$0x1] =	stream.indirect_vreg.gather [hbm4b:s2+s26], $0x80, v4, vm0, $0xb8;
	[tilespmem:$0x18100] =	vst v63  }
0x5d: {  	s11 =	simm.s32 $0xD900  }
0x5e: {  	[tilespmem:s11], [sflag:$0x1] =	stream.indirect_vreg.gather [hbm4b:s4+s26], $0x80, v4, vm0, $0xb8;
	[tilespmem:$0x18100] =	vst v63  }
0x5f: {  	s11 =	simm.s32 $0xE100  }
0x60: {  	[tilespmem:s11], [sflag:$0x1] =	stream.indirect_vreg.gather [hbm4b:s5+s26], $0x80, v4, vm0, $0xb8;
	[tilespmem:$0x18100] =	vst v63  }
0x61: {  	s12 =	simm.s32 $0xE900;
	v3 =	vperm.xlane v3, v2  }
0x62: {  	[tilespmem:s12], [sflag:$0x1] =	stream.indirect_vreg.gather [hbm4b:s23+s26], $0x80, v4, vm0, $0xb8;
	[tilespmem:$0x18100] =	vst v63  }
0x63: {  	v3 =	vadd.s32 v1, v3;
	s12 =	simm.s32 $0xF100  }
0x64: {  	[tilespmem:s12], [sflag:$0x1] =	stream.indirect_vreg.gather [hbm4b:s24+s26], $0x80, v4, vm0, $0xb8;
	[tilespmem:$0x18100] =	vst v63  }
0x65: {  	s13 =	simm.s32 $0xF900  }
0x66: {  	[tilespmem:s13], [sflag:$0x1] =	stream.indirect_vreg.gather [hbm4b:s25+s26], $0x80, v4, vm0, $0xb8;
	[tilespmem:$0x18100] =	vst v63  }
0x67: {  	s13 =	simm.s32 $0x10100  }
0x68: {  	[tilespmem:s13], [sflag:$0x1] =	stream.indirect_vreg.gather [hbm4b:s0+s26], $0x80, v3, vm0, $0xb8;
	[tilespmem:$0x18100] =	vst v63  }
0x69: {  	s14 =	simm.s32 $0x10900  }
0x6a: {  	[tilespmem:s14], [sflag:$0x1] =	stream.indirect_vreg.gather [hbm4b:s21+s26], $0x80, v3, vm0, $0xb8;
	[tilespmem:$0x18100] =	vst v63  }
0x6b: {  	s14 =	simm.s32 $0x11100  }
0x6c: {  	[tilespmem:s14], [sflag:$0x1] =	stream.indirect_vreg.gather [hbm4b:s2+s26], $0x80, v3, vm0, $0xb8;
	[tilespmem:$0x18100] =	vst v63  }
0x6d: {  	s15 =	simm.s32 $0x11900  }
0x6e: {  	[tilespmem:s15], [sflag:$0x1] =	stream.indirect_vreg.gather [hbm4b:s4+s26], $0x80, v3, vm0, $0xb8;
	[tilespmem:$0x18100] =	vst v63  }
0x6f: {  	s16 =	simm.s32 $0x12100  }
0x70: {  	[tilespmem:s16], [sflag:$0x1] =	stream.indirect_vreg.gather [hbm4b:s5+s26], $0x80, v3, vm0, $0xb8;
	[tilespmem:$0x18100] =	vst v63  }
0x71: {  	s18 =	simm.s32 $0x12900  }
0x72: {  	[tilespmem:s18], [sflag:$0x1] =	stream.indirect_vreg.gather [hbm4b:s23+s26], $0x80, v3, vm0, $0xb8;
	[tilespmem:$0x18100] =	vst v63  }
0x73: {  	s19 =	simm.s32 $0x13100  }
0x74: {  	[tilespmem:s19], [sflag:$0x1] =	stream.indirect_vreg.gather [hbm4b:s24+s26], $0x80, v3, vm0, $0xb8;
	[tilespmem:$0x18100] =	vst v63  }
0x75: {  	s20 =	simm.s32 $0x13900  }
0x76: {  	[tilespmem:s20], [sflag:$0x1] =	stream.indirect_vreg.gather [hbm4b:s25+s26], $0x80, v3, vm0, $0xb8;
	[tilespmem:$0x18100] =	vst v63  }
0x77: {  	v3 =	vld.msk [tilespmem:$0x20], $0xff;
	_ =	sdelay $0x4  }
0x78: {  	v63 =	vshll.u32 v3, $0x4  }
0x79: {  	v3 =	vand.u32 $0x7, v3;
	v4 =	vand.u32 $0xFFFFFF80, v63  }
0x7a: {  	v3 =	vor.u32 v3, v4  }
0x7b: {  	v3 =	vperm.xlane v3, v0;
	_ =	sdelay $0x1  }
0x7c: {  	v3 =	vadd.s32 v1, v3;
	_ =	sdelay $0x3  }
0x7d: {  	s22 =	simm.s32 $0x14100  }
0x7e: {  	[tilespmem:s22], [sflag:$0x1] =	stream.indirect_vreg.gather [hbm4b:s0+s26], $0x80, v3, vm0, $0xb8;
	[tilespmem:$0x18100] =	vst v63  }
0x7f: {  	s22 =	simm.s32 $0x14900  }
0x80: {  	[tilespmem:s22], [sflag:$0x1] =	stream.indirect_vreg.gather [hbm4b:s21+s26], $0x80, v3, vm0, $0xb8;
	[tilespmem:$0x18100] =	vst v63  }
0x81: {  	s18 =	simm.s32 $0x15100  }
0x82: {  	[tilespmem:s18], [sflag:$0x1] =	stream.indirect_vreg.gather [hbm4b:s2+s26], $0x80, v3, vm0, $0xb8;
	[tilespmem:$0x18100] =	vst v63  }
0x83: {  	s19 =	simm.s32 $0x15900  }
0x84: {  	[tilespmem:s19], [sflag:$0x1] =	stream.indirect_vreg.gather [hbm4b:s4+s26], $0x80, v3, vm0, $0xb8;
	[tilespmem:$0x18100] =	vst v63  }
0x85: {  	s20 =	simm.s32 $0x16100  }
0x86: {  	[tilespmem:s20], [sflag:$0x1] =	stream.indirect_vreg.gather [hbm4b:s5+s26], $0x80, v3, vm0, $0xb8;
	[tilespmem:$0x18100] =	vst v63  }
0x87: {  	s21 =	simm.s32 $0x16900  }
0x88: {  	[tilespmem:s21], [sflag:$0x1] =	stream.indirect_vreg.gather [hbm4b:s23+s26], $0x80, v3, vm0, $0xb8;
	[tilespmem:$0x18100] =	vst v63  }
0x89: {  	s23 =	simm.s32 $0x17100  }
0x8a: {  	[tilespmem:s23], [sflag:$0x1] =	stream.indirect_vreg.gather [hbm4b:s24+s26], $0x80, v3, vm0, $0xb8;
	[tilespmem:$0x18100] =	vst v63  }
0x8b: {  	s24 =	simm.s32 $0x17900  }
0x8c: {  	[tilespmem:s24], [sflag:$0x1] =	stream.indirect_vreg.gather [hbm4b:s25+s26], $0x80, v3, vm0, $0xb8;
	[tilespmem:$0x18100] =	vst v63  }
0x8d: {  	s29 =	simm.s32 $0xFFFFFFFB;
	s30 =	simm.s32 $0x4;
	_ =	swait.ge [sflag:s28], $0x14000  }
0x8e: {  	s31 =	simm.s32 $0x40;
	s0 =	simm.s32 $0x3;
	[sflag:s28] =	ssyncset.done $0x0  }
0x8f: {  	s4 =	simm.s32 $0x2;
	s23 =	simm.s32 $0x0;
	[sflag:s28] =	ssyncadd.s32 $0xFFFEC000  }
.LBB2_3:
0x90: {  	s2 =	sadd.s32 $0xFFFFFFC0, s31  }
0x91: {  	s24 =	sand.u32 $0x3C00, s23;
	s2 =	sand.u32 $0x70, s2  }
0x92: {  	s2 =	sor.u32 s2, s24  }
0x93: {  	v3 =	vld [tilespmem:s2+$0x100];
	_ =	sdelay $0x3  }
0x94: {  	s24 =	sor.u32 $0x4100, s2  }
0x95: {  	s18 =	sor.u32 $0x4180, s2;
	[tilespmem:s24+$0x0] =	vst.add.f32.msk $0xffff, v3  }
0x96: {  	s19 =	sor.u32 $0x4200, s2;
	[tilespmem:s18+$0x0] =	vst.add.f32.msk $0xffff, v3  }
0x97: {  	s20 =	sor.u32 $0x4280, s2;
	[tilespmem:s19+$0x0] =	vst.add.f32.msk $0xffff, v3  }
0x98: {  	s21 =	sor.u32 $0x4300, s2;
	[tilespmem:s20+$0x0] =	vst.add.f32.msk $0xffff, v3  }
0x99: {  	[tilespmem:s21+$0x0] =	vst.add.f32.msk $0xffff, v3  }
0x9a: {  	v3 =	vld [tilespmem:s2+$0x180];
	_ =	sdelay $0x2  }
0x9b: {  	s25 =	sand.u32 $0x7, s26  }
0x9c: {  	s24 =	sshll.u32 s25, $0x4;
	s25 =	sor.u32 $0x4380, s2  }
0x9d: {  	s24 =	sadd.s32 s24, s23;
	[tilespmem:s25+$0x0] =	vst.add.f32.msk $0xffff, v3  }
0x9e: {  	s24 =	sor.u32 $0x380, s24;
	[tilespmem:s2+$0x4400] =	vst.add.f32.msk $0xffff, v3  }
0x9f: {  	s5 =	sor.u32 $0x8100, s2;
	[tilespmem:s24+$0x4100] =	vst.add.f32.msk $0xffff, v3  }
0xa0: {  	s15 =	sor.u32 $0x8180, s2;
	[tilespmem:s5+$0x0] =	vst.add.f32.msk $0xffff, v3  }
0xa1: {  	[tilespmem:s15+$0x0] =	vst.add.f32.msk $0xffff, v3  }
0xa2: {  	v3 =	vld [tilespmem:s2+$0x200];
	_ =	sdelay $0x3  }
0xa3: {  	s16 =	sor.u32 $0x8200, s2  }
0xa4: {  	s18 =	sor.u32 $0x8280, s2;
	[tilespmem:s16+$0x0] =	vst.add.f32.msk $0xffff, v3  }
0xa5: {  	s19 =	sor.u32 $0x8300, s2;
	[tilespmem:s18+$0x0] =	vst.add.f32.msk $0xffff, v3  }
0xa6: {  	s20 =	sor.u32 $0x8380, s2;
	[tilespmem:s19+$0x0] =	vst.add.f32.msk $0xffff, v3  }
0xa7: {  	[tilespmem:s20+$0x0] =	vst.add.f32.msk $0xffff, v3  }
0xa8: {  	v4 =	vld [tilespmem:s2+$0x280];
	_ =	sdelay $0x3  }
0xa9: {  	[tilespmem:s2+$0x8400] =	vst.add.f32.msk $0xffff, v3  }
0xaa: {  	s21 =	sor.u32 $0xC100, s2;
	[tilespmem:s2+$0x8480] =	vst.add.f32.msk $0xffff, v4  }
0xab: {  	s5 =	sor.u32 $0xC180, s2;
	[tilespmem:s21+$0x0] =	vst.add.f32.msk $0xffff, v4  }
0xac: {  	s15 =	sor.u32 $0xC200, s2;
	[tilespmem:s5+$0x0] =	vst.add.f32.msk $0xffff, v4  }
0xad: {  	s16 =	sor.u32 $0xC280, s2;
	[tilespmem:s15+$0x0] =	vst.add.f32.msk $0xffff, v4  }
0xae: {  	[tilespmem:s16+$0x0] =	vst.add.f32.msk $0xffff, v4  }
0xaf: {  	v3 =	vld [tilespmem:s2+$0x300];
	_ =	sdelay $0x3  }
0xb0: {  	s18 =	sor.u32 $0xC300, s2  }
0xb1: {  	s19 =	sor.u32 $0xC380, s2;
	[tilespmem:s18+$0x0] =	vst.add.f32.msk $0xffff, v3  }
0xb2: {  	[tilespmem:s19+$0x0] =	vst.add.f32.msk $0xffff, v3  }
0xb3: {  	[tilespmem:s2+$0xC400] =	vst.add.f32.msk $0xffff, v3  }
0xb4: {  	s20 =	sor.u32 $0x10100, s2;
	[tilespmem:s2+$0xC480] =	vst.add.f32.msk $0xffff, v3  }
0xb5: {  	[tilespmem:s20+$0x0] =	vst.add.f32.msk $0xffff, v3  }
0xb6: {  	v3 =	vld [tilespmem:s2+$0x380];
	_ =	sdelay $0x3  }
0xb7: {  	s21 =	sor.u32 $0x10180, s2  }
0xb8: {  	s5 =	sor.u32 $0x10200, s2;
	[tilespmem:s21+$0x0] =	vst.add.f32.msk $0xffff, v3  }
0xb9: {  	s15 =	sor.u32 $0x10280, s2;
	[tilespmem:s5+$0x0] =	vst.add.f32.msk $0xffff, v3  }
0xba: {  	s16 =	sor.u32 $0x10300, s2;
	[tilespmem:s15+$0x0] =	vst.add.f32.msk $0xffff, v3  }
0xbb: {  	s18 =	sor.u32 $0x10380, s2;
	[tilespmem:s16+$0x0] =	vst.add.f32.msk $0xffff, v3  }
0xbc: {  	[tilespmem:s18+$0x0] =	vst.add.f32.msk $0xffff, v3  }
0xbd: {  	v3 =	vld [tilespmem:s2+$0x400];
	_ =	sdelay $0x4  }
0xbe: {  	[tilespmem:s2+$0x10400] =	vst.add.f32.msk $0xffff, v3  }
0xbf: {  	s19 =	sor.u32 $0x14100, s2;
	[tilespmem:s2+$0x10480] =	vst.add.f32.msk $0xffff, v3  }
0xc0: {  	s20 =	sor.u32 $0x14180, s2;
	[tilespmem:s19+$0x0] =	vst.add.f32.msk $0xffff, v3  }
0xc1: {  	s21 =	sor.u32 $0x14200, s2;
	[tilespmem:s20+$0x0] =	vst.add.f32.msk $0xffff, v3  }
0xc2: {  	[tilespmem:s21+$0x0] =	vst.add.f32.msk $0xffff, v3  }
0xc3: {  	v3 =	vld [tilespmem:s24+$0x100];
	_ =	sdelay $0x3  }
0xc4: {  	s25 =	sor.u32 $0x14280, s2  }
0xc5: {  	s5 =	sor.u32 $0x14300, s2;
	[tilespmem:s25+$0x0] =	vst.add.f32.msk $0xffff, v3  }
0xc6: {  	s15 =	sor.u32 $0x14380, s2;
	[tilespmem:s5+$0x0] =	vst.add.f32.msk $0xffff, v3  }
0xc7: {  	s16 =	sadd.s32 $0xFFFFFFD0, s31;
	s18 =	sadd.s32 $0x80, s23;
	[tilespmem:s15+$0x0] =	vst.add.f32.msk $0xffff, v3  }
0xc8: {  	s24 =	sand.u32 $0x70, s16;
	s5 =	sand.u32 $0x7C00, s18;
	[tilespmem:s2+$0x14400] =	vst.add.f32.msk $0xffff, v3  }
0xc9: {  	[tilespmem:s2+$0x14480] =	vst.add.f32.msk $0xffff, v3;
	s2 =	sor.u32 s24, s5  }
0xca: {  	v3 =	vld [tilespmem:s2+$0x100];
	_ =	sdelay $0x3  }
0xcb: {  	v4 =	vld [tilespmem:s2+$0x180]  }
0xcc: {  	[tilespmem:s2+$0x4100] =	vst.add.f32.msk $0xffff, v3  }
0xcd: {  	[tilespmem:s2+$0x4180] =	vst.add.f32.msk $0xffff, v3  }
0xce: {  	[tilespmem:s2+$0x4200] =	vst.add.f32.msk $0xffff, v3  }
0xcf: {  	s19 =	sand.u32 $0x7, s28;
	[tilespmem:s2+$0x4280] =	vst.add.f32.msk $0xffff, v3  }
0xd0: {  	s5 =	sshll.u32 s19, $0x4;
	[tilespmem:s2+$0x4300] =	vst.add.f32.msk $0xffff, v3  }
0xd1: {  	s5 =	sadd.s32 s5, s18;
	[tilespmem:s2+$0x4380] =	vst.add.f32.msk $0xffff, v4  }
0xd2: {  	s5 =	sor.u32 $0x380, s5;
	[tilespmem:s2+$0x4400] =	vst.add.f32.msk $0xffff, v4  }
0xd3: {  	s24 =	sor.u32 $0x8100, s2;
	[tilespmem:s5+$0x4100] =	vst.add.f32.msk $0xffff, v4  }
0xd4: {  	s20 =	sor.u32 $0x8180, s2;
	[tilespmem:s24+$0x0] =	vst.add.f32.msk $0xffff, v4  }
0xd5: {  	[tilespmem:s20+$0x0] =	vst.add.f32.msk $0xffff, v4  }
0xd6: {  	v3 =	vld [tilespmem:s2+$0x200];
	_ =	sdelay $0x3  }
0xd7: {  	s21 =	sor.u32 $0x8200, s2  }
0xd8: {  	s25 =	sor.u32 $0x8280, s2;
	[tilespmem:s21+$0x0] =	vst.add.f32.msk $0xffff, v3  }
0xd9: {  	s15 =	sor.u32 $0x8300, s2;
	[tilespmem:s25+$0x0] =	vst.add.f32.msk $0xffff, v3  }
0xda: {  	s16 =	sor.u32 $0x8380, s2;
	[tilespmem:s15+$0x0] =	vst.add.f32.msk $0xffff, v3  }
0xdb: {  	[tilespmem:s16+$0x0] =	vst.add.f32.msk $0xffff, v3  }
0xdc: {  	v4 =	vld [tilespmem:s2+$0x280];
	_ =	sdelay $0x2  }
0xdd: {  	[tilespmem:s2+$0x8400] =	vst.add.f32.msk $0xffff, v3  }
0xde: {  	v3 =	vld [tilespmem:s2+$0x300]  }
0xdf: {  	[tilespmem:s2+$0x8480] =	vst.add.f32.msk $0xffff, v4  }
0xe0: {  	[tilespmem:s2+$0xC100] =	vst.add.f32.msk $0xffff, v4  }
0xe1: {  	[tilespmem:s2+$0xC180] =	vst.add.f32.msk $0xffff, v4  }
0xe2: {  	[tilespmem:s2+$0xC200] =	vst.add.f32.msk $0xffff, v4  }
0xe3: {  	[tilespmem:s2+$0xC280] =	vst.add.f32.msk $0xffff, v4  }
0xe4: {  	[tilespmem:s2+$0xC300] =	vst.add.f32.msk $0xffff, v3  }
0xe5: {  	[tilespmem:s2+$0xC380] =	vst.add.f32.msk $0xffff, v3  }
0xe6: {  	[tilespmem:s2+$0xC400] =	vst.add.f32.msk $0xffff, v3  }
0xe7: {  	s18 =	sor.u32 $0x10100, s2;
	[tilespmem:s2+$0xC480] =	vst.add.f32.msk $0xffff, v3  }
0xe8: {  	[tilespmem:s18+$0x0] =	vst.add.f32.msk $0xffff, v3  }
0xe9: {  	v3 =	vld [tilespmem:s2+$0x380];
	_ =	sdelay $0x3  }
0xea: {  	s19 =	sor.u32 $0x10180, s2  }
0xeb: {  	s20 =	sor.u32 $0x10200, s2;
	[tilespmem:s19+$0x0] =	vst.add.f32.msk $0xffff, v3  }
0xec: {  	s21 =	sor.u32 $0x10280, s2;
	[tilespmem:s20+$0x0] =	vst.add.f32.msk $0xffff, v3  }
0xed: {  	s25 =	sor.u32 $0x10300, s2;
	[tilespmem:s21+$0x0] =	vst.add.f32.msk $0xffff, v3  }
0xee: {  	s15 =	sor.u32 $0x10380, s2;
	[tilespmem:s25+$0x0] =	vst.add.f32.msk $0xffff, v3  }
0xef: {  	[tilespmem:s15+$0x0] =	vst.add.f32.msk $0xffff, v3  }
0xf0: {  	v3 =	vld [tilespmem:s2+$0x400];
	_ =	sdelay $0x4  }
0xf1: {  	[tilespmem:s2+$0x10400] =	vst.add.f32.msk $0xffff, v3  }
0xf2: {  	[tilespmem:s2+$0x10480] =	vst.add.f32.msk $0xffff, v3  }
0xf3: {  	[tilespmem:s2+$0x14100] =	vst.add.f32.msk $0xffff, v3  }
0xf4: {  	[tilespmem:s2+$0x14180] =	vst.add.f32.msk $0xffff, v3  }
0xf5: {  	[tilespmem:s2+$0x14200] =	vst.add.f32.msk $0xffff, v3  }
0xf6: {  	v3 =	vld [tilespmem:s5+$0x100];
	_ =	sdelay $0x4  }
0xf7: {  	[tilespmem:s2+$0x14280] =	vst.add.f32.msk $0xffff, v3  }
0xf8: {  	[tilespmem:s2+$0x14300] =	vst.add.f32.msk $0xffff, v3  }
0xf9: {  	s16 =	sadd.s32 $0xFFFFFFE0, s31;
	s18 =	sadd.s32 $0x100, s23;
	[tilespmem:s2+$0x14380] =	vst.add.f32.msk $0xffff, v3  }
0xfa: {  	s19 =	sand.u32 $0x7C00, s18;
	s5 =	sand.u32 $0x70, s16;
	[tilespmem:s2+$0x14400] =	vst.add.f32.msk $0xffff, v3  }
0xfb: {  	[tilespmem:s2+$0x14480] =	vst.add.f32.msk $0xffff, v3;
	s2 =	sor.u32 s5, s19  }
0xfc: {  	v3 =	vld [tilespmem:s2+$0x100];
	_ =	sdelay $0x3  }
0xfd: {  	v4 =	vld [tilespmem:s2+$0x180]  }
0xfe: {  	[tilespmem:s2+$0x4100] =	vst.add.f32.msk $0xffff, v3  }
0xff: {  	[tilespmem:s2+$0x4180] =	vst.add.f32.msk $0xffff, v3  }
0x100: {  	[tilespmem:s2+$0x4200] =	vst.add.f32.msk $0xffff, v3  }
0x101: {  	s20 =	sand.u32 $0x7, s4;
	[tilespmem:s2+$0x4280] =	vst.add.f32.msk $0xffff, v3  }
0x102: {  	s5 =	sshll.u32 s20, $0x4;
	[tilespmem:s2+$0x4300] =	vst.add.f32.msk $0xffff, v3  }
0x103: {  	s5 =	sadd.s32 s5, s18;
	[tilespmem:s2+$0x4380] =	vst.add.f32.msk $0xffff, v4  }
0x104: {  	s5 =	sor.u32 $0x380, s5;
	[tilespmem:s2+$0x4400] =	vst.add.f32.msk $0xffff, v4  }
0x105: {  	s21 =	sor.u32 $0x8100, s2;
	[tilespmem:s5+$0x4100] =	vst.add.f32.msk $0xffff, v4  }
0x106: {  	s25 =	sor.u32 $0x8180, s2;
	[tilespmem:s21+$0x0] =	vst.add.f32.msk $0xffff, v4  }
0x107: {  	[tilespmem:s25+$0x0] =	vst.add.f32.msk $0xffff, v4  }
0x108: {  	v3 =	vld [tilespmem:s2+$0x200];
	_ =	sdelay $0x3  }
0x109: {  	s15 =	sor.u32 $0x8200, s2  }
0x10a: {  	s16 =	sor.u32 $0x8280, s2;
	[tilespmem:s15+$0x0] =	vst.add.f32.msk $0xffff, v3  }
0x10b: {  	s18 =	sor.u32 $0x8300, s2;
	[tilespmem:s16+$0x0] =	vst.add.f32.msk $0xffff, v3  }
0x10c: {  	s19 =	sor.u32 $0x8380, s2;
	[tilespmem:s18+$0x0] =	vst.add.f32.msk $0xffff, v3  }
0x10d: {  	[tilespmem:s19+$0x0] =	vst.add.f32.msk $0xffff, v3  }
0x10e: {  	v4 =	vld [tilespmem:s2+$0x280];
	_ =	sdelay $0x2  }
0x10f: {  	[tilespmem:s2+$0x8400] =	vst.add.f32.msk $0xffff, v3  }
0x110: {  	v3 =	vld [tilespmem:s2+$0x300]  }
0x111: {  	[tilespmem:s2+$0x8480] =	vst.add.f32.msk $0xffff, v4  }
0x112: {  	[tilespmem:s2+$0xC100] =	vst.add.f32.msk $0xffff, v4  }
0x113: {  	[tilespmem:s2+$0xC180] =	vst.add.f32.msk $0xffff, v4  }
0x114: {  	[tilespmem:s2+$0xC200] =	vst.add.f32.msk $0xffff, v4  }
0x115: {  	[tilespmem:s2+$0xC280] =	vst.add.f32.msk $0xffff, v4  }
0x116: {  	[tilespmem:s2+$0xC300] =	vst.add.f32.msk $0xffff, v3  }
0x117: {  	[tilespmem:s2+$0xC380] =	vst.add.f32.msk $0xffff, v3  }
0x118: {  	[tilespmem:s2+$0xC400] =	vst.add.f32.msk $0xffff, v3  }
0x119: {  	s20 =	sor.u32 $0x10100, s2;
	[tilespmem:s2+$0xC480] =	vst.add.f32.msk $0xffff, v3  }
0x11a: {  	[tilespmem:s20+$0x0] =	vst.add.f32.msk $0xffff, v3  }
0x11b: {  	v3 =	vld [tilespmem:s2+$0x380];
	_ =	sdelay $0x3  }
0x11c: {  	s21 =	sor.u32 $0x10180, s2  }
0x11d: {  	s25 =	sor.u32 $0x10200, s2;
	[tilespmem:s21+$0x0] =	vst.add.f32.msk $0xffff, v3  }
0x11e: {  	s15 =	sor.u32 $0x10280, s2;
	[tilespmem:s25+$0x0] =	vst.add.f32.msk $0xffff, v3  }
0x11f: {  	s16 =	sor.u32 $0x10300, s2;
	[tilespmem:s15+$0x0] =	vst.add.f32.msk $0xffff, v3  }
0x120: {  	s18 =	sor.u32 $0x10380, s2;
	[tilespmem:s16+$0x0] =	vst.add.f32.msk $0xffff, v3  }
0x121: {  	[tilespmem:s18+$0x0] =	vst.add.f32.msk $0xffff, v3  }
0x122: {  	v3 =	vld [tilespmem:s2+$0x400];
	_ =	sdelay $0x4  }
0x123: {  	[tilespmem:s2+$0x10400] =	vst.add.f32.msk $0xffff, v3  }
0x124: {  	[tilespmem:s2+$0x10480] =	vst.add.f32.msk $0xffff, v3  }
0x125: {  	[tilespmem:s2+$0x14100] =	vst.add.f32.msk $0xffff, v3  }
0x126: {  	[tilespmem:s2+$0x14180] =	vst.add.f32.msk $0xffff, v3  }
0x127: {  	[tilespmem:s2+$0x14200] =	vst.add.f32.msk $0xffff, v3  }
0x128: {  	v3 =	vld [tilespmem:s5+$0x100];
	_ =	sdelay $0x4  }
0x129: {  	[tilespmem:s2+$0x14280] =	vst.add.f32.msk $0xffff, v3  }
0x12a: {  	[tilespmem:s2+$0x14300] =	vst.add.f32.msk $0xffff, v3  }
0x12b: {  	s19 =	sadd.s32 $0xFFFFFFF0, s31;
	s20 =	sadd.s32 $0x180, s23;
	[tilespmem:s2+$0x14380] =	vst.add.f32.msk $0xffff, v3  }
0x12c: {  	s21 =	sand.u32 $0x7C00, s20;
	s5 =	sand.u32 $0x70, s19;
	[tilespmem:s2+$0x14400] =	vst.add.f32.msk $0xffff, v3  }
0x12d: {  	[tilespmem:s2+$0x14480] =	vst.add.f32.msk $0xffff, v3;
	s2 =	sor.u32 s5, s21  }
0x12e: {  	v3 =	vld [tilespmem:s2+$0x100];
	_ =	sdelay $0x3  }
0x12f: {  	v4 =	vld [tilespmem:s2+$0x180]  }
0x130: {  	[tilespmem:s2+$0x4100] =	vst.add.f32.msk $0xffff, v3  }
0x131: {  	[tilespmem:s2+$0x4180] =	vst.add.f32.msk $0xffff, v3  }
0x132: {  	[tilespmem:s2+$0x4200] =	vst.add.f32.msk $0xffff, v3  }
0x133: {  	s25 =	sand.u32 $0x7, s0;
	[tilespmem:s2+$0x4280] =	vst.add.f32.msk $0xffff, v3  }
0x134: {  	s5 =	sshll.u32 s25, $0x4;
	[tilespmem:s2+$0x4300] =	vst.add.f32.msk $0xffff, v3  }
0x135: {  	s5 =	sadd.s32 s5, s20;
	[tilespmem:s2+$0x4380] =	vst.add.f32.msk $0xffff, v4  }
0x136: {  	s5 =	sor.u32 $0x380, s5;
	[tilespmem:s2+$0x4400] =	vst.add.f32.msk $0xffff, v4  }
0x137: {  	s15 =	sor.u32 $0x8100, s2;
	[tilespmem:s5+$0x4100] =	vst.add.f32.msk $0xffff, v4  }
0x138: {  	s16 =	sor.u32 $0x8180, s2;
	[tilespmem:s15+$0x0] =	vst.add.f32.msk $0xffff, v4  }
0x139: {  	[tilespmem:s16+$0x0] =	vst.add.f32.msk $0xffff, v4  }
0x13a: {  	v3 =	vld [tilespmem:s2+$0x200];
	_ =	sdelay $0x3  }
0x13b: {  	s18 =	sor.u32 $0x8200, s2  }
0x13c: {  	s19 =	sor.u32 $0x8280, s2;
	[tilespmem:s18+$0x0] =	vst.add.f32.msk $0xffff, v3  }
0x13d: {  	s20 =	sor.u32 $0x8300, s2;
	[tilespmem:s19+$0x0] =	vst.add.f32.msk $0xffff, v3  }
0x13e: {  	s21 =	sor.u32 $0x8380, s2;
	[tilespmem:s20+$0x0] =	vst.add.f32.msk $0xffff, v3  }
0x13f: {  	[tilespmem:s21+$0x0] =	vst.add.f32.msk $0xffff, v3  }
0x140: {  	v4 =	vld [tilespmem:s2+$0x280];
	_ =	sdelay $0x2  }
0x141: {  	[tilespmem:s2+$0x8400] =	vst.add.f32.msk $0xffff, v3  }
0x142: {  	v3 =	vld [tilespmem:s2+$0x300]  }
0x143: {  	[tilespmem:s2+$0x8480] =	vst.add.f32.msk $0xffff, v4  }
0x144: {  	[tilespmem:s2+$0xC100] =	vst.add.f32.msk $0xffff, v4  }
0x145: {  	[tilespmem:s2+$0xC180] =	vst.add.f32.msk $0xffff, v4  }
0x146: {  	[tilespmem:s2+$0xC200] =	vst.add.f32.msk $0xffff, v4  }
0x147: {  	[tilespmem:s2+$0xC280] =	vst.add.f32.msk $0xffff, v4  }
0x148: {  	[tilespmem:s2+$0xC300] =	vst.add.f32.msk $0xffff, v3  }
0x149: {  	[tilespmem:s2+$0xC380] =	vst.add.f32.msk $0xffff, v3  }
0x14a: {  	[tilespmem:s2+$0xC400] =	vst.add.f32.msk $0xffff, v3  }
0x14b: {  	s25 =	sor.u32 $0x10100, s2;
	[tilespmem:s2+$0xC480] =	vst.add.f32.msk $0xffff, v3  }
0x14c: {  	[tilespmem:s25+$0x0] =	vst.add.f32.msk $0xffff, v3  }
0x14d: {  	v3 =	vld [tilespmem:s2+$0x380];
	_ =	sdelay $0x3  }
0x14e: {  	s15 =	sor.u32 $0x10180, s2  }
0x14f: {  	s16 =	sor.u32 $0x10200, s2;
	[tilespmem:s15+$0x0] =	vst.add.f32.msk $0xffff, v3  }
0x150: {  	s18 =	sor.u32 $0x10280, s2;
	[tilespmem:s16+$0x0] =	vst.add.f32.msk $0xffff, v3  }
0x151: {  	s19 =	sor.u32 $0x10300, s2;
	[tilespmem:s18+$0x0] =	vst.add.f32.msk $0xffff, v3  }
0x152: {  	s20 =	sor.u32 $0x10380, s2;
	[tilespmem:s19+$0x0] =	vst.add.f32.msk $0xffff, v3  }
0x153: {  	[tilespmem:s20+$0x0] =	vst.add.f32.msk $0xffff, v3  }
0x154: {  	v3 =	vld [tilespmem:s2+$0x400];
	_ =	sdelay $0x4  }
0x155: {  	[tilespmem:s2+$0x10400] =	vst.add.f32.msk $0xffff, v3  }
0x156: {  	[tilespmem:s2+$0x10480] =	vst.add.f32.msk $0xffff, v3  }
0x157: {  	[tilespmem:s2+$0x14100] =	vst.add.f32.msk $0xffff, v3  }
0x158: {  	[tilespmem:s2+$0x14180] =	vst.add.f32.msk $0xffff, v3  }
0x159: {  	[tilespmem:s2+$0x14200] =	vst.add.f32.msk $0xffff, v3  }
0x15a: {  	v3 =	vld [tilespmem:s5+$0x100];
	_ =	sdelay $0x4  }
0x15b: {  	[tilespmem:s2+$0x14280] =	vst.add.f32.msk $0xffff, v3  }
0x15c: {  	[tilespmem:s2+$0x14300] =	vst.add.f32.msk $0xffff, v3  }
0x15d: {  	s21 =	sadd.s32 $0x200, s23;
	[tilespmem:s2+$0x14380] =	vst.add.f32.msk $0xffff, v3  }
0x15e: {  	s25 =	sand.u32 $0x70, s31;
	s15 =	sand.u32 $0x7C00, s21;
	[tilespmem:s2+$0x14400] =	vst.add.f32.msk $0xffff, v3  }
0x15f: {  	[tilespmem:s2+$0x14480] =	vst.add.f32.msk $0xffff, v3;
	s2 =	sor.u32 s25, s15  }
0x160: {  	v3 =	vld [tilespmem:s2+$0x100];
	_ =	sdelay $0x3  }
0x161: {  	v4 =	vld [tilespmem:s2+$0x180]  }
0x162: {  	[tilespmem:s2+$0x4100] =	vst.add.f32.msk $0xffff, v3  }
0x163: {  	[tilespmem:s2+$0x4180] =	vst.add.f32.msk $0xffff, v3  }
0x164: {  	[tilespmem:s2+$0x4200] =	vst.add.f32.msk $0xffff, v3  }
0x165: {  	s16 =	sand.u32 $0x7, s30;
	[tilespmem:s2+$0x4280] =	vst.add.f32.msk $0xffff, v3  }
0x166: {  	s24 =	sshll.u32 s16, $0x4;
	[tilespmem:s2+$0x4300] =	vst.add.f32.msk $0xffff, v3  }
0x167: {  	s5 =	sadd.s32 s24, s21;
	[tilespmem:s2+$0x4380] =	vst.add.f32.msk $0xffff, v4  }
0x168: {  	s5 =	sor.u32 $0x380, s5;
	[tilespmem:s2+$0x4400] =	vst.add.f32.msk $0xffff, v4  }
0x169: {  	s18 =	sor.u32 $0x8100, s2;
	[tilespmem:s5+$0x4100] =	vst.add.f32.msk $0xffff, v4  }
0x16a: {  	s19 =	sor.u32 $0x8180, s2;
	[tilespmem:s18+$0x0] =	vst.add.f32.msk $0xffff, v4  }
0x16b: {  	[tilespmem:s19+$0x0] =	vst.add.f32.msk $0xffff, v4  }
0x16c: {  	v3 =	vld [tilespmem:s2+$0x200];
	_ =	sdelay $0x3  }
0x16d: {  	s20 =	sor.u32 $0x8200, s2  }
0x16e: {  	s21 =	sor.u32 $0x8280, s2;
	[tilespmem:s20+$0x0] =	vst.add.f32.msk $0xffff, v3  }
0x16f: {  	s25 =	sor.u32 $0x8300, s2;
	[tilespmem:s21+$0x0] =	vst.add.f32.msk $0xffff, v3  }
0x170: {  	s15 =	sor.u32 $0x8380, s2;
	[tilespmem:s25+$0x0] =	vst.add.f32.msk $0xffff, v3  }
0x171: {  	[tilespmem:s15+$0x0] =	vst.add.f32.msk $0xffff, v3  }
0x172: {  	v4 =	vld [tilespmem:s2+$0x280];
	_ =	sdelay $0x2  }
0x173: {  	[tilespmem:s2+$0x8400] =	vst.add.f32.msk $0xffff, v3  }
0x174: {  	v3 =	vld [tilespmem:s2+$0x300]  }
0x175: {  	[tilespmem:s2+$0x8480] =	vst.add.f32.msk $0xffff, v4  }
0x176: {  	[tilespmem:s2+$0xC100] =	vst.add.f32.msk $0xffff, v4  }
0x177: {  	[tilespmem:s2+$0xC180] =	vst.add.f32.msk $0xffff, v4  }
0x178: {  	[tilespmem:s2+$0xC200] =	vst.add.f32.msk $0xffff, v4  }
0x179: {  	[tilespmem:s2+$0xC280] =	vst.add.f32.msk $0xffff, v4  }
0x17a: {  	[tilespmem:s2+$0xC300] =	vst.add.f32.msk $0xffff, v3  }
0x17b: {  	[tilespmem:s2+$0xC380] =	vst.add.f32.msk $0xffff, v3  }
0x17c: {  	[tilespmem:s2+$0xC400] =	vst.add.f32.msk $0xffff, v3  }
0x17d: {  	s16 =	sor.u32 $0x10100, s2;
	[tilespmem:s2+$0xC480] =	vst.add.f32.msk $0xffff, v3  }
0x17e: {  	[tilespmem:s16+$0x0] =	vst.add.f32.msk $0xffff, v3  }
0x17f: {  	v3 =	vld [tilespmem:s2+$0x380];
	_ =	sdelay $0x3  }
0x180: {  	s18 =	sor.u32 $0x10180, s2  }
0x181: {  	s19 =	sor.u32 $0x10200, s2;
	[tilespmem:s18+$0x0] =	vst.add.f32.msk $0xffff, v3  }
0x182: {  	s20 =	sor.u32 $0x10280, s2;
	[tilespmem:s19+$0x0] =	vst.add.f32.msk $0xffff, v3  }
0x183: {  	s21 =	sor.u32 $0x10300, s2;
	[tilespmem:s20+$0x0] =	vst.add.f32.msk $0xffff, v3  }
0x184: {  	s25 =	sor.u32 $0x10380, s2;
	[tilespmem:s21+$0x0] =	vst.add.f32.msk $0xffff, v3  }
0x185: {  	[tilespmem:s25+$0x0] =	vst.add.f32.msk $0xffff, v3  }
0x186: {  	v3 =	vld [tilespmem:s2+$0x400];
	_ =	sdelay $0x4  }
0x187: {  	[tilespmem:s2+$0x10400] =	vst.add.f32.msk $0xffff, v3  }
0x188: {  	[tilespmem:s2+$0x10480] =	vst.add.f32.msk $0xffff, v3  }
0x189: {  	[tilespmem:s2+$0x14100] =	vst.add.f32.msk $0xffff, v3  }
0x18a: {  	[tilespmem:s2+$0x14180] =	vst.add.f32.msk $0xffff, v3  }
0x18b: {  	[tilespmem:s2+$0x14200] =	vst.add.f32.msk $0xffff, v3  }
0x18c: {  	v3 =	vld [tilespmem:s5+$0x100];
	_ =	sdelay $0x2  }
0x18d: {  	s29 =	sadd.s32 $0x5, s29  }
0x18e: {  	p0 =	slt.u32 s29, $0x78  }
.Ltmp0:
0x18f: {  	[tilespmem:s2+$0x14280] =	vst.add.f32.msk $0xffff, v3;
	(pc) =	sbr.rel @p0 .LBB2_3-.Ltmp0, $4  }
0x190: {  	[tilespmem:s2+$0x14300] =	vst.add.f32.msk $0xffff, v3  }
0x191: {  	s26 =	sadd.s32 $0x5, s26;
	[tilespmem:s2+$0x14380] =	vst.add.f32.msk $0xffff, v3  }
0x192: {  	s28 =	sadd.s32 $0x5, s28;
	s4 =	sadd.s32 $0x5, s4;
	s0 =	sadd.s32 $0x5, s0;
	[tilespmem:s2+$0x14400] =	vst.add.f32.msk $0xffff, v3  }
0x193: {  	s23 =	sadd.s32 $0x280, s23;
	s31 =	sadd.s32 $0x50, s31;
	s30 =	sadd.s32 $0x5, s30;
	[tilespmem:s2+$0x14480] =	vst.add.f32.msk $0xffff, v3  }
0x194: {  	v3 =	vld [tilespmem:$0x80];
	_ =	sdelay $0x4  }
0x195: {  	v4 =	vshll.u32 v3, $0x4  }
0x196: {  	v3 =	vand.u32 $0x7, v3;
	v4 =	vand.u32 $0xFFFFFF80, v4  }
0x197: {  	v3 =	vor.u32 v3, v4  }
0x198: {  	v4 =	vperm.xlane v3, v0;
	_ =	sdelay $0x1  }
0x199: {  	v4 =	vadd.s32 v1, v4;
	_ =	sdelay $0x3  }
0x19a: {  	s5 =	simm.s32 $0x4100;
	s2 =	rddreg [dreg:$0x8]  }
0x19b: {  	[hbm4b:s2+s3] =	stream.indirect_vreg.scatter [tilespmem:s5], [sflag:$0x1], $0x80, v4, vm0, $0xb8;
	[tilespmem:$0x18100] =	vst v63  }
0x19c: {  	s23 =	simm.s32 $0x4900;
	s4 =	rddreg [dreg:$0xe]  }
0x19d: {  	[hbm4b:s4+s3] =	stream.indirect_vreg.scatter [tilespmem:s23], [sflag:$0x1], $0x80, v4, vm0, $0xb8;
	[tilespmem:$0x18100] =	vst v63  }
0x19e: {  	s24 =	simm.s32 $0x5100;
	s15 =	rddreg [dreg:$0x10]  }
0x19f: {  	[hbm4b:s15+s3] =	stream.indirect_vreg.scatter [tilespmem:s24], [sflag:$0x1], $0x80, v4, vm0, $0xb8;
	[tilespmem:$0x18100] =	vst v63  }
0x1a0: {  	s25 =	simm.s32 $0x5900;
	s16 =	rddreg [dreg:$0x11]  }
0x1a1: {  	[hbm4b:s16+s3] =	stream.indirect_vreg.scatter [tilespmem:s25], [sflag:$0x1], $0x80, v4, vm0, $0xb8;
	[tilespmem:$0x18100] =	vst v63  }
0x1a2: {  	s29 =	simm.s32 $0x6100;
	s18 =	rddreg [dreg:$0x12]  }
0x1a3: {  	[hbm4b:s18+s3] =	stream.indirect_vreg.scatter [tilespmem:s29], [sflag:$0x1], $0x80, v4, vm0, $0xb8;
	[tilespmem:$0x18100] =	vst v63  }
0x1a4: {  	s30 =	simm.s32 $0x6900;
	s19 =	rddreg [dreg:$0x13];
	v3 =	vperm.xlane v3, v2  }
0x1a5: {  	[hbm4b:s19+s3] =	stream.indirect_vreg.scatter [tilespmem:s30], [sflag:$0x1], $0x80, v4, vm0, $0xb8;
	[tilespmem:$0x18100] =	vst v63  }
0x1a6: {  	s31 =	simm.s32 $0x7100;
	s20 =	rddreg [dreg:$0x15];
	v3 =	vadd.s32 v1, v3  }
0x1a7: {  	[hbm4b:s20+s3] =	stream.indirect_vreg.scatter [tilespmem:s31], [sflag:$0x1], $0x80, v4, vm0, $0xb8;
	[tilespmem:$0x18100] =	vst v63  }
0x1a8: {  	s0 =	simm.s32 $0x7900;
	s21 =	rddreg [dreg:$0x16]  }
0x1a9: {  	[hbm4b:s21+s3] =	stream.indirect_vreg.scatter [tilespmem:s0], [sflag:$0x1], $0x80, v4, vm0, $0xb8;
	[tilespmem:$0x18100] =	vst v63  }
0x1aa: {  	_ = 	snop  }
0x1ab: {  	[hbm4b:s2+s3] =	stream.indirect_vreg.scatter [tilespmem:s6], [sflag:$0x1], $0x80, v3, vm0, $0xb8;
	[tilespmem:$0x18100] =	vst v63  }
0x1ac: {  	s28 =	simm.s32 $0x8900  }
0x1ad: {  	[hbm4b:s4+s3] =	stream.indirect_vreg.scatter [tilespmem:s28], [sflag:$0x1], $0x80, v3, vm0, $0xb8;
	[tilespmem:$0x18100] =	vst v63  }
0x1ae: {  	_ = 	snop  }
0x1af: {  	[hbm4b:s15+s3] =	stream.indirect_vreg.scatter [tilespmem:s1], [sflag:$0x1], $0x80, v3, vm0, $0xb8;
	[tilespmem:$0x18100] =	vst v63  }
0x1b0: {  	s6 =	simm.s32 $0x9900  }
0x1b1: {  	[hbm4b:s16+s3] =	stream.indirect_vreg.scatter [tilespmem:s6], [sflag:$0x1], $0x80, v3, vm0, $0xb8;
	[tilespmem:$0x18100] =	vst v63  }
0x1b2: {  	_ = 	snop  }
0x1b3: {  	[hbm4b:s18+s3] =	stream.indirect_vreg.scatter [tilespmem:s7], [sflag:$0x1], $0x80, v3, vm0, $0xb8;
	[tilespmem:$0x18100] =	vst v63  }
0x1b4: {  	s7 =	simm.s32 $0xA900  }
0x1b5: {  	[hbm4b:s19+s3] =	stream.indirect_vreg.scatter [tilespmem:s7], [sflag:$0x1], $0x80, v3, vm0, $0xb8;
	[tilespmem:$0x18100] =	vst v63  }
0x1b6: {  	_ = 	snop  }
0x1b7: {  	[hbm4b:s20+s3] =	stream.indirect_vreg.scatter [tilespmem:s8], [sflag:$0x1], $0x80, v3, vm0, $0xb8;
	[tilespmem:$0x18100] =	vst v63  }
0x1b8: {  	s8 =	simm.s32 $0xB900  }
0x1b9: {  	[hbm4b:s21+s3] =	stream.indirect_vreg.scatter [tilespmem:s8], [sflag:$0x1], $0x80, v3, vm0, $0xb8;
	[tilespmem:$0x18100] =	vst v63  }
0x1ba: {  	v3 =	vld [tilespmem:$0x90];
	_ =	sdelay $0x4  }
0x1bb: {  	v62 =	vshll.u32 v3, $0x4  }
0x1bc: {  	v3 =	vand.u32 $0x7, v3;
	v4 =	vand.u32 $0xFFFFFF80, v62  }
0x1bd: {  	v3 =	vor.u32 v3, v4  }
0x1be: {  	v4 =	vperm.xlane v3, v0;
	_ =	sdelay $0x1  }
0x1bf: {  	v4 =	vadd.s32 v1, v4;
	_ =	sdelay $0x4  }
0x1c0: {  	[hbm4b:s2+s3] =	stream.indirect_vreg.scatter [tilespmem:s9], [sflag:$0x1], $0x80, v4, vm0, $0xb8;
	[tilespmem:$0x18100] =	vst v63  }
0x1c1: {  	s26 =	simm.s32 $0xC900  }
0x1c2: {  	[hbm4b:s4+s3] =	stream.indirect_vreg.scatter [tilespmem:s26], [sflag:$0x1], $0x80, v4, vm0, $0xb8;
	[tilespmem:$0x18100] =	vst v63  }
0x1c3: {  	_ = 	snop  }
0x1c4: {  	[hbm4b:s15+s3] =	stream.indirect_vreg.scatter [tilespmem:s10], [sflag:$0x1], $0x80, v4, vm0, $0xb8;
	[tilespmem:$0x18100] =	vst v63  }
0x1c5: {  	s28 =	simm.s32 $0xD900  }
0x1c6: {  	[hbm4b:s16+s3] =	stream.indirect_vreg.scatter [tilespmem:s28], [sflag:$0x1], $0x80, v4, vm0, $0xb8;
	[tilespmem:$0x18100] =	vst v63  }
0x1c7: {  	_ = 	snop  }
0x1c8: {  	[hbm4b:s18+s3] =	stream.indirect_vreg.scatter [tilespmem:s11], [sflag:$0x1], $0x80, v4, vm0, $0xb8;
	[tilespmem:$0x18100] =	vst v63  }
0x1c9: {  	s1 =	simm.s32 $0xE900;
	v3 =	vperm.xlane v3, v2  }
0x1ca: {  	[hbm4b:s19+s3] =	stream.indirect_vreg.scatter [tilespmem:s1], [sflag:$0x1], $0x80, v4, vm0, $0xb8;
	[tilespmem:$0x18100] =	vst v63  }
0x1cb: {  	v3 =	vadd.s32 v1, v3  }
0x1cc: {  	[hbm4b:s20+s3] =	stream.indirect_vreg.scatter [tilespmem:s12], [sflag:$0x1], $0x80, v4, vm0, $0xb8;
	[tilespmem:$0x18100] =	vst v63  }
0x1cd: {  	s6 =	simm.s32 $0xF900  }
0x1ce: {  	[hbm4b:s21+s3] =	stream.indirect_vreg.scatter [tilespmem:s6], [sflag:$0x1], $0x80, v4, vm0, $0xb8;
	[tilespmem:$0x18100] =	vst v63  }
0x1cf: {  	_ = 	snop  }
0x1d0: {  	[hbm4b:s2+s3] =	stream.indirect_vreg.scatter [tilespmem:s13], [sflag:$0x1], $0x80, v3, vm0, $0xb8;
	[tilespmem:$0x18100] =	vst v63  }
0x1d1: {  	s7 =	simm.s32 $0x10900  }
0x1d2: {  	[hbm4b:s4+s3] =	stream.indirect_vreg.scatter [tilespmem:s7], [sflag:$0x1], $0x80, v3, vm0, $0xb8;
	[tilespmem:$0x18100] =	vst v63  }
0x1d3: {  	_ = 	snop  }
0x1d4: {  	[hbm4b:s15+s3] =	stream.indirect_vreg.scatter [tilespmem:s14], [sflag:$0x1], $0x80, v3, vm0, $0xb8;
	[tilespmem:$0x18100] =	vst v63  }
0x1d5: {  	s8 =	simm.s32 $0x11900  }
0x1d6: {  	[hbm4b:s16+s3] =	stream.indirect_vreg.scatter [tilespmem:s8], [sflag:$0x1], $0x80, v3, vm0, $0xb8;
	[tilespmem:$0x18100] =	vst v63  }
0x1d7: {  	s9 =	simm.s32 $0x12100  }
0x1d8: {  	[hbm4b:s18+s3] =	stream.indirect_vreg.scatter [tilespmem:s9], [sflag:$0x1], $0x80, v3, vm0, $0xb8;
	[tilespmem:$0x18100] =	vst v63  }
0x1d9: {  	s10 =	simm.s32 $0x12900  }
0x1da: {  	[hbm4b:s19+s3] =	stream.indirect_vreg.scatter [tilespmem:s10], [sflag:$0x1], $0x80, v3, vm0, $0xb8;
	[tilespmem:$0x18100] =	vst v63  }
0x1db: {  	s11 =	simm.s32 $0x13100  }
0x1dc: {  	[hbm4b:s20+s3] =	stream.indirect_vreg.scatter [tilespmem:s11], [sflag:$0x1], $0x80, v3, vm0, $0xb8;
	[tilespmem:$0x18100] =	vst v63  }
0x1dd: {  	s12 =	simm.s32 $0x13900  }
0x1de: {  	[hbm4b:s21+s3] =	stream.indirect_vreg.scatter [tilespmem:s12], [sflag:$0x1], $0x80, v3, vm0, $0xb8;
	[tilespmem:$0x18100] =	vst v63  }
0x1df: {  	v3 =	vld.msk [tilespmem:$0xA0], $0xff;
	_ =	sdelay $0x4  }
0x1e0: {  	v63 =	vshll.u32 v3, $0x4  }
0x1e1: {  	v3 =	vand.u32 $0x7, v3;
	v4 =	vand.u32 $0xFFFFFF80, v63  }
0x1e2: {  	v3 =	vor.u32 v3, v4  }
0x1e3: {  	v3 =	vperm.xlane v3, v0;
	_ =	sdelay $0x1  }
0x1e4: {  	v3 =	vadd.s32 v1, v3;
	_ =	sdelay $0x3  }
0x1e5: {  	s13 =	simm.s32 $0x14100  }
0x1e6: {  	[hbm4b:s2+s3] =	stream.indirect_vreg.scatter [tilespmem:s13], [sflag:$0x1], $0x80, v3, vm0, $0xb8;
	[tilespmem:$0x18100] =	vst v63  }
0x1e7: {  	_ = 	snop  }
0x1e8: {  	[hbm4b:s4+s3] =	stream.indirect_vreg.scatter [tilespmem:s22], [sflag:$0x1], $0x80, v3, vm0, $0xb8;
	[tilespmem:$0x18100] =	vst v63  }
0x1e9: {  	s14 =	simm.s32 $0x15100  }
0x1ea: {  	[hbm4b:s15+s3] =	stream.indirect_vreg.scatter [tilespmem:s14], [sflag:$0x1], $0x80, v3, vm0, $0xb8;
	[tilespmem:$0x18100] =	vst v63  }
0x1eb: {  	s15 =	simm.s32 $0x15900  }
0x1ec: {  	[hbm4b:s16+s3] =	stream.indirect_vreg.scatter [tilespmem:s15], [sflag:$0x1], $0x80, v3, vm0, $0xb8;
	[tilespmem:$0x18100] =	vst v63  }
0x1ed: {  	s16 =	simm.s32 $0x16100  }
0x1ee: {  	[hbm4b:s18+s3] =	stream.indirect_vreg.scatter [tilespmem:s16], [sflag:$0x1], $0x80, v3, vm0, $0xb8;
	[tilespmem:$0x18100] =	vst v63  }
0x1ef: {  	s17 =	sadd.s32 $0x1, s17;
	s18 =	simm.s32 $0x16900  }
0x1f0: {  	[hbm4b:s19+s3] =	stream.indirect_vreg.scatter [tilespmem:s18], [sflag:$0x1], $0x80, v3, vm0, $0xb8;
	[tilespmem:$0x18100] =	vst v63  }
0x1f1: {  	p0 =	sne.s32 s17, $0x10;
	s22 =	simm.s32 $0x17100  }
0x1f2: {  	[hbm4b:s20+s3] =	stream.indirect_vreg.scatter [tilespmem:s22], [sflag:$0x1], $0x80, v3, vm0, $0xb8;
	[tilespmem:$0x18100] =	vst v63  }
.Ltmp1:
0x1f3: {  	s26 =	simm.s32 $0x17900;
	s28 =	simm.s32 $0x1;
	(pc) =	sbr.rel @p0 .LBB2_2-.Ltmp1, $4  }
0x1f4: {  	[hbm4b:s21+s3] =	stream.indirect_vreg.scatter [tilespmem:s26], [sflag:$0x1], $0x80, v3, vm0, $0xb8;
	[tilespmem:$0x18100] =	vst v63  }
0x1f5: {  	_ =	swait.ge [sflag:s28], $0x14000  }
0x1f6: {  	[sflag:s28] =	ssyncset.done $0x0  }
0x1f7: {  	[sflag:s28] =	ssyncadd.s32 $0xFFFEC000  }
0x1f8: {  	s1 =	rddreg [dreg:$0x17]  }
0x1f9: {  	s0 =	rddreg [dreg:$0x7];
	s1 =	sadd.s32 $0x1, s1  }
0x1fa: {  	p0 =	sne.s32 s1, s0  }
.Ltmp2:
0x1fb: {  	_ = 	snop;
	(pc) =	sbr.rel @p0 .LBB2_1-.Ltmp2, $1  }
0x1fc: {  	_ =	sdelay $0x3  }
0x1fd: {  	_ =	sfence.sel $0x180000  }
0x1fe: {  	[bflag:$0x0] =	sbarrier.arrive $0xFFFF  }
0x1ff: {  	_ =	strace $0x90000047  }
0x200: {  	s0 =	stileid.u32;
	[bflag:$0x2] =	sbarrier.arrive $0xFFFF  }
0x201: {  	p0 =	sne.s32 s0, $0x0;
	s0 =	rddreg [dreg:$0x3]  }
0x202: {  	s0 =	sadd.s32 @!p0 $0x100000, s0  }
0x203: {  	[sflag:s0] =	ssyncadd.tile.s32 @!p0 $0x1;
	_ =	shalt  }
.Lfunc_end2:
_tile_overlayer_lowered:
.L_overlay_start_2:
0x204: {  	(tag) =	ssettag $0x2  }
0x205: {  	s0 =	rddreg [dreg:$0x0];
	s2 =	stileid.u32  }
0x206: {  	s1 =	rddreg [dreg:$0x1];
	p0 =	sne.s32 s2, $0x0  }
0x207: {  	s3 =	rddreg [dreg:$0x2];
	[bflag:$0x3] =	sbarrier.arrive $0xFFFF;
	s2 =	simm.s32 @!p0 $0x1C01  }
0x208: {  	[timem:s3], [sflag:s2] =	dma.local @!p0 [hbm:s0], s1  }
0x209: {  	s0 =	simm.s32 @!p0 $0x1  }
0x20a: {  	_ =	swait.ge @!p0 [sflag:s0], s1  }
0x20b: {  	s1 =	ssub.s32 @!p0 $0x0, s1;
	[sflag:s0] =	ssyncset.done @!p0 $0x0  }
0x20c: {  	[sflag:s0] =	ssyncadd.s32 @!p0 s1  }
0x20d: {  	[bflag:$0x3] =	sbarrier.arrive $0xFFFF  }
0x20e: {  	_ =	shalt  }

// kernel: sparse-core-data-format-call.cloned.1.call-start
scs
called_computation_lowered:
.L_overlay_start_0:
0x0: {  	s2 =	sld [smem:$0x3FD9]  }
0x1: {  	s3 =	sld [smem:$0x3FFE];
	_ =	sdelay $0x1  }
0x2: {  	s1 =	srdreg.scid  }
0x3: {  	s0 =	sand.u32 $0x1, s1  }
0x4: {  	s15 =	sshll.u32 s0, $0xA;
	s2 =	sadd.s32 s3, s2  }
0x5: {  	s2 =	sadd.s32 s2, s15  }
0x6: {  	[smem:$0x3FC0] =	sst s2  }
0x7: {  	_ = 	snop  }
0x8: {  	s2 =	sld [smem:$0x3FD0];
	_ =	sdelay $0x2  }
0x9: {  	s16 =	simm.s32 $0xA;
	s4 =	simm.s32 $0x10  }
0xa: {  	[smem:s4], [sflag:s16] =	dma.local [hbm:s2], $0x1  }
0xb: {  	_ =	swait.eq [sflag:s16], $0x1  }
0xc: {  	[sflag:s16] =	ssyncset.done $0x0  }
0xd: {  	[sflag:s16] =	ssyncadd.s32 $0xFFFFFFFF  }
0xe: {  	s17 =	sld [smem:$0x11];
	(tm) =	ssettm $0x1  }
0xf: {  	s18 =	sld [smem:$0x3FFB];
	_ =	sdelay $0x3  }
0x10: {  	_ =	strace s18  }
0x11: {  	s3 =	sld [smem:$0x3FFC];
	_ =	sdelay $0x3  }
0x12: {  	_ =	strace s3  }
0x13: {  	s3 =	sld [smem:$0x3FFD];
	_ =	sdelay $0x3  }
0x14: {  	_ =	strace s3  }
0x15: {  	_ =	strace $0x8FFFFFFF  }
0x16: {  	s19 =	sld [smem:$0x3FDB];
	_ =	sdelay $0x1  }
0x17: {  	s20 =	simm.s32 $_scs_section_size  }
0x18: {  	s5 =	simm.s32 $_size__tile_overlayer_lowered;
	s6 =	simm.s32 $_tile_overlayer_lowered  }
0x19: {  	s23 =	simm.s32 $0x1BFF;
	s22 =	sshll.u32 s6, $0x1;
	s3 =	sadd.s32 s20, s19  }
0x1a: {  	s7 =	simm.s32 $0x0;
	s21 =	sshll.u32 s5, $0x1;
	s5 =	sadd.s32 s22, s3  }
0x1b: {  	[timem:s7], [sflag:s23] =	dma.local [hbm:s5], s21  }
0x1c: {  	_ =	swait.ge [sflag:s23], s21  }
0x1d: {  	s4 =	ssub.s32 $0x0, s21;
	[sflag:s23] =	ssyncset.done $0x0  }
0x1e: {  	[sflag:s23] =	ssyncadd.s32 s4;
	_ =	sdelay $0x1  }
0x1f: {  	s24 =	simm.s32 $0x1B8B  }
0x20: {  	_ =	swait.ge [sflag:s24], $0x1  }
0x21: {  	[sflag:s24] =	ssyncset.done $0x0  }
0x22: {  	s26 =	simm.s32 $0x1B8E;
	s25 =	sld [smem:$0x3FFE];
	[sflag:s24] =	ssyncadd.s32 $0xFFFFFFFF  }
0x23: {  	s27 =	simm.s32 $execute0_lowered;
	[smem:$0x3FD2] =	sst s26  }
0x24: {  	s5 =	sshll.u32 s27, $0x1;
	_ =	strace $0x80000049;
	[dreg:$0x1] =	wrdreg $0xFFFFFFFF  }
0x25: {  	s28 =	simm.s32 $_size_execute0_lowered;
	s3 =	sadd.s32 s3, s5;
	[dreg:$0x0] =	wrdreg $0x0  }
0x26: {  	s5 =	sshll.u32 s28, $0x1;
	[dreg:$0x2] =	wrdreg s3  }
0x27: {  	[dreg:$0x3] =	wrdreg s5  }
0x28: {  	[dreg:$0x4] =	wrdreg $0xC0  }
0x29: {  	_ =	task [dreg:s7], $0x5FFFF  }
0x2a: {  	[dreg:$0x1] =	wrdreg $0xFFFFFFFF  }
0x2b: {  	[dreg:$0x0] =	wrdreg $0x60  }
0x2c: {  	[dreg:$0x2] =	wrdreg s25  }
0x2d: {  	[dreg:$0x3] =	wrdreg s17  }
0x2e: {  	[dreg:$0x4] =	wrdreg $0x9  }
0x2f: {  	_ =	task.clear_ibuf [dreg:s7], $0x5FFFF;
	_ =	strace $0x90000049  }
0x30: {  	s29 =	simm.s32 $0x9;
	_ =	strace $0x8000004B  }
0x31: {  	_ =	swait.ge [sflag:s29], $0x1  }
0x32: {  	[sflag:s29] =	ssyncadd.s32 $0xFFFFFFFF  }
0x33: {  	_ =	strace $0x9000004B  }
0x34: {  	_ =	sfence  }
0x35: {  	s30 =	sld [smem:$0x0];
	_ =	sdelay $0x2  }
0x36: {  	s31 =	sshll.u32 s1, $0xD;
	s1 =	sshrl.u32 s1, $0x2  }
0x37: {  	s3 =	sand.u32 $0x4000, s31;
	s1 =	sadd.s32 s1, s30  }
0x38: {  	s0 =	sor.u32 s3, s0;
	s1 =	sshll.u32 s1, $0x11  }
0x39: {  	s0 =	sor.u32 s1, s0  }
0x3a: {  	s0 =	sadd.s32 $0x8F2B, s0  }
0x3b: {  	[sflag:s0] =	ssyncadd.remote.s32 $0x1  }
0x3c: {  	_ =	sfence.sel $0xFFFF  }
0x3d: {  	[dreg:$0x0] =	wrdreg $0xFFFFFFFF;
	(pc) =	sbr.abs _section_cstart, $3  }
0x3e: {  	[dreg:$0x1] =	wrdreg $0xFFFFFFFF  }
0x3f: {  	_ =	task.clear_ibuf [dreg:s7], $0x2FFFF;
	_ =	strace $0x9FFFFFFF  }
0x40: {  	(tm) =	ssettm $0x7FFFFFFF  }
0x41: {  	_ =	shalt  }
tec
execute0_lowered:
.L_overlay_start_1:
0x0: {  	(tag) =	ssettag $0x1  }
0x1: {  	s0 =	srdreg.scid;
	s6 =	rddreg [dreg:$0x0]  }
0x2: {  	s3 =	rddreg [dreg:$0x1];
	s1 =	sshll.u32 s0, $0x4  }
0x3: {  	s5 =	simm.s32 $0x1;
	s0 =	stileid.u32;
	s1 =	sand.u32 $0x10, s1  }
0x4: {  	s31 =	simm.s32 $0x2;
	s16 =	simm.s32 $0x0;
	s1 =	sor.u32 s0, s1  }
0x5: {  	s8 =	simm.s32 $0x8000;
	s18 =	simm.s32 $0x0;
	s2 =	sshll.u32 s1, $0x7  }
0x6: {  	s17 =	simm.s32 $0x0;
	s9 =	simm.s32 $0x0;
	s4 =	ssub.s32 $0x1000, s2  }
0x7: {  	s10 =	simm.s32 $0x0;
	s11 =	simm.s32 $0x0;
	s30 =	sand.u32 $0xF80, s4  }
0x8: {  	s12 =	simm.s32 $0x0;
	s13 =	simm.s32 $0x0;
	p0 =	sne.s32 s30, $0x0  }
.Ltmp0:
0x9: {  	s7 =	sshrl.u32 s4, $0xC;
	s5 =	simm.s32 @!p0 $0x0;
	(pc) =	sbr.rel .LBB1_1-.Ltmp0, $4  }
0xa: {  	s15 =	simm.s32 $0x0;
	s1 =	rddreg [dreg:$0x2];
	s5 =	sadd.s32 s5, s7  }
0xb: {  	_ =	strace $0x8000004A;
	s4 =	simm.s32 $0x1;
	s5 =	smul.u32 $0x50, s5  }
0xc: {  	s6 =	sadd.s32 $0x115E00, s6;
	s14 =	smov.u32 s2;
	[sflag:s4] =	ssyncpa.u1 $0x0  }
0xd: {  	[sflag:s31] =	ssyncpa.u1 $0x0;
	p0 =	por $0x0, $0x0;
	s7 =	sor.u32 $0x1, s5  }
.LBB1_4:
0xe: {  	s23 =	sshra.s32 s23, $0x2;
	s30 =	sshll.u32 s9, $0xC  }
0xf: {  	p1 =	sgt.s32 s10, $0x4;
	s24 =	smov.u32 s10;
	s25 =	sshra.s32 s10, $0x1F  }
0x10: {  	s26 =	sshll.u32 s11, $0x3;
	s28 =	smov.u32 s11;
	s29 =	sshra.s32 s11, $0x1F  }
0x11: {  	s22 =	sadd.s32 s23, s22;
	s24 =	simm.s32 @!p1 $0x4;
	s25 =	sand.u32 s25, s10  }
0x12: {  	s23 =	sand.u32 $0xFFFF8000, s30;
	s27 =	sand.u32 $0xFFFFFC00, s26;
	p1 =	sgt.s32 s9, $0x750  }
0x13: {  	s31 =	sand.u32 s29, s11;
	s29 =	sshll.u32 s9, $0x7;
	s30 =	sshra.s32 s9, $0x1F  }
0x14: {  	[tilespmem:s21+$0x2040 ss:$0x81] =	vst.msk $0xffff, v4;
	s24 =	ssub.s32 s24, s25;
	s23 =	sadd.s32 s27, s23;
	s27 =	smov.u32 s9  }
0x15: {  	[tilespmem:s21+$0x2850 ss:$0x81] =	vst.msk $0xffff, v3;
	s29 =	sand.u32 $0x380, s29;
	s25 =	sadd.s32 $0xFFFFFFFC, s24;
	s27 =	simm.s32 @!p1 $0x750  }
0x16: {  	v5 =	vld [tilespmem:s20+$0xFFFFFFD0];
	[tilespmem:s21+$0x3060 ss:$0x81] =	vst.msk $0xffff, v2;
	p1 =	sgt.s32 s11, $0xF80;
	s23 =	sshrl.u32 s23, $0xC;
	s24 =	ssub.s32 $0x5, s24  }
0x17: {  	v58 =	vld [tilespmem:s20+$0xFFFFFFE0];
	[tilespmem:s21+$0x0 ss:$0x81] =	vst.msk $0xffff, v1;
	s28 =	simm.s32 @!p1 $0xF80;
	p1 =	sgt.s32 s25, $0x0;
	s21 =	smulhi.u32 $0x20C49C, s23  }
0x18: {  	v59 =	vld [tilespmem:s20+$0xFFFFFFF0];
	s25 =	ssub.s32 s28, s31;
	s28 =	sand.u32 s30, s9;
	s24 =	simm.s32 @p1 $0x0  }
0x19: {  	v60 =	vld [tilespmem:s20+$0x0];
	s27 =	ssub.s32 s27, s28;
	s31 =	sadd.s32 $0xFFFFF080, s25;
	s25 =	ssub.s32 $0x1000, s25  }
0x1a: {  	v61 =	vld [tilespmem:s20+$0x10];
	[tilespmem:s22+$0x3870 ss:$0x81] =	vst.msk $0xffff, v0;
	s21 =	smul.u32 $0x7D0, s21;
	s28 =	sand.u32 $0x7, s11;
	p1 =	sgt.s32 s31, $0x7F  }
0x1b: {  	v62 =	vld [tilespmem:s20+$0x20];
	[tilespmem:s22+$0x810 ss:$0x81] =	vst.msk $0xffff, v5;
	s30 =	sadd.s32 $0xFFFFF8B0, s27;
	s31 =	sand.u32 $0x78, s11;
	s25 =	simm.s32 @p1 $0x0  }
0x1c: {  	v63 =	vld [tilespmem:s20+$0xFFFFFFC0];
	[tilespmem:s22+$0x1020 ss:$0x81] =	vst.msk $0xffff, v58;
	p1 =	sgt.s32 s30, $0x7F;
	s30 =	sand.u32 $0xC00, s26;
	s24 =	smul.u32 s25, s24  }
0x1d: {  	[tilespmem:s22+$0x1830 ss:$0x81] =	vst.msk $0xffff, v59;
	s26 =	ssub.s32 $0x7D0, s27;
	s20 =	sor.u32 s31, s30;
	s31 =	smul.u32 $0xFA000, s10  }
0x1e: {  	[tilespmem:s22+$0x2040 ss:$0x81] =	vst.msk $0xffff, v60;
	s21 =	ssub.s32 s23, s21;
	s26 =	simm.s32 @p1 $0x0;
	s20 =	sor.u32 s29, s20  }
0x1f: {  	[tilespmem:s22+$0x2850 ss:$0x81] =	vst.msk $0xffff, v61;
	s26 =	smul.u32 s26, s24;
	s20 =	sshrl.u32 s20, $0x3;
	s27 =	sadd.s32 s3, s31  }
0x20: {  	[tilespmem:s22+$0x3060 ss:$0x81] =	vst.msk $0xffff, v62;
	s21 =	sshll.u32 s21, $0x9;
	s29 =	sshll.u32 s28, $0x12;
	s20 =	sadd.s32 s20, s27  }
0x21: {  	[tilespmem:s22+$0x0 ss:$0x81] =	vst.msk $0xffff, v63;
	s31 =	sor.u32 $0x400, s29;
	s30 =	sand.u32 $0x3FFFFFFF, s26;
	s20 =	sadd.s32 s21, s20  }
0x22: {  	[hbm4b:s20+s31] =	stream.strided.scatter [tilespmem:s19], [sflag:$0x2], s30, s8, s31, $0x20;
	[tilespmem:$0x10100] =	vst v63  }
.LBB1_5:
0x23: {  	p1 =	slt.u32 s15, $0x2  }
0x24: {  	p2 =	sgt.s32 @!p1 s18, $0x4  }
0x25: {  	s19 =	smov.u32 s18;
	s20 =	sshra.s32 @!p1 s18, $0x1F;
	p2 =	por !p2, p1  }
0x26: {  	s18 =	sand.u32 @!p1 s20, s18;
	s19 =	simm.s32 @p2 $0x4  }
0x27: {  	p3 =	sgt.s32 @!p1 s16, $0x750;
	s18 =	ssub.s32 @!p1 s19, s18  }
0x28: {  	p4 =	sgt.s32 @!p1 s17, $0xF80;
	s21 =	sshra.s32 @!p1 s17, $0x1F;
	s19 =	sadd.s32 @!p1 $0xFFFFFFFC, s18  }
0x29: {  	s20 =	smov.u32 s16;
	p2 =	sgt.s32 @!p1 s19, $0x0;
	s19 =	sshra.s32 @!p1 s16, $0x1F  }
0x2a: {  	p4 =	por !p4, p1;
	s16 =	sand.u32 @!p1 s19, s16;
	s19 =	smov.u32 s17  }
0x2b: {  	p3 =	por !p3, p1;
	s17 =	sand.u32 @!p1 s21, s17;
	s19 =	simm.s32 @p4 $0xF80  }
0x2c: {  	s20 =	simm.s32 @p3 $0x750;
	s18 =	ssub.s32 @!p1 $0x5, s18;
	s17 =	ssub.s32 @!p1 s19, s17  }
0x2d: {  	p2 =	por !p2, p1;
	s16 =	ssub.s32 @!p1 s20, s16;
	s20 =	sadd.s32 @!p1 $0xFFFFF080, s17  }
0x2e: {  	s18 =	simm.s32 @!p2 $0x0;
	p3 =	sgt.s32 @!p1 s20, $0x7F  }
0x2f: {  	s19 =	sadd.s32 @!p1 $0xFFFFF8B0, s16;
	s17 =	ssub.s32 @!p1 $0x1000, s17;
	p3 =	por !p3, p1  }
0x30: {  	p2 =	sgt.s32 @!p1 s19, $0x7F;
	s19 =	sadd.s32 $0x80, s12;
	s17 =	simm.s32 @!p3 $0x0  }
0x31: {  	p3 =	sgt.s32 s19, $0x7CF;
	s17 =	smul.u32 @!p1 s17, s18;
	s18 =	simm.s32 $0x1  }
0x32: {  	s16 =	ssub.s32 @!p1 $0x7D0, s16;
	p2 =	por !p2, p1;
	s18 =	simm.s32 @!p3 $0x0  }
0x33: {  	s21 =	smov.u32 s14;
	s16 =	simm.s32 @!p2 $0x0;
	s20 =	sadd.s32 s18, s13  }
0x34: {  	s16 =	smul.u32 @!p1 s16, s17;
	s17 =	sadd.s32 $0x1000, s14;
	p2 =	sgt.s32 s20, $0x4  }
0x35: {  	p0 =	por !p0, !p0;
	s22 =	simm.s32 @!p1 $0x2;
	s21 =	smov.u32 @p2 s17  }
0x36: {  	s19 =	simm.s32 @p3 $0x0;
	s20 =	simm.s32 @p2 $0x0;
	p2 =	sgt.s32 s21, $0xFFF  }
0x37: {  	s18 =	smov.u32 s10;
	s21 =	smov.u32 @p2 s2;
	p2 =	sne.s32 s15, s7  }
.Ltmp1:
0x38: {  	s10 =	smov.u32 s13;
	s16 =	sand.u32 @!p1 $0x3FFFFFFF, s16;
	(pc) =	sbr.rel @!p2 .LBB1_6-.Ltmp1, $4  }
0x39: {  	s17 =	smov.u32 s11;
	s11 =	smov.u32 s14;
	_ =	swait.ge @!p1 [sflag:s22], s16  }
0x3a: {  	s23 =	ssub.s32 @!p1 $0x0, s16;
	s16 =	smov.u32 s9;
	s9 =	smov.u32 s12  }
0x3b: {  	s12 =	smov.u32 s19;
	s13 =	smov.u32 s20;
	[sflag:s22] =	ssyncset.done @!p1 $0x0  }
0x3c: {  	s15 =	sadd.s32 $0x1, s15;
	[sflag:s22] =	ssyncadd.s32 @!p1 s23;
	s14 =	smov.u32 s21  }
.LBB1_1:
0x3d: {  	p1 =	sge.u32 s15, s5  }
0x3e: {  	s31 =	sadd.s32 $0xFFFFFFFF, s15;
	s19 =	sxor.u32 @!p1 $0xFFFFFFFF, s15;
	s20 =	sshll.u32 @!p1 s13, $0x7  }
0x3f: {  	s21 =	sand.u32 @!p1 $0x78, s12;
	s22 =	sshll.u32 @!p1 s12, $0x3;
	s20 =	sand.u32 @!p1 $0x380, s20  }
0x40: {  	s22 =	sand.u32 @!p1 $0x400, s22;
	s20 =	sor.u32 @!p1 s20, s21;
	s21 =	sshll.u32 @!p1 s14, $0xB  }
0x41: {  	s20 =	sor.u32 @!p1 s22, s20;
	s22 =	sand.u32 @!p1 $0x700, s12;
	s21 =	sadd.s32 @!p1 s6, s21  }
0x42: {  	s19 =	sshll.u32 @!p1 s19, $0xE;
	s21 =	sadd.s32 @!p1 s22, s21;
	s22 =	sand.u32 @!p1 $0x7, s12  }
0x43: {  	s19 =	sand.u32 @!p1 $0x4000, s19;
	s20 =	sshrl.u32 @!p1 s20, $0x3;
	s22 =	sshll.u32 @!p1 s22, $0x12  }
0x44: {  	s20 =	sadd.s32 @!p1 s20, s21;
	s21 =	sor.u32 @!p1 $0x80, s22;
	s22 =	simm.s32 @!p1 $0x4000  }
0x45: {  	[tilespmem:s19], [sflag:$0x1] =	stream.strided.gather @!p1 [hbm4b:s20+s21], $0x4000, s22, s21, $0x38;
	[tilespmem:$0x10100] =	vst v63  }
0x46: {  	p1 =	sge.u32 s31, s5  }
.Ltmp2:
0x47: {  	_ = 	snop;
	(pc) =	sbr.rel @p1 .LBB1_5-.Ltmp2, $1  }
0x48: {  	_ =	sdelay $0x3  }
0x49: {  	s19 =	simm.s32 $0x1  }
0x4a: {  	_ =	swait.ge [sflag:s4], $0x4000;
	s19 =	simm.s32 @!p0 $0x0  }
0x4b: {  	[sflag:s4] =	ssyncset.done $0x0;
	s20 =	sshll.u32 s19, $0xE  }
0x4c: {  	[sflag:s4] =	ssyncadd.s32 $0xFFFFC000;
	s20 =	sor.u32 $0x40, s20  }
0x4d: {  	s19 =	smul.u32 $0x10200, s19;
	v0 =	vld [tilespmem:s20+$0x30]  }
0x4e: {  	v1 =	vld [tilespmem:s20+$0xFFFFFFD0]  }
0x4f: {  	s19 =	sshrl.u32 s19, $0x2;
	v5 =	vld [tilespmem:s20+$0xFFFFFFE0]  }
0x50: {  	v6 =	vld [tilespmem:s20+$0xFFFFFFF0];
	s22 =	sor.u32 $0x8000, s19  }
0x51: {  	s31 =	sand.u32 $0x1, s15;
	v4 =	vld [tilespmem:s20+$0x0];
	s21 =	sadd.s32 $0x0, s22  }
0x52: {  	v3 =	vld [tilespmem:s20+$0x10];
	s19 =	smul.u32 $0x10200, s31;
	[tilespmem:s21+$0x3870 ss:$0x81] =	vst.msk $0xffff, v0  }
0x53: {  	v2 =	vld [tilespmem:s20+$0x20];
	[tilespmem:s21+$0x810 ss:$0x81] =	vst.msk $0xffff, v1  }
0x54: {  	s19 =	sshrl.u32 s19, $0x2;
	v1 =	vld [tilespmem:s20+$0xFFFFFFC0];
	[tilespmem:s21+$0x1020 ss:$0x81] =	vst.msk $0xffff, v5;
	s20 =	sadd.s32 $0x80, s20  }
0x55: {  	s23 =	simm.s32 $0x4;
	s24 =	simm.s32 $0x8;
	s19 =	sor.u32 $0x8000, s19;
	[tilespmem:s21+$0x1830 ss:$0x81] =	vst.msk $0xffff, v6;
	v0 =	vld [tilespmem:s20+$0x30]  }
.LBB1_3:
0x56: {  	p1 =	sne.s32 s24, $0x1FC;
	v5 =	vld [tilespmem:s20+$0xFFFFFFD0];
	[tilespmem:s21+$0x2040 ss:$0x81] =	vst.msk $0xffff, v4  }
0x57: {  	v6 =	vld [tilespmem:s20+$0xFFFFFFE0];
	[tilespmem:s21+$0x2850 ss:$0x81] =	vst.msk $0xffff, v3  }
0x58: {  	s25 =	sshra.s32 s23, $0x2;
	s23 =	smov.u32 s24;
	v7 =	vld [tilespmem:s20+$0xFFFFFFF0];
	[tilespmem:s21+$0x3060 ss:$0x81] =	vst.msk $0xffff, v2  }
.Ltmp3:
0x59: {  	v4 =	vld [tilespmem:s20+$0x0];
	[tilespmem:s21+$0x0 ss:$0x81] =	vst.msk $0xffff, v1;
	s21 =	sadd.s32 s25, s22;
	(pc) =	sbr.rel @p1 .LBB1_3-.Ltmp3, $4  }
0x5a: {  	v3 =	vld [tilespmem:s20+$0x10];
	[tilespmem:s21+$0x3870 ss:$0x81] =	vst.msk $0xffff, v0  }
0x5b: {  	[tilespmem:s21+$0x810 ss:$0x81] =	vst.msk $0xffff, v5;
	v2 =	vld [tilespmem:s20+$0x20]  }
0x5c: {  	v1 =	vld [tilespmem:s20+$0xFFFFFFC0];
	[tilespmem:s21+$0x1020 ss:$0x81] =	vst.msk $0xffff, v6;
	s20 =	sadd.s32 $0x80, s20  }
0x5d: {  	s24 =	sadd.s32 $0x4, s24;
	v0 =	vld [tilespmem:s20+$0x30];
	[tilespmem:s21+$0x1830 ss:$0x81] =	vst.msk $0xffff, v7  }
.Ltmp4:
0x5e: {  	_ = 	snop;
	(pc) =	sbr.rel .LBB1_4-.Ltmp4, $1  }
0x5f: {  	_ =	sdelay $0x3  }
.LBB1_6:
0x60: {  	_ =	sfence.sel $0x180000  }
0x61: {  	s2 =	simm.s32 $0x1;
	[bflag:$0x0] =	sbarrier.arrive $0xFFFF  }
0x62: {  	s31 =	simm.s32 $0x2;
	[sflag:s2] =	ssyncpa.u1 $0x1  }
0x63: {  	[sflag:s31] =	ssyncpa.u1 $0x1  }
0x64: {  	p0 =	sne.s32 s0, $0x0;
	_ =	strace $0x9000004A  }
0x65: {  	s0 =	sadd.s32 @!p0 $0x100000, s1;
	[bflag:$0x2] =	sbarrier.arrive $0xFFFF  }
0x66: {  	[sflag:s0] =	ssyncadd.tile.s32 @!p0 $0x1;
	_ =	shalt  }
.Lfunc_end1:
_tile_overlayer_lowered:
.L_overlay_start_2:
0x67: {  	(tag) =	ssettag $0x2  }
0x68: {  	s0 =	rddreg [dreg:$0x0];
	s2 =	stileid.u32  }
0x69: {  	s1 =	rddreg [dreg:$0x1];
	p0 =	sne.s32 s2, $0x0  }
0x6a: {  	s3 =	rddreg [dreg:$0x2];
	[bflag:$0x3] =	sbarrier.arrive $0xFFFF;
	s2 =	simm.s32 @!p0 $0x1C01  }
0x6b: {  	[timem:s3], [sflag:s2] =	dma.local @!p0 [hbm:s0], s1  }
0x6c: {  	s0 =	simm.s32 @!p0 $0x1  }
0x6d: {  	_ =	swait.ge @!p0 [sflag:s0], s1  }
0x6e: {  	s1 =	ssub.s32 @!p0 $0x0, s1;
	[sflag:s0] =	ssyncset.done @!p0 $0x0  }
0x6f: {  	[sflag:s0] =	ssyncadd.s32 @!p0 s1  }
0x70: {  	[bflag:$0x3] =	sbarrier.arrive $0xFFFF  }
0x71: {  	_ =	shalt  }

</sc_bundles>
